<compile_context>
chip_gen: v7x
topology: tpu7x:2x2x1
jax: 0.10.2.dev20260603
libtpu: 0.0.44.dev20260713+nightly
codegen_flags: <defaults>
</compile_context>

<pallas_src>
import dataclasses
import functools

import jax
import jax.numpy as jnp
from jax import lax
from jax.experimental import pallas as pl
from jax.experimental.pallas import tpu as pltpu
from jax.experimental.pallas import tpu_sc as plsc

NUM_NODES = 100000
MEM = 256
RAW = 128
TDIM = 128
B = 16384
H3 = 3 * MEM

_L = 16
_NC, _NS = 2, 16
_NW = _NC * _NS
_CH = 64

_mesh = plsc.VectorSubcoreMesh(core_axis_name="core", subcore_axis_name="subcore")

_sc_params = pltpu.CompilerParams()
if "needs_layout_passes" in pltpu.CompilerParams.__dataclass_fields__:
    _sc_params = dataclasses.replace(_sc_params, needs_layout_passes=False)


@functools.lru_cache(maxsize=None)
def _make_sc_gather(bt):
    bpw = bt // _NW
    nch = bpw // _CH

    @functools.partial(
        pl.kernel,
        out_type=[
            jax.ShapeDtypeStruct((bt, MEM), jnp.float32),
            jax.ShapeDtypeStruct((bt, MEM), jnp.float32),
            jax.ShapeDtypeStruct((bt, RAW), jnp.float32),
            jax.ShapeDtypeStruct((bt,), jnp.int32),
            jax.ShapeDtypeStruct((bt,), jnp.float32),
            jax.ShapeDtypeStruct((bt,), jnp.int32),
        ],
        mesh=_mesh,
        compiler_params=_sc_params,
        scratch_types=[
            pltpu.VMEM((bpw,), jnp.int32),
            pltpu.VMEM((bpw,), jnp.float32),
            pltpu.VMEM((bpw,), jnp.int32),
            pltpu.VMEM((bpw,), jnp.float32),
            pltpu.VMEM((bpw,), jnp.float32),
            pltpu.VMEM((bpw,), jnp.int32),
            pltpu.VMEM((2, _CH, MEM), jnp.float32),
            pltpu.VMEM((2, _CH, MEM), jnp.float32),
            pltpu.VMEM((2, _CH, RAW), jnp.float32),
        ] + [pltpu.SemaphoreType.DMA] * 16,
    )
    def sc_gather(nid_hbm, lut_hbm, rtt_hbm, dstt_hbm, mem_hbm, msg_hbm,
                  src_hbm, dstm_hbm, raw_hbm, lu_hbm, rt_hbm, dsti_hbm,
                  nid_v, lu_v, lui_v, rt_v, dstf_v, dsti_v,
                  srcb_v, dstb_v, rawb_v, *sems):
        (s_lu, s_rt, s_dst, s_wbs, s_g0, s_g1, s_g2, s_g3, s_g4, s_g5,
         s_w0, s_w1, s_w2, s_w3, s_w4, s_w5) = sems
        gsem = ((s_g0, s_g1, s_g2), (s_g3, s_g4, s_g5))
        wsem = ((s_w0, s_w1, s_w2), (s_w3, s_w4, s_w5))
        wid = lax.axis_index("subcore") * _NC + lax.axis_index("core")
        base = wid * bpw
        pltpu.sync_copy(nid_hbm.at[pl.ds(base, bpw)], nid_v)
        h_dst = pltpu.async_copy(dstt_hbm.at[nid_v], dstf_v, s_dst)
        h_lu = pltpu.async_copy(lut_hbm.at[nid_v], lu_v, s_lu)
        h_rt = pltpu.async_copy(rtt_hbm.at[nid_v], rt_v, s_rt)

        def fire(c):
            b = c % 2
            o = c * _CH
            return (
                pltpu.async_copy(mem_hbm.at[nid_v.at[pl.ds(o, _CH)]],
                                 srcb_v.at[b], gsem[b][0]),
                pltpu.async_copy(mem_hbm.at[dsti_v.at[pl.ds(o, _CH)]],
                                 dstb_v.at[b], gsem[b][1]),
                pltpu.async_copy(msg_hbm.at[nid_v.at[pl.ds(o, _CH)]],
                                 rawb_v.at[b], gsem[b][2]),
            )

        h_dst.wait()
        for j in range(bpw // _L):
            s = pl.ds(j * _L, _L)
            dsti_v[s] = dstf_v[s].astype(jnp.int32)
        g = {0: fire(0)}
        if nch > 1:
            g[1] = fire(1)
        wb_di = pltpu.async_copy(dsti_v, dsti_hbm.at[pl.ds(base, bpw)], s_wbs)
        h_lu.wait()
        for j in range(bpw // _L):
            s = pl.ds(j * _L, _L)
            lui_v[s] = lu_v[s].astype(jnp.int32)
        wb_lu = pltpu.async_copy(lui_v, lu_hbm.at[pl.ds(base, bpw)], s_wbs)
        h_rt.wait()
        wb_rt = pltpu.async_copy(rt_v, rt_hbm.at[pl.ds(base, bpw)], s_wbs)
        w = {}
        for c in range(nch):
            b = c % 2
            o = c * _CH
            for h in g.pop(c):
                h.wait()
            w[c] = (
                pltpu.async_copy(srcb_v.at[b], src_hbm.at[pl.ds(base + o, _CH)],
                                 wsem[b][0]),
                pltpu.async_copy(dstb_v.at[b], dstm_hbm.at[pl.ds(base + o, _CH)],
                                 wsem[b][1]),
                pltpu.async_copy(rawb_v.at[b], raw_hbm.at[pl.ds(base + o, _CH)],
                                 wsem[b][2]),
            )
            if c + 2 < nch:
                for h in w.pop(c):
                    h.wait()
                g[c + 2] = fire(c + 2)
        for c in sorted(w):
            for h in w.pop(c):
                h.wait()
        wb_di.wait()
        wb_lu.wait()
        wb_rt.wait()

    return sc_gather


def _gru_body(src_ref, dstm_ref, raw_ref, rt_ref, dsti_ref,
              wih_ref, whh_ref, bih_ref, bhh_ref, lw_ref, lb_ref, out_ref):
    s = src_ref[...]
    di = dsti_ref[...]
    m = (di != 0).astype(jnp.float32)
    te = jnp.cos(rt_ref[...] * lw_ref[...] + lb_ref[...])
    te = te * (di > 0).astype(jnp.float32)
    aggr = jnp.concatenate([s * m, dstm_ref[...] * m, raw_ref[...], te], axis=1)
    gi = jnp.dot(aggr.astype(jnp.bfloat16), wih_ref[...],
                 preferred_element_type=jnp.float32) + bih_ref[...]
    gh = jnp.dot(s.astype(jnp.bfloat16), whh_ref[...],
                 preferred_element_type=jnp.float32) + bhh_ref[...]
    r = jax.nn.sigmoid(gi[:, :MEM] + gh[:, :MEM])
    z = jax.nn.sigmoid(gi[:, MEM:2 * MEM] + gh[:, MEM:2 * MEM])
    n = jnp.tanh(gi[:, 2 * MEM:] + r * gh[:, 2 * MEM:])
    out_ref[...] = (1.0 - z) * n + z * s


_BK = 1024


@functools.lru_cache(maxsize=None)
def _make_tc_gru(bt):
    bk = min(_BK, bt)

    def tc_gru(src, dstm, raw, rt2, dsti2, wih_t, whh_t, bih2, bhh2, lw2, lb2):
        return pl.pallas_call(
            _gru_body,
            grid=(bt // bk,),
            in_specs=[
                pl.BlockSpec((bk, MEM), lambda i: (i, 0)),
                pl.BlockSpec((bk, MEM), lambda i: (i, 0)),
                pl.BlockSpec((bk, RAW), lambda i: (i, 0)),
                pl.BlockSpec((bk, 1), lambda i: (i, 0)),
                pl.BlockSpec((bk, 1), lambda i: (i, 0)),
                pl.BlockSpec((2 * MEM + RAW + TDIM, H3), lambda i: (0, 0)),
                pl.BlockSpec((MEM, H3), lambda i: (0, 0)),
                pl.BlockSpec((1, H3), lambda i: (0, 0)),
                pl.BlockSpec((1, H3), lambda i: (0, 0)),
                pl.BlockSpec((1, TDIM), lambda i: (0, 0)),
                pl.BlockSpec((1, TDIM), lambda i: (0, 0)),
            ],
            out_specs=pl.BlockSpec((bk, MEM), lambda i: (i, 0)),
            out_shape=jax.ShapeDtypeStruct((bt, MEM), jnp.float32),
        )(src, dstm, raw, rt2, dsti2, wih_t, whh_t, bih2, bhh2, lw2, lb2)

    return tc_gru


_NSPLIT = 1


def kernel(n_id, memory_ints, memory, memory_msg, lin_W, lin_b, W_ih, W_hh, b_ih, b_hh):
    wih_t = W_ih.T.astype(jnp.bfloat16)
    whh_t = W_hh.T.astype(jnp.bfloat16)
    bih2 = b_ih.reshape(1, H3)
    bhh2 = b_hh.reshape(1, H3)
    lw2 = lin_W.reshape(1, TDIM)
    lb2 = lin_b.reshape(1, TDIM)
    bh = B // _NSPLIT
    sc = _make_sc_gather(bh)
    tc = _make_tc_gru(bh)
    lut = memory_ints[:, 0]
    rtt = memory_ints[:, 1]
    dstt = memory_ints[:, 2]
    gathered = [sc(n_id[h * bh:(h + 1) * bh], lut, rtt, dstt, memory, memory_msg)
                for h in range(_NSPLIT)]
    news, lus = [], []
    for src, dstm, raw, lu, rt, dsti in gathered:
        news.append(tc(src, dstm, raw, rt.reshape(bh, 1), dsti.reshape(bh, 1),
                       wih_t, whh_t, bih2, bhh2, lw2, lb2))
        lus.append(lu)
    new_memory = jnp.concatenate(news, axis=0) if _NSPLIT > 1 else news[0]
    last_update = jnp.concatenate(lus) if _NSPLIT > 1 else lus[0]
    return new_memory, last_update

# --- scband reference (transcript-rebuilt; emitter-appended) ---
"""Pipeline reference for scband-tgnmemory-6339371729528 (READ-ONLY COPY).

The authoritative reference and input builder live on the scoring server;
editing this copy changes nothing except your own understanding.
"""

import jax, jax.numpy as jnp
import numpy as np

NUM_NODES = 100000
MEM = 256
RAW = 128
TDIM = 128
B = 16384
GRU_IN = 2 * MEM + RAW + TDIM  # 768


def setup_inputs(seed: int = 0) -> dict:
    key = jax.random.key(seed)
    ks = jax.random.split(key, 12)
    n_id = jax.random.randint(ks[0], (B,), 0, NUM_NODES, dtype=jnp.int32)
    # state buffers (num_nodes + 1 rows). _memory_ints stores
    # [last_update, rel_t, dst_id] as floats (as in the torch buffer).
    last_update = jax.random.randint(ks[1], (NUM_NODES + 1,), 0, 1000, dtype=jnp.int32)
    rel_t = jax.random.randint(ks[2], (NUM_NODES + 1,), 0, 1000, dtype=jnp.int32)
    dst_id = jax.random.randint(ks[3], (NUM_NODES + 1,), 0, NUM_NODES, dtype=jnp.int32)
    memory_ints = jnp.stack([last_update, rel_t, dst_id], axis=1).astype(jnp.float32)
    memory = jax.random.normal(ks[4], (NUM_NODES + 1, MEM), dtype=jnp.float32) * 0.1
    memory_msg = jax.random.normal(ks[5], (NUM_NODES + 1, RAW), dtype=jnp.float32) * 0.1
    # TimeEncoder: Linear(1 -> TDIM)
    lin_W = jax.random.normal(ks[6], (TDIM, 1), dtype=jnp.float32)
    lin_b = jax.random.normal(ks[7], (TDIM,), dtype=jnp.float32) * 0.1
    # GRUCell weights (torch layout: [3H, in], [3H, H])
    s_i = 1.0 / np.sqrt(MEM)
    W_ih = jax.random.uniform(ks[8], (3 * MEM, GRU_IN), minval=-s_i, maxval=s_i, dtype=jnp.float32)
    W_hh = jax.random.uniform(ks[9], (3 * MEM, MEM), minval=-s_i, maxval=s_i, dtype=jnp.float32)
    b_ih = jax.random.uniform(ks[10], (3 * MEM,), minval=-s_i, maxval=s_i, dtype=jnp.float32)
    b_hh = jax.random.uniform(ks[11], (3 * MEM,), minval=-s_i, maxval=s_i, dtype=jnp.float32)
    return {
        "n_id": n_id,
        "memory_ints": memory_ints,
        "memory": memory,
        "memory_msg": memory_msg,
        "lin_W": lin_W,
        "lin_b": lin_b,
        "W_ih": W_ih,
        "W_hh": W_hh,
        "b_ih": b_ih,
        "b_hh": b_hh,
    }


def _gru_cell(x, h, W_ih, W_hh, b_ih, b_hh):
    gi = x @ W_ih.T + b_ih
    gh = h @ W_hh.T + b_hh
    i_r, i_z, i_n = jnp.split(gi, 3, axis=1)
    h_r, h_z, h_n = jnp.split(gh, 3, axis=1)
    r = jax.nn.sigmoid(i_r + h_r)
    z = jax.nn.sigmoid(i_z + h_z)
    n = jnp.tanh(i_n + r * h_n)
    return (1.0 - z) * n + z * h


def reference(n_id, memory_ints, memory, memory_msg, lin_W, lin_b, W_ih, W_hh, b_ih, b_hh):
    # __get_memory__(n_id, updated=True) path (module in training mode)
    mi = memory_ints[n_id].astype(jnp.int32)
    last_update = mi[:, 0]
    rel_t = mi[:, 1].astype(jnp.float32)
    dst_id = mi[:, 2]
    dst_memory = memory[dst_id]
    # TimeEncoder: cos(Linear(rel_t))
    time_encoding = jnp.cos(rel_t.reshape(-1, 1) @ lin_W.T + lin_b)
    time_encoding = time_encoding * (dst_id[:, None] > 0)
    src_memory = memory[n_id]
    raw_msg = memory_msg[n_id]
    mask = (dst_id != 0).reshape(-1, 1).astype(jnp.float32)
    aggr = jnp.concatenate([src_memory * mask, dst_memory * mask, raw_msg, time_encoding], axis=1)
    new_memory = _gru_cell(aggr, src_memory, W_ih, W_hh, b_ih, b_hh)
    return new_memory, last_update

if __name__ == "__main__":
    import jax
    _d = setup_inputs()
    print(jax.jit(kernel)(*tuple(_d.values())))

</pallas_src>

<mosaic_0001>
#map = affine_map<(d0, d1) -> (0)>
#map1 = affine_map<(d0, d1) -> (0, 0)>
module attributes {stable_mosaic.version = 14 : i64} {
  func.func @sc_gather(%arg0: i32, %arg1: i32, %arg2: memref<16384xi32, #tpu.memory_space<hbm>>, %arg3: memref<100001xf32, #tpu.memory_space<hbm>>, %arg4: memref<100001xf32, #tpu.memory_space<hbm>>, %arg5: memref<100001xf32, #tpu.memory_space<hbm>>, %arg6: memref<100001x256xf32, #tpu.memory_space<hbm>>, %arg7: memref<100001x128xf32, #tpu.memory_space<hbm>>, %arg8: memref<16384x256xf32, #tpu.memory_space<hbm>>, %arg9: memref<16384x256xf32, #tpu.memory_space<hbm>>, %arg10: memref<16384x128xf32, #tpu.memory_space<hbm>>, %arg11: memref<16384xi32, #tpu.memory_space<hbm>>, %arg12: memref<16384xf32, #tpu.memory_space<hbm>>, %arg13: memref<16384xi32, #tpu.memory_space<hbm>>, %arg14: memref<512xi32, #tpu.memory_space<vmem>>, %arg15: memref<512xf32, #tpu.memory_space<vmem>>, %arg16: memref<512xi32, #tpu.memory_space<vmem>>, %arg17: memref<512xf32, #tpu.memory_space<vmem>>, %arg18: memref<512xf32, #tpu.memory_space<vmem>>, %arg19: memref<512xi32, #tpu.memory_space<vmem>>, %arg20: memref<2x64x256xf32, #tpu.memory_space<vmem>>, %arg21: memref<2x64x256xf32, #tpu.memory_space<vmem>>, %arg22: memref<2x64x128xf32, #tpu.memory_space<vmem>>, %arg23: memref<!tpu.dma_semaphore, #tpu.memory_space<semaphore_mem>>, %arg24: memref<!tpu.dma_semaphore, #tpu.memory_space<semaphore_mem>>, %arg25: memref<!tpu.dma_semaphore, #tpu.memory_space<semaphore_mem>>, %arg26: memref<!tpu.dma_semaphore, #tpu.memory_space<semaphore_mem>>, %arg27: memref<!tpu.dma_semaphore, #tpu.memory_space<semaphore_mem>>, %arg28: memref<!tpu.dma_semaphore, #tpu.memory_space<semaphore_mem>>, %arg29: memref<!tpu.dma_semaphore, #tpu.memory_space<semaphore_mem>>, %arg30: memref<!tpu.dma_semaphore, #tpu.memory_space<semaphore_mem>>, %arg31: memref<!tpu.dma_semaphore, #tpu.memory_space<semaphore_mem>>, %arg32: memref<!tpu.dma_semaphore, #tpu.memory_space<semaphore_mem>>, %arg33: memref<!tpu.dma_semaphore, #tpu.memory_space<semaphore_mem>>, %arg34: memref<!tpu.dma_semaphore, #tpu.memory_space<semaphore_mem>>, %arg35: memref<!tpu.dma_semaphore, #tpu.memory_space<semaphore_mem>>, %arg36: memref<!tpu.dma_semaphore, #tpu.memory_space<semaphore_mem>>, %arg37: memref<!tpu.dma_semaphore, #tpu.memory_space<semaphore_mem>>, %arg38: memref<!tpu.dma_semaphore, #tpu.memory_space<semaphore_mem>>) attributes {dimension_semantics = [#tpu.dimension_semantics<core_parallel>, #tpu.dimension_semantics<subcore_parallel>], iteration_bounds = array<i64: 2, 16>, scalar_prefetch = 0 : i64, scratch_operands = 25 : i64, tpu.core_type = #tpu.core_type<sc_vector_subcore>, window_params = [{transform_indices = #map}, {transform_indices = #map}, {transform_indices = #map}, {transform_indices = #map}, {transform_indices = #map1}, {transform_indices = #map1}, {transform_indices = #map1}, {transform_indices = #map1}, {transform_indices = #map1}, {transform_indices = #map}, {transform_indices = #map}, {transform_indices = #map}]} {
    %mul3A = arith.constant 2 : i32
    %mul3A_0 = arith.muli %arg1, %mul3A : i32
    %add3A = arith.addi %mul3A_0, %arg0 : i32
    %mul3A_1 = arith.constant 512 : i32
    %mul3A_2 = arith.muli %add3A, %mul3A_1 : i32
    "tpu.region"() ({
      %run_scoped3A = tpu.sem_alloc : memref<!tpu.dma_semaphore, #tpu.memory_space<semaphore_mem>>
      %dma_start3A_1494 = tpu.memref_slice %arg2[%mul3A_2] : memref<16384xi32, #tpu.memory_space<hbm>> -> memref<512xi32, #tpu.memory_space<hbm>>
      %dma_start3A_1495 = tpu.memref_slice %arg2[%mul3A_2] : memref<16384xi32, #tpu.memory_space<hbm>> -> memref<512xi32, #tpu.memory_space<hbm>>
      tpu.enqueue_dma source(%dma_start3A_1495 : memref<512xi32, #tpu.memory_space<hbm>>) target(%arg14 : memref<512xi32, #tpu.memory_space<vmem>>) target_semaphore(%run_scoped3A : memref<!tpu.dma_semaphore, #tpu.memory_space<semaphore_mem>>)
      %dma_wait3A_1496 = tpu.memref_slice %arg2[%mul3A_2] : memref<16384xi32, #tpu.memory_space<hbm>> -> memref<512xi32, #tpu.memory_space<hbm>>
      %dma_wait3A_1497 = tpu.memref_slice %arg2[%mul3A_2] : memref<16384xi32, #tpu.memory_space<hbm>> -> memref<512xi32, #tpu.memory_space<hbm>>
      tpu.wait_dma2 semaphore(%run_scoped3A : memref<!tpu.dma_semaphore, #tpu.memory_space<semaphore_mem>>) src(%dma_wait3A_1497 : memref<512xi32, #tpu.memory_space<hbm>>) dst(%arg14 : memref<512xi32, #tpu.memory_space<vmem>>)
      tpu.yield
    }) : () -> ()
    %dma_start3A = arith.constant 0 : i32
    %dma_start3A_3 = tpu.memref_slice %arg5[%dma_start3A] : memref<100001xf32, #tpu.memory_space<hbm>> -> memref<100001xf32, #tpu.memory_space<hbm>>
    tpu.enqueue_indirect_dma source(%dma_start3A_3 : memref<100001xf32, #tpu.memory_space<hbm>>) target(%arg18 : memref<512xf32, #tpu.memory_space<vmem>>) offsets(%arg14 : memref<512xi32, #tpu.memory_space<vmem>>) semaphore(%arg25 : memref<!tpu.dma_semaphore, #tpu.memory_space<semaphore_mem>>)
    %dma_start3A_4 = arith.constant 0 : i32
    %dma_start3A_5 = tpu.memref_slice %arg3[%dma_start3A_4] : memref<100001xf32, #tpu.memory_space<hbm>> -> memref<100001xf32, #tpu.memory_space<hbm>>
    tpu.enqueue_indirect_dma source(%dma_start3A_5 : memref<100001xf32, #tpu.memory_space<hbm>>) target(%arg15 : memref<512xf32, #tpu.memory_space<vmem>>) offsets(%arg14 : memref<512xi32, #tpu.memory_space<vmem>>) semaphore(%arg23 : memref<!tpu.dma_semaphore, #tpu.memory_space<semaphore_mem>>)
    %dma_start3A_6 = arith.constant 0 : i32
    %dma_start3A_7 = tpu.memref_slice %arg4[%dma_start3A_6] : memref<100001xf32, #tpu.memory_space<hbm>> -> memref<100001xf32, #tpu.memory_space<hbm>>
    tpu.enqueue_indirect_dma source(%dma_start3A_7 : memref<100001xf32, #tpu.memory_space<hbm>>) target(%arg17 : memref<512xf32, #tpu.memory_space<vmem>>) offsets(%arg14 : memref<512xi32, #tpu.memory_space<vmem>>) semaphore(%arg24 : memref<!tpu.dma_semaphore, #tpu.memory_space<semaphore_mem>>)
    %dma_wait3A = arith.constant 0 : i32
    %dma_wait3A_8 = tpu.memref_slice %arg5[%dma_wait3A] : memref<100001xf32, #tpu.memory_space<hbm>> -> memref<100001xf32, #tpu.memory_space<hbm>>
    tpu.wait_indirect_dma semaphore(%arg25 : memref<!tpu.dma_semaphore, #tpu.memory_space<semaphore_mem>>) src(%dma_wait3A_8 : memref<100001xf32, #tpu.memory_space<hbm>>) dst(%arg18 : memref<512xf32, #tpu.memory_space<vmem>>)
    %get3A = arith.constant 0 : index
    %get3A_9 = tpu.vector_load %arg18[%get3A] {strides = array<i32>} : memref<512xf32, #tpu.memory_space<vmem>>, vector<16xf32>,
    %convert_element_type3A = arith.fptosi %get3A_9 : vector<16xf32> to vector<16xi32>
    %swap3A = arith.constant 0 : index
    %swap3A_10 = tpu.vector_load %arg19[%swap3A] {strides = array<i32>} : memref<512xi32, #tpu.memory_space<vmem>>, vector<16xi32>,
    tpu.vector_store %arg19[%swap3A], %convert_element_type3A {strides = array<i32>} : memref<512xi32, #tpu.memory_space<vmem>>, vector<16xi32>,
    %get3A_11 = arith.constant 16 : index
    %get3A_12 = tpu.vector_load %arg18[%get3A_11] {strides = array<i32>} : memref<512xf32, #tpu.memory_space<vmem>>, vector<16xf32>,
    %convert_element_type3A_13 = arith.fptosi %get3A_12 : vector<16xf32> to vector<16xi32>
    %swap3A_14 = arith.constant 16 : index
    %swap3A_15 = tpu.vector_load %arg19[%swap3A_14] {strides = array<i32>} : memref<512xi32, #tpu.memory_space<vmem>>, vector<16xi32>,
    tpu.vector_store %arg19[%swap3A_14], %convert_element_type3A_13 {strides = array<i32>} : memref<512xi32, #tpu.memory_space<vmem>>, vector<16xi32>,
    %get3A_16 = arith.constant 32 : index
    %get3A_17 = tpu.vector_load %arg18[%get3A_16] {strides = array<i32>} : memref<512xf32, #tpu.memory_space<vmem>>, vector<16xf32>,
    %convert_element_type3A_18 = arith.fptosi %get3A_17 : vector<16xf32> to vector<16xi32>
    %swap3A_19 = arith.constant 32 : index
    %swap3A_20 = tpu.vector_load %arg19[%swap3A_19] {strides = array<i32>} : memref<512xi32, #tpu.memory_space<vmem>>, vector<16xi32>,
    tpu.vector_store %arg19[%swap3A_19], %convert_element_type3A_18 {strides = array<i32>} : memref<512xi32, #tpu.memory_space<vmem>>, vector<16xi32>,
    %get3A_21 = arith.constant 48 : index
    %get3A_22 = tpu.vector_load %arg18[%get3A_21] {strides = array<i32>} : memref<512xf32, #tpu.memory_space<vmem>>, vector<16xf32>,
    %convert_element_type3A_23 = arith.fptosi %get3A_22 : vector<16xf32> to vector<16xi32>
    %swap3A_24 = arith.constant 48 : index
    %swap3A_25 = tpu.vector_load %arg19[%swap3A_24] {strides = array<i32>} : memref<512xi32, #tpu.memory_space<vmem>>, vector<16xi32>,
    tpu.vector_store %arg19[%swap3A_24], %convert_element_type3A_23 {strides = array<i32>} : memref<512xi32, #tpu.memory_space<vmem>>, vector<16xi32>,
    %get3A_26 = arith.constant 64 : index
    %get3A_27 = tpu.vector_load %arg18[%get3A_26] {strides = array<i32>} : memref<512xf32, #tpu.memory_space<vmem>>, vector<16xf32>,
    %convert_element_type3A_28 = arith.fptosi %get3A_27 : vector<16xf32> to vector<16xi32>
    %swap3A_29 = arith.constant 64 : index
    %swap3A_30 = tpu.vector_load %arg19[%swap3A_29] {strides = array<i32>} : memref<512xi32, #tpu.memory_space<vmem>>, vector<16xi32>,
    tpu.vector_store %arg19[%swap3A_29], %convert_element_type3A_28 {strides = array<i32>} : memref<512xi32, #tpu.memory_space<vmem>>, vector<16xi32>,
    %get3A_31 = arith.constant 80 : index
    %get3A_32 = tpu.vector_load %arg18[%get3A_31] {strides = array<i32>} : memref<512xf32, #tpu.memory_space<vmem>>, vector<16xf32>,
    %convert_element_type3A_33 = arith.fptosi %get3A_32 : vector<16xf32> to vector<16xi32>
    %swap3A_34 = arith.constant 80 : index
    %swap3A_35 = tpu.vector_load %arg19[%swap3A_34] {strides = array<i32>} : memref<512xi32, #tpu.memory_space<vmem>>, vector<16xi32>,
    tpu.vector_store %arg19[%swap3A_34], %convert_element_type3A_33 {strides = array<i32>} : memref<512xi32, #tpu.memory_space<vmem>>, vector<16xi32>,
    %get3A_36 = arith.constant 96 : index
    %get3A_37 = tpu.vector_load %arg18[%get3A_36] {strides = array<i32>} : memref<512xf32, #tpu.memory_space<vmem>>, vector<16xf32>,
    %convert_element_type3A_38 = arith.fptosi %get3A_37 : vector<16xf32> to vector<16xi32>
    %swap3A_39 = arith.constant 96 : index
    %swap3A_40 = tpu.vector_load %arg19[%swap3A_39] {strides = array<i32>} : memref<512xi32, #tpu.memory_space<vmem>>, vector<16xi32>,
    tpu.vector_store %arg19[%swap3A_39], %convert_element_type3A_38 {strides = array<i32>} : memref<512xi32, #tpu.memory_space<vmem>>, vector<16xi32>,
    %get3A_41 = arith.constant 112 : index
    %get3A_42 = tpu.vector_load %arg18[%get3A_41] {strides = array<i32>} : memref<512xf32, #tpu.memory_space<vmem>>, vector<16xf32>,
    %convert_element_type3A_43 = arith.fptosi %get3A_42 : vector<16xf32> to vector<16xi32>
    %swap3A_44 = arith.constant 112 : index
    %swap3A_45 = tpu.vector_load %arg19[%swap3A_44] {strides = array<i32>} : memref<512xi32, #tpu.memory_space<vmem>>, vector<16xi32>,
    tpu.vector_store %arg19[%swap3A_44], %convert_element_type3A_43 {strides = array<i32>} : memref<512xi32, #tpu.memory_space<vmem>>, vector<16xi32>,
    %get3A_46 = arith.constant 128 : index
    %get3A_47 = tpu.vector_load %arg18[%get3A_46] {strides = array<i32>} : memref<512xf32, #tpu.memory_space<vmem>>, vector<16xf32>,
    %convert_element_type3A_48 = arith.fptosi %get3A_47 : vector<16xf32> to vector<16xi32>
    %swap3A_49 = arith.constant 128 : index
    %swap3A_50 = tpu.vector_load %arg19[%swap3A_49] {strides = array<i32>} : memref<512xi32, #tpu.memory_space<vmem>>, vector<16xi32>,
    tpu.vector_store %arg19[%swap3A_49], %convert_element_type3A_48 {strides = array<i32>} : memref<512xi32, #tpu.memory_space<vmem>>, vector<16xi32>,
    %get3A_51 = arith.constant 144 : index
    %get3A_52 = tpu.vector_load %arg18[%get3A_51] {strides = array<i32>} : memref<512xf32, #tpu.memory_space<vmem>>, vector<16xf32>,
    %convert_element_type3A_53 = arith.fptosi %get3A_52 : vector<16xf32> to vector<16xi32>
    %swap3A_54 = arith.constant 144 : index
    %swap3A_55 = tpu.vector_load %arg19[%swap3A_54] {strides = array<i32>} : memref<512xi32, #tpu.memory_space<vmem>>, vector<16xi32>,
    tpu.vector_store %arg19[%swap3A_54], %convert_element_type3A_53 {strides = array<i32>} : memref<512xi32, #tpu.memory_space<vmem>>, vector<16xi32>,
    %get3A_56 = arith.constant 160 : index
    %get3A_57 = tpu.vector_load %arg18[%get3A_56] {strides = array<i32>} : memref<512xf32, #tpu.memory_space<vmem>>, vector<16xf32>,
    %convert_element_type3A_58 = arith.fptosi %get3A_57 : vector<16xf32> to vector<16xi32>
    %swap3A_59 = arith.constant 160 : index
    %swap3A_60 = tpu.vector_load %arg19[%swap3A_59] {strides = array<i32>} : memref<512xi32, #tpu.memory_space<vmem>>, vector<16xi32>,
    tpu.vector_store %arg19[%swap3A_59], %convert_element_type3A_58 {strides = array<i32>} : memref<512xi32, #tpu.memory_space<vmem>>, vector<16xi32>,
    %get3A_61 = arith.constant 176 : index
    %get3A_62 = tpu.vector_load %arg18[%get3A_61] {strides = array<i32>} : memref<512xf32, #tpu.memory_space<vmem>>, vector<16xf32>,
    %convert_element_type3A_63 = arith.fptosi %get3A_62 : vector<16xf32> to vector<16xi32>
    %swap3A_64 = arith.constant 176 : index
    %swap3A_65 = tpu.vector_load %arg19[%swap3A_64] {strides = array<i32>} : memref<512xi32, #tpu.memory_space<vmem>>, vector<16xi32>,
    tpu.vector_store %arg19[%swap3A_64], %convert_element_type3A_63 {strides = array<i32>} : memref<512xi32, #tpu.memory_space<vmem>>, vector<16xi32>,
    %get3A_66 = arith.constant 192 : index
    %get3A_67 = tpu.vector_load %arg18[%get3A_66] {strides = array<i32>} : memref<512xf32, #tpu.memory_space<vmem>>, vector<16xf32>,
    %convert_element_type3A_68 = arith.fptosi %get3A_67 : vector<16xf32> to vector<16xi32>
    %swap3A_69 = arith.constant 192 : index
    %swap3A_70 = tpu.vector_load %arg19[%swap3A_69] {strides = array<i32>} : memref<512xi32, #tpu.memory_space<vmem>>, vector<16xi32>,
    tpu.vector_store %arg19[%swap3A_69], %convert_element_type3A_68 {strides = array<i32>} : memref<512xi32, #tpu.memory_space<vmem>>, vector<16xi32>,
    %get3A_71 = arith.constant 208 : index
    %get3A_72 = tpu.vector_load %arg18[%get3A_71] {strides = array<i32>} : memref<512xf32, #tpu.memory_space<vmem>>, vector<16xf32>,
    %convert_element_type3A_73 = arith.fptosi %get3A_72 : vector<16xf32> to vector<16xi32>
    %swap3A_74 = arith.constant 208 : index
    %swap3A_75 = tpu.vector_load %arg19[%swap3A_74] {strides = array<i32>} : memref<512xi32, #tpu.memory_space<vmem>>, vector<16xi32>,
    tpu.vector_store %arg19[%swap3A_74], %convert_element_type3A_73 {strides = array<i32>} : memref<512xi32, #tpu.memory_space<vmem>>, vector<16xi32>,
    %get3A_76 = arith.constant 224 : index
    %get3A_77 = tpu.vector_load %arg18[%get3A_76] {strides = array<i32>} : memref<512xf32, #tpu.memory_space<vmem>>, vector<16xf32>,
    %convert_element_type3A_78 = arith.fptosi %get3A_77 : vector<16xf32> to vector<16xi32>
    %swap3A_79 = arith.constant 224 : index
    %swap3A_80 = tpu.vector_load %arg19[%swap3A_79] {strides = array<i32>} : memref<512xi32, #tpu.memory_space<vmem>>, vector<16xi32>,
    tpu.vector_store %arg19[%swap3A_79], %convert_element_type3A_78 {strides = array<i32>} : memref<512xi32, #tpu.memory_space<vmem>>, vector<16xi32>,
    %get3A_81 = arith.constant 240 : index
    %get3A_82 = tpu.vector_load %arg18[%get3A_81] {strides = array<i32>} : memref<512xf32, #tpu.memory_space<vmem>>, vector<16xf32>,
    %convert_element_type3A_83 = arith.fptosi %get3A_82 : vector<16xf32> to vector<16xi32>
    %swap3A_84 = arith.constant 240 : index
    %swap3A_85 = tpu.vector_load %arg19[%swap3A_84] {strides = array<i32>} : memref<512xi32, #tpu.memory_space<vmem>>, vector<16xi32>,
    tpu.vector_store %arg19[%swap3A_84], %convert_element_type3A_83 {strides = array<i32>} : memref<512xi32, #tpu.memory_space<vmem>>, vector<16xi32>,
    %get3A_86 = arith.constant 256 : index
    %get3A_87 = tpu.vector_load %arg18[%get3A_86] {strides = array<i32>} : memref<512xf32, #tpu.memory_space<vmem>>, vector<16xf32>,
    %convert_element_type3A_88 = arith.fptosi %get3A_87 : vector<16xf32> to vector<16xi32>
    %swap3A_89 = arith.constant 256 : index
    %swap3A_90 = tpu.vector_load %arg19[%swap3A_89] {strides = array<i32>} : memref<512xi32, #tpu.memory_space<vmem>>, vector<16xi32>,
    tpu.vector_store %arg19[%swap3A_89], %convert_element_type3A_88 {strides = array<i32>} : memref<512xi32, #tpu.memory_space<vmem>>, vector<16xi32>,
    %get3A_91 = arith.constant 272 : index
    %get3A_92 = tpu.vector_load %arg18[%get3A_91] {strides = array<i32>} : memref<512xf32, #tpu.memory_space<vmem>>, vector<16xf32>,
    %convert_element_type3A_93 = arith.fptosi %get3A_92 : vector<16xf32> to vector<16xi32>
    %swap3A_94 = arith.constant 272 : index
    %swap3A_95 = tpu.vector_load %arg19[%swap3A_94] {strides = array<i32>} : memref<512xi32, #tpu.memory_space<vmem>>, vector<16xi32>,
    tpu.vector_store %arg19[%swap3A_94], %convert_element_type3A_93 {strides = array<i32>} : memref<512xi32, #tpu.memory_space<vmem>>, vector<16xi32>,
    %get3A_96 = arith.constant 288 : index
    %get3A_97 = tpu.vector_load %arg18[%get3A_96] {strides = array<i32>} : memref<512xf32, #tpu.memory_space<vmem>>, vector<16xf32>,
    %convert_element_type3A_98 = arith.fptosi %get3A_97 : vector<16xf32> to vector<16xi32>
    %swap3A_99 = arith.constant 288 : index
    %swap3A_100 = tpu.vector_load %arg19[%swap3A_99] {strides = array<i32>} : memref<512xi32, #tpu.memory_space<vmem>>, vector<16xi32>,
    tpu.vector_store %arg19[%swap3A_99], %convert_element_type3A_98 {strides = array<i32>} : memref<512xi32, #tpu.memory_space<vmem>>, vector<16xi32>,
    %get3A_101 = arith.constant 304 : index
    %get3A_102 = tpu.vector_load %arg18[%get3A_101] {strides = array<i32>} : memref<512xf32, #tpu.memory_space<vmem>>, vector<16xf32>,
    %convert_element_type3A_103 = arith.fptosi %get3A_102 : vector<16xf32> to vector<16xi32>
    %swap3A_104 = arith.constant 304 : index
    %swap3A_105 = tpu.vector_load %arg19[%swap3A_104] {strides = array<i32>} : memref<512xi32, #tpu.memory_space<vmem>>, vector<16xi32>,
    tpu.vector_store %arg19[%swap3A_104], %convert_element_type3A_103 {strides = array<i32>} : memref<512xi32, #tpu.memory_space<vmem>>, vector<16xi32>,
    %get3A_106 = arith.constant 320 : index
    %get3A_107 = tpu.vector_load %arg18[%get3A_106] {strides = array<i32>} : memref<512xf32, #tpu.memory_space<vmem>>, vector<16xf32>,
    %convert_element_type3A_108 = arith.fptosi %get3A_107 : vector<16xf32> to vector<16xi32>
    %swap3A_109 = arith.constant 320 : index
    %swap3A_110 = tpu.vector_load %arg19[%swap3A_109] {strides = array<i32>} : memref<512xi32, #tpu.memory_space<vmem>>, vector<16xi32>,
    tpu.vector_store %arg19[%swap3A_109], %convert_element_type3A_108 {strides = array<i32>} : memref<512xi32, #tpu.memory_space<vmem>>, vector<16xi32>,
    %get3A_111 = arith.constant 336 : index
    %get3A_112 = tpu.vector_load %arg18[%get3A_111] {strides = array<i32>} : memref<512xf32, #tpu.memory_space<vmem>>, vector<16xf32>,
    %convert_element_type3A_113 = arith.fptosi %get3A_112 : vector<16xf32> to vector<16xi32>
    %swap3A_114 = arith.constant 336 : index
    %swap3A_115 = tpu.vector_load %arg19[%swap3A_114] {strides = array<i32>} : memref<512xi32, #tpu.memory_space<vmem>>, vector<16xi32>,
    tpu.vector_store %arg19[%swap3A_114], %convert_element_type3A_113 {strides = array<i32>} : memref<512xi32, #tpu.memory_space<vmem>>, vector<16xi32>,
    %get3A_116 = arith.constant 352 : index
    %get3A_117 = tpu.vector_load %arg18[%get3A_116] {strides = array<i32>} : memref<512xf32, #tpu.memory_space<vmem>>, vector<16xf32>,
    %convert_element_type3A_118 = arith.fptosi %get3A_117 : vector<16xf32> to vector<16xi32>
    %swap3A_119 = arith.constant 352 : index
    %swap3A_120 = tpu.vector_load %arg19[%swap3A_119] {strides = array<i32>} : memref<512xi32, #tpu.memory_space<vmem>>, vector<16xi32>,
    tpu.vector_store %arg19[%swap3A_119], %convert_element_type3A_118 {strides = array<i32>} : memref<512xi32, #tpu.memory_space<vmem>>, vector<16xi32>,
    %get3A_121 = arith.constant 368 : index
    %get3A_122 = tpu.vector_load %arg18[%get3A_121] {strides = array<i32>} : memref<512xf32, #tpu.memory_space<vmem>>, vector<16xf32>,
    %convert_element_type3A_123 = arith.fptosi %get3A_122 : vector<16xf32> to vector<16xi32>
    %swap3A_124 = arith.constant 368 : index
    %swap3A_125 = tpu.vector_load %arg19[%swap3A_124] {strides = array<i32>} : memref<512xi32, #tpu.memory_space<vmem>>, vector<16xi32>,
    tpu.vector_store %arg19[%swap3A_124], %convert_element_type3A_123 {strides = array<i32>} : memref<512xi32, #tpu.memory_space<vmem>>, vector<16xi32>,
    %get3A_126 = arith.constant 384 : index
    %get3A_127 = tpu.vector_load %arg18[%get3A_126] {strides = array<i32>} : memref<512xf32, #tpu.memory_space<vmem>>, vector<16xf32>,
    %convert_element_type3A_128 = arith.fptosi %get3A_127 : vector<16xf32> to vector<16xi32>
    %swap3A_129 = arith.constant 384 : index
    %swap3A_130 = tpu.vector_load %arg19[%swap3A_129] {strides = array<i32>} : memref<512xi32, #tpu.memory_space<vmem>>, vector<16xi32>,
    tpu.vector_store %arg19[%swap3A_129], %convert_element_type3A_128 {strides = array<i32>} : memref<512xi32, #tpu.memory_space<vmem>>, vector<16xi32>,
    %get3A_131 = arith.constant 400 : index
    %get3A_132 = tpu.vector_load %arg18[%get3A_131] {strides = array<i32>} : memref<512xf32, #tpu.memory_space<vmem>>, vector<16xf32>,
    %convert_element_type3A_133 = arith.fptosi %get3A_132 : vector<16xf32> to vector<16xi32>
    %swap3A_134 = arith.constant 400 : index
    %swap3A_135 = tpu.vector_load %arg19[%swap3A_134] {strides = array<i32>} : memref<512xi32, #tpu.memory_space<vmem>>, vector<16xi32>,
    tpu.vector_store %arg19[%swap3A_134], %convert_element_type3A_133 {strides = array<i32>} : memref<512xi32, #tpu.memory_space<vmem>>, vector<16xi32>,
    %get3A_136 = arith.constant 416 : index
    %get3A_137 = tpu.vector_load %arg18[%get3A_136] {strides = array<i32>} : memref<512xf32, #tpu.memory_space<vmem>>, vector<16xf32>,
    %convert_element_type3A_138 = arith.fptosi %get3A_137 : vector<16xf32> to vector<16xi32>
    %swap3A_139 = arith.constant 416 : index
    %swap3A_140 = tpu.vector_load %arg19[%swap3A_139] {strides = array<i32>} : memref<512xi32, #tpu.memory_space<vmem>>, vector<16xi32>,
    tpu.vector_store %arg19[%swap3A_139], %convert_element_type3A_138 {strides = array<i32>} : memref<512xi32, #tpu.memory_space<vmem>>, vector<16xi32>,
    %get3A_141 = arith.constant 432 : index
    %get3A_142 = tpu.vector_load %arg18[%get3A_141] {strides = array<i32>} : memref<512xf32, #tpu.memory_space<vmem>>, vector<16xf32>,
    %convert_element_type3A_143 = arith.fptosi %get3A_142 : vector<16xf32> to vector<16xi32>
    %swap3A_144 = arith.constant 432 : index
    %swap3A_145 = tpu.vector_load %arg19[%swap3A_144] {strides = array<i32>} : memref<512xi32, #tpu.memory_space<vmem>>, vector<16xi32>,
    tpu.vector_store %arg19[%swap3A_144], %convert_element_type3A_143 {strides = array<i32>} : memref<512xi32, #tpu.memory_space<vmem>>, vector<16xi32>,
    %get3A_146 = arith.constant 448 : index
    %get3A_147 = tpu.vector_load %arg18[%get3A_146] {strides = array<i32>} : memref<512xf32, #tpu.memory_space<vmem>>, vector<16xf32>,
    %convert_element_type3A_148 = arith.fptosi %get3A_147 : vector<16xf32> to vector<16xi32>
    %swap3A_149 = arith.constant 448 : index
    %swap3A_150 = tpu.vector_load %arg19[%swap3A_149] {strides = array<i32>} : memref<512xi32, #tpu.memory_space<vmem>>, vector<16xi32>,
    tpu.vector_store %arg19[%swap3A_149], %convert_element_type3A_148 {strides = array<i32>} : memref<512xi32, #tpu.memory_space<vmem>>, vector<16xi32>,
    %get3A_151 = arith.constant 464 : index
    %get3A_152 = tpu.vector_load %arg18[%get3A_151] {strides = array<i32>} : memref<512xf32, #tpu.memory_space<vmem>>, vector<16xf32>,
    %convert_element_type3A_153 = arith.fptosi %get3A_152 : vector<16xf32> to vector<16xi32>
    %swap3A_154 = arith.constant 464 : index
    %swap3A_155 = tpu.vector_load %arg19[%swap3A_154] {strides = array<i32>} : memref<512xi32, #tpu.memory_space<vmem>>, vector<16xi32>,
    tpu.vector_store %arg19[%swap3A_154], %convert_element_type3A_153 {strides = array<i32>} : memref<512xi32, #tpu.memory_space<vmem>>, vector<16xi32>,
    %get3A_156 = arith.constant 480 : index
    %get3A_157 = tpu.vector_load %arg18[%get3A_156] {strides = array<i32>} : memref<512xf32, #tpu.memory_space<vmem>>, vector<16xf32>,
    %convert_element_type3A_158 = arith.fptosi %get3A_157 : vector<16xf32> to vector<16xi32>
    %swap3A_159 = arith.constant 480 : index
    %swap3A_160 = tpu.vector_load %arg19[%swap3A_159] {strides = array<i32>} : memref<512xi32, #tpu.memory_space<vmem>>, vector<16xi32>,
    tpu.vector_store %arg19[%swap3A_159], %convert_element_type3A_158 {strides = array<i32>} : memref<512xi32, #tpu.memory_space<vmem>>, vector<16xi32>,
    %get3A_161 = arith.constant 496 : index
    %get3A_162 = tpu.vector_load %arg18[%get3A_161] {strides = array<i32>} : memref<512xf32, #tpu.memory_space<vmem>>, vector<16xf32>,
    %convert_element_type3A_163 = arith.fptosi %get3A_162 : vector<16xf32> to vector<16xi32>
    %swap3A_164 = arith.constant 496 : index
    %swap3A_165 = tpu.vector_load %arg19[%swap3A_164] {strides = array<i32>} : memref<512xi32, #tpu.memory_space<vmem>>, vector<16xi32>,
    tpu.vector_store %arg19[%swap3A_164], %convert_element_type3A_163 {strides = array<i32>} : memref<512xi32, #tpu.memory_space<vmem>>, vector<16xi32>,
    %dma_start3A_166 = arith.constant 0 : i32
    %dma_start3A_167 = arith.constant 0 : i32
    %dma_start3A_168 = arith.constant 0 : i32
    %dma_start3A_169 = tpu.memref_slice %arg20[%dma_start3A_166, %dma_start3A_167, %dma_start3A_168] : memref<2x64x256xf32, #tpu.memory_space<vmem>> -> memref<1x64x256xf32, #tpu.memory_space<vmem>>
    %dma_start3A_170 = tpu.memref_squeeze %dma_start3A_169 : memref<1x64x256xf32, #tpu.memory_space<vmem>> -> memref<64x256xf32, #tpu.memory_space<vmem>>
    %dma_start3A_171 = arith.constant 0 : i32
    %dma_start3A_172 = tpu.memref_slice %arg14[%dma_start3A_171] : memref<512xi32, #tpu.memory_space<vmem>> -> memref<64xi32, #tpu.memory_space<vmem>>
    %dma_start3A_173 = arith.constant 0 : i32
    %dma_start3A_174 = arith.constant 0 : i32
    %dma_start3A_175 = tpu.memref_slice %arg6[%dma_start3A_173, %dma_start3A_174] : memref<100001x256xf32, #tpu.memory_space<hbm>> -> memref<100001x256xf32, #tpu.memory_space<hbm>>
    tpu.enqueue_indirect_dma source(%dma_start3A_175 : memref<100001x256xf32, #tpu.memory_space<hbm>>) target(%dma_start3A_170 : memref<64x256xf32, #tpu.memory_space<vmem>>) offsets(%dma_start3A_172 : memref<64xi32, #tpu.memory_space<vmem>>) semaphore(%arg27 : memref<!tpu.dma_semaphore, #tpu.memory_space<semaphore_mem>>)
    %dma_start3A_176 = arith.constant 0 : i32
    %dma_start3A_177 = arith.constant 0 : i32
    %dma_start3A_178 = arith.constant 0 : i32
    %dma_start3A_179 = tpu.memref_slice %arg21[%dma_start3A_176, %dma_start3A_177, %dma_start3A_178] : memref<2x64x256xf32, #tpu.memory_space<vmem>> -> memref<1x64x256xf32, #tpu.memory_space<vmem>>
    %dma_start3A_180 = tpu.memref_squeeze %dma_start3A_179 : memref<1x64x256xf32, #tpu.memory_space<vmem>> -> memref<64x256xf32, #tpu.memory_space<vmem>>
    %dma_start3A_181 = arith.constant 0 : i32
    %dma_start3A_182 = tpu.memref_slice %arg19[%dma_start3A_181] : memref<512xi32, #tpu.memory_space<vmem>> -> memref<64xi32, #tpu.memory_space<vmem>>
    %dma_start3A_183 = arith.constant 0 : i32
    %dma_start3A_184 = arith.constant 0 : i32
    %dma_start3A_185 = tpu.memref_slice %arg6[%dma_start3A_183, %dma_start3A_184] : memref<100001x256xf32, #tpu.memory_space<hbm>> -> memref<100001x256xf32, #tpu.memory_space<hbm>>
    tpu.enqueue_indirect_dma source(%dma_start3A_185 : memref<100001x256xf32, #tpu.memory_space<hbm>>) target(%dma_start3A_180 : memref<64x256xf32, #tpu.memory_space<vmem>>) offsets(%dma_start3A_182 : memref<64xi32, #tpu.memory_space<vmem>>) semaphore(%arg28 : memref<!tpu.dma_semaphore, #tpu.memory_space<semaphore_mem>>)
    %dma_start3A_186 = arith.constant 0 : i32
    %dma_start3A_187 = arith.constant 0 : i32
    %dma_start3A_188 = arith.constant 0 : i32
    %dma_start3A_189 = tpu.memref_slice %arg22[%dma_start3A_186, %dma_start3A_187, %dma_start3A_188] : memref<2x64x128xf32, #tpu.memory_space<vmem>> -> memref<1x64x128xf32, #tpu.memory_space<vmem>>
    %dma_start3A_190 = tpu.memref_squeeze %dma_start3A_189 : memref<1x64x128xf32, #tpu.memory_space<vmem>> -> memref<64x128xf32, #tpu.memory_space<vmem>>
    %dma_start3A_191 = arith.constant 0 : i32
    %dma_start3A_192 = tpu.memref_slice %arg14[%dma_start3A_191] : memref<512xi32, #tpu.memory_space<vmem>> -> memref<64xi32, #tpu.memory_space<vmem>>
    %dma_start3A_193 = arith.constant 0 : i32
    %dma_start3A_194 = arith.constant 0 : i32
    %dma_start3A_195 = tpu.memref_slice %arg7[%dma_start3A_193, %dma_start3A_194] : memref<100001x128xf32, #tpu.memory_space<hbm>> -> memref<100001x128xf32, #tpu.memory_space<hbm>>
    tpu.enqueue_indirect_dma source(%dma_start3A_195 : memref<100001x128xf32, #tpu.memory_space<hbm>>) target(%dma_start3A_190 : memref<64x128xf32, #tpu.memory_space<vmem>>) offsets(%dma_start3A_192 : memref<64xi32, #tpu.memory_space<vmem>>) semaphore(%arg29 : memref<!tpu.dma_semaphore, #tpu.memory_space<semaphore_mem>>)
    %dma_start3A_196 = arith.constant 1 : i32
    %dma_start3A_197 = arith.constant 0 : i32
    %dma_start3A_198 = arith.constant 0 : i32
    %dma_start3A_199 = tpu.memref_slice %arg20[%dma_start3A_196, %dma_start3A_197, %dma_start3A_198] : memref<2x64x256xf32, #tpu.memory_space<vmem>> -> memref<1x64x256xf32, #tpu.memory_space<vmem>>
    %dma_start3A_200 = tpu.memref_squeeze %dma_start3A_199 : memref<1x64x256xf32, #tpu.memory_space<vmem>> -> memref<64x256xf32, #tpu.memory_space<vmem>>
    %dma_start3A_201 = arith.constant 64 : i32
    %dma_start3A_202 = tpu.memref_slice %arg14[%dma_start3A_201] : memref<512xi32, #tpu.memory_space<vmem>> -> memref<64xi32, #tpu.memory_space<vmem>>
    %dma_start3A_203 = arith.constant 0 : i32
    %dma_start3A_204 = arith.constant 0 : i32
    %dma_start3A_205 = tpu.memref_slice %arg6[%dma_start3A_203, %dma_start3A_204] : memref<100001x256xf32, #tpu.memory_space<hbm>> -> memref<100001x256xf32, #tpu.memory_space<hbm>>
    tpu.enqueue_indirect_dma source(%dma_start3A_205 : memref<100001x256xf32, #tpu.memory_space<hbm>>) target(%dma_start3A_200 : memref<64x256xf32, #tpu.memory_space<vmem>>) offsets(%dma_start3A_202 : memref<64xi32, #tpu.memory_space<vmem>>) semaphore(%arg30 : memref<!tpu.dma_semaphore, #tpu.memory_space<semaphore_mem>>)
    %dma_start3A_206 = arith.constant 1 : i32
    %dma_start3A_207 = arith.constant 0 : i32
    %dma_start3A_208 = arith.constant 0 : i32
    %dma_start3A_209 = tpu.memref_slice %arg21[%dma_start3A_206, %dma_start3A_207, %dma_start3A_208] : memref<2x64x256xf32, #tpu.memory_space<vmem>> -> memref<1x64x256xf32, #tpu.memory_space<vmem>>
    %dma_start3A_210 = tpu.memref_squeeze %dma_start3A_209 : memref<1x64x256xf32, #tpu.memory_space<vmem>> -> memref<64x256xf32, #tpu.memory_space<vmem>>
    %dma_start3A_211 = arith.constant 64 : i32
    %dma_start3A_212 = tpu.memref_slice %arg19[%dma_start3A_211] : memref<512xi32, #tpu.memory_space<vmem>> -> memref<64xi32, #tpu.memory_space<vmem>>
    %dma_start3A_213 = arith.constant 0 : i32
    %dma_start3A_214 = arith.constant 0 : i32
    %dma_start3A_215 = tpu.memref_slice %arg6[%dma_start3A_213, %dma_start3A_214] : memref<100001x256xf32, #tpu.memory_space<hbm>> -> memref<100001x256xf32, #tpu.memory_space<hbm>>
    tpu.enqueue_indirect_dma source(%dma_start3A_215 : memref<100001x256xf32, #tpu.memory_space<hbm>>) target(%dma_start3A_210 : memref<64x256xf32, #tpu.memory_space<vmem>>) offsets(%dma_start3A_212 : memref<64xi32, #tpu.memory_space<vmem>>) semaphore(%arg31 : memref<!tpu.dma_semaphore, #tpu.memory_space<semaphore_mem>>)
    %dma_start3A_216 = arith.constant 1 : i32
    %dma_start3A_217 = arith.constant 0 : i32
    %dma_start3A_218 = arith.constant 0 : i32
    %dma_start3A_219 = tpu.memref_slice %arg22[%dma_start3A_216, %dma_start3A_217, %dma_start3A_218] : memref<2x64x128xf32, #tpu.memory_space<vmem>> -> memref<1x64x128xf32, #tpu.memory_space<vmem>>
    %dma_start3A_220 = tpu.memref_squeeze %dma_start3A_219 : memref<1x64x128xf32, #tpu.memory_space<vmem>> -> memref<64x128xf32, #tpu.memory_space<vmem>>
    %dma_start3A_221 = arith.constant 64 : i32
    %dma_start3A_222 = tpu.memref_slice %arg14[%dma_start3A_221] : memref<512xi32, #tpu.memory_space<vmem>> -> memref<64xi32, #tpu.memory_space<vmem>>
    %dma_start3A_223 = arith.constant 0 : i32
    %dma_start3A_224 = arith.constant 0 : i32
    %dma_start3A_225 = tpu.memref_slice %arg7[%dma_start3A_223, %dma_start3A_224] : memref<100001x128xf32, #tpu.memory_space<hbm>> -> memref<100001x128xf32, #tpu.memory_space<hbm>>
    tpu.enqueue_indirect_dma source(%dma_start3A_225 : memref<100001x128xf32, #tpu.memory_space<hbm>>) target(%dma_start3A_220 : memref<64x128xf32, #tpu.memory_space<vmem>>) offsets(%dma_start3A_222 : memref<64xi32, #tpu.memory_space<vmem>>) semaphore(%arg32 : memref<!tpu.dma_semaphore, #tpu.memory_space<semaphore_mem>>)
    %dma_start3A_226 = tpu.memref_slice %arg13[%mul3A_2] : memref<16384xi32, #tpu.memory_space<hbm>> -> memref<512xi32, #tpu.memory_space<hbm>>
    %dma_start3A_227 = tpu.memref_slice %arg13[%mul3A_2] : memref<16384xi32, #tpu.memory_space<hbm>> -> memref<512xi32, #tpu.memory_space<hbm>>
    tpu.enqueue_dma source(%arg19 : memref<512xi32, #tpu.memory_space<vmem>>) target(%dma_start3A_227 : memref<512xi32, #tpu.memory_space<hbm>>) target_semaphore(%arg26 : memref<!tpu.dma_semaphore, #tpu.memory_space<semaphore_mem>>)
    %dma_wait3A_228 = arith.constant 0 : i32
    %dma_wait3A_229 = tpu.memref_slice %arg3[%dma_wait3A_228] : memref<100001xf32, #tpu.memory_space<hbm>> -> memref<100001xf32, #tpu.memory_space<hbm>>
    tpu.wait_indirect_dma semaphore(%arg23 : memref<!tpu.dma_semaphore, #tpu.memory_space<semaphore_mem>>) src(%dma_wait3A_229 : memref<100001xf32, #tpu.memory_space<hbm>>) dst(%arg15 : memref<512xf32, #tpu.memory_space<vmem>>)
    %get3A_230 = arith.constant 0 : index
    %get3A_231 = tpu.vector_load %arg15[%get3A_230] {strides = array<i32>} : memref<512xf32, #tpu.memory_space<vmem>>, vector<16xf32>,
    %convert_element_type3A_232 = arith.fptosi %get3A_231 : vector<16xf32> to vector<16xi32>
    %swap3A_233 = arith.constant 0 : index
    %swap3A_234 = tpu.vector_load %arg16[%swap3A_233] {strides = array<i32>} : memref<512xi32, #tpu.memory_space<vmem>>, vector<16xi32>,
    tpu.vector_store %arg16[%swap3A_233], %convert_element_type3A_232 {strides = array<i32>} : memref<512xi32, #tpu.memory_space<vmem>>, vector<16xi32>,
    %get3A_235 = arith.constant 16 : index
    %get3A_236 = tpu.vector_load %arg15[%get3A_235] {strides = array<i32>} : memref<512xf32, #tpu.memory_space<vmem>>, vector<16xf32>,
    %convert_element_type3A_237 = arith.fptosi %get3A_236 : vector<16xf32> to vector<16xi32>
    %swap3A_238 = arith.constant 16 : index
    %swap3A_239 = tpu.vector_load %arg16[%swap3A_238] {strides = array<i32>} : memref<512xi32, #tpu.memory_space<vmem>>, vector<16xi32>,
    tpu.vector_store %arg16[%swap3A_238], %convert_element_type3A_237 {strides = array<i32>} : memref<512xi32, #tpu.memory_space<vmem>>, vector<16xi32>,
    %get3A_240 = arith.constant 32 : index
    %get3A_241 = tpu.vector_load %arg15[%get3A_240] {strides = array<i32>} : memref<512xf32, #tpu.memory_space<vmem>>, vector<16xf32>,
    %convert_element_type3A_242 = arith.fptosi %get3A_241 : vector<16xf32> to vector<16xi32>
    %swap3A_243 = arith.constant 32 : index
    %swap3A_244 = tpu.vector_load %arg16[%swap3A_243] {strides = array<i32>} : memref<512xi32, #tpu.memory_space<vmem>>, vector<16xi32>,
    tpu.vector_store %arg16[%swap3A_243], %convert_element_type3A_242 {strides = array<i32>} : memref<512xi32, #tpu.memory_space<vmem>>, vector<16xi32>,
    %get3A_245 = arith.constant 48 : index
    %get3A_246 = tpu.vector_load %arg15[%get3A_245] {strides = array<i32>} : memref<512xf32, #tpu.memory_space<vmem>>, vector<16xf32>,
    %convert_element_type3A_247 = arith.fptosi %get3A_246 : vector<16xf32> to vector<16xi32>
    %swap3A_248 = arith.constant 48 : index
    %swap3A_249 = tpu.vector_load %arg16[%swap3A_248] {strides = array<i32>} : memref<512xi32, #tpu.memory_space<vmem>>, vector<16xi32>,
    tpu.vector_store %arg16[%swap3A_248], %convert_element_type3A_247 {strides = array<i32>} : memref<512xi32, #tpu.memory_space<vmem>>, vector<16xi32>,
    %get3A_250 = arith.constant 64 : index
    %get3A_251 = tpu.vector_load %arg15[%get3A_250] {strides = array<i32>} : memref<512xf32, #tpu.memory_space<vmem>>, vector<16xf32>,
    %convert_element_type3A_252 = arith.fptosi %get3A_251 : vector<16xf32> to vector<16xi32>
    %swap3A_253 = arith.constant 64 : index
    %swap3A_254 = tpu.vector_load %arg16[%swap3A_253] {strides = array<i32>} : memref<512xi32, #tpu.memory_space<vmem>>, vector<16xi32>,
    tpu.vector_store %arg16[%swap3A_253], %convert_element_type3A_252 {strides = array<i32>} : memref<512xi32, #tpu.memory_space<vmem>>, vector<16xi32>,
    %get3A_255 = arith.constant 80 : index
    %get3A_256 = tpu.vector_load %arg15[%get3A_255] {strides = array<i32>} : memref<512xf32, #tpu.memory_space<vmem>>, vector<16xf32>,
    %convert_element_type3A_257 = arith.fptosi %get3A_256 : vector<16xf32> to vector<16xi32>
    %swap3A_258 = arith.constant 80 : index
    %swap3A_259 = tpu.vector_load %arg16[%swap3A_258] {strides = array<i32>} : memref<512xi32, #tpu.memory_space<vmem>>, vector<16xi32>,
    tpu.vector_store %arg16[%swap3A_258], %convert_element_type3A_257 {strides = array<i32>} : memref<512xi32, #tpu.memory_space<vmem>>, vector<16xi32>,
    %get3A_260 = arith.constant 96 : index
    %get3A_261 = tpu.vector_load %arg15[%get3A_260] {strides = array<i32>} : memref<512xf32, #tpu.memory_space<vmem>>, vector<16xf32>,
    %convert_element_type3A_262 = arith.fptosi %get3A_261 : vector<16xf32> to vector<16xi32>
    %swap3A_263 = arith.constant 96 : index
    %swap3A_264 = tpu.vector_load %arg16[%swap3A_263] {strides = array<i32>} : memref<512xi32, #tpu.memory_space<vmem>>, vector<16xi32>,
    tpu.vector_store %arg16[%swap3A_263], %convert_element_type3A_262 {strides = array<i32>} : memref<512xi32, #tpu.memory_space<vmem>>, vector<16xi32>,
    %get3A_265 = arith.constant 112 : index
    %get3A_266 = tpu.vector_load %arg15[%get3A_265] {strides = array<i32>} : memref<512xf32, #tpu.memory_space<vmem>>, vector<16xf32>,
    %convert_element_type3A_267 = arith.fptosi %get3A_266 : vector<16xf32> to vector<16xi32>
    %swap3A_268 = arith.constant 112 : index
    %swap3A_269 = tpu.vector_load %arg16[%swap3A_268] {strides = array<i32>} : memref<512xi32, #tpu.memory_space<vmem>>, vector<16xi32>,
    tpu.vector_store %arg16[%swap3A_268], %convert_element_type3A_267 {strides = array<i32>} : memref<512xi32, #tpu.memory_space<vmem>>, vector<16xi32>,
    %get3A_270 = arith.constant 128 : index
    %get3A_271 = tpu.vector_load %arg15[%get3A_270] {strides = array<i32>} : memref<512xf32, #tpu.memory_space<vmem>>, vector<16xf32>,
    %convert_element_type3A_272 = arith.fptosi %get3A_271 : vector<16xf32> to vector<16xi32>
    %swap3A_273 = arith.constant 128 : index
    %swap3A_274 = tpu.vector_load %arg16[%swap3A_273] {strides = array<i32>} : memref<512xi32, #tpu.memory_space<vmem>>, vector<16xi32>,
    tpu.vector_store %arg16[%swap3A_273], %convert_element_type3A_272 {strides = array<i32>} : memref<512xi32, #tpu.memory_space<vmem>>, vector<16xi32>,
    %get3A_275 = arith.constant 144 : index
    %get3A_276 = tpu.vector_load %arg15[%get3A_275] {strides = array<i32>} : memref<512xf32, #tpu.memory_space<vmem>>, vector<16xf32>,
    %convert_element_type3A_277 = arith.fptosi %get3A_276 : vector<16xf32> to vector<16xi32>
    %swap3A_278 = arith.constant 144 : index
    %swap3A_279 = tpu.vector_load %arg16[%swap3A_278] {strides = array<i32>} : memref<512xi32, #tpu.memory_space<vmem>>, vector<16xi32>,
    tpu.vector_store %arg16[%swap3A_278], %convert_element_type3A_277 {strides = array<i32>} : memref<512xi32, #tpu.memory_space<vmem>>, vector<16xi32>,
    %get3A_280 = arith.constant 160 : index
    %get3A_281 = tpu.vector_load %arg15[%get3A_280] {strides = array<i32>} : memref<512xf32, #tpu.memory_space<vmem>>, vector<16xf32>,
    %convert_element_type3A_282 = arith.fptosi %get3A_281 : vector<16xf32> to vector<16xi32>
    %swap3A_283 = arith.constant 160 : index
    %swap3A_284 = tpu.vector_load %arg16[%swap3A_283] {strides = array<i32>} : memref<512xi32, #tpu.memory_space<vmem>>, vector<16xi32>,
    tpu.vector_store %arg16[%swap3A_283], %convert_element_type3A_282 {strides = array<i32>} : memref<512xi32, #tpu.memory_space<vmem>>, vector<16xi32>,
    %get3A_285 = arith.constant 176 : index
    %get3A_286 = tpu.vector_load %arg15[%get3A_285] {strides = array<i32>} : memref<512xf32, #tpu.memory_space<vmem>>, vector<16xf32>,
    %convert_element_type3A_287 = arith.fptosi %get3A_286 : vector<16xf32> to vector<16xi32>
    %swap3A_288 = arith.constant 176 : index
    %swap3A_289 = tpu.vector_load %arg16[%swap3A_288] {strides = array<i32>} : memref<512xi32, #tpu.memory_space<vmem>>, vector<16xi32>,
    tpu.vector_store %arg16[%swap3A_288], %convert_element_type3A_287 {strides = array<i32>} : memref<512xi32, #tpu.memory_space<vmem>>, vector<16xi32>,
    %get3A_290 = arith.constant 192 : index
    %get3A_291 = tpu.vector_load %arg15[%get3A_290] {strides = array<i32>} : memref<512xf32, #tpu.memory_space<vmem>>, vector<16xf32>,
    %convert_element_type3A_292 = arith.fptosi %get3A_291 : vector<16xf32> to vector<16xi32>
    %swap3A_293 = arith.constant 192 : index
    %swap3A_294 = tpu.vector_load %arg16[%swap3A_293] {strides = array<i32>} : memref<512xi32, #tpu.memory_space<vmem>>, vector<16xi32>,
    tpu.vector_store %arg16[%swap3A_293], %convert_element_type3A_292 {strides = array<i32>} : memref<512xi32, #tpu.memory_space<vmem>>, vector<16xi32>,
    %get3A_295 = arith.constant 208 : index
    %get3A_296 = tpu.vector_load %arg15[%get3A_295] {strides = array<i32>} : memref<512xf32, #tpu.memory_space<vmem>>, vector<16xf32>,
    %convert_element_type3A_297 = arith.fptosi %get3A_296 : vector<16xf32> to vector<16xi32>
    %swap3A_298 = arith.constant 208 : index
    %swap3A_299 = tpu.vector_load %arg16[%swap3A_298] {strides = array<i32>} : memref<512xi32, #tpu.memory_space<vmem>>, vector<16xi32>,
    tpu.vector_store %arg16[%swap3A_298], %convert_element_type3A_297 {strides = array<i32>} : memref<512xi32, #tpu.memory_space<vmem>>, vector<16xi32>,
    %get3A_300 = arith.constant 224 : index
    %get3A_301 = tpu.vector_load %arg15[%get3A_300] {strides = array<i32>} : memref<512xf32, #tpu.memory_space<vmem>>, vector<16xf32>,
    %convert_element_type3A_302 = arith.fptosi %get3A_301 : vector<16xf32> to vector<16xi32>
    %swap3A_303 = arith.constant 224 : index
    %swap3A_304 = tpu.vector_load %arg16[%swap3A_303] {strides = array<i32>} : memref<512xi32, #tpu.memory_space<vmem>>, vector<16xi32>,
    tpu.vector_store %arg16[%swap3A_303], %convert_element_type3A_302 {strides = array<i32>} : memref<512xi32, #tpu.memory_space<vmem>>, vector<16xi32>,
    %get3A_305 = arith.constant 240 : index
    %get3A_306 = tpu.vector_load %arg15[%get3A_305] {strides = array<i32>} : memref<512xf32, #tpu.memory_space<vmem>>, vector<16xf32>,
    %convert_element_type3A_307 = arith.fptosi %get3A_306 : vector<16xf32> to vector<16xi32>
    %swap3A_308 = arith.constant 240 : index
    %swap3A_309 = tpu.vector_load %arg16[%swap3A_308] {strides = array<i32>} : memref<512xi32, #tpu.memory_space<vmem>>, vector<16xi32>,
    tpu.vector_store %arg16[%swap3A_308], %convert_element_type3A_307 {strides = array<i32>} : memref<512xi32, #tpu.memory_space<vmem>>, vector<16xi32>,
    %get3A_310 = arith.constant 256 : index
    %get3A_311 = tpu.vector_load %arg15[%get3A_310] {strides = array<i32>} : memref<512xf32, #tpu.memory_space<vmem>>, vector<16xf32>,
    %convert_element_type3A_312 = arith.fptosi %get3A_311 : vector<16xf32> to vector<16xi32>
    %swap3A_313 = arith.constant 256 : index
    %swap3A_314 = tpu.vector_load %arg16[%swap3A_313] {strides = array<i32>} : memref<512xi32, #tpu.memory_space<vmem>>, vector<16xi32>,
    tpu.vector_store %arg16[%swap3A_313], %convert_element_type3A_312 {strides = array<i32>} : memref<512xi32, #tpu.memory_space<vmem>>, vector<16xi32>,
    %get3A_315 = arith.constant 272 : index
    %get3A_316 = tpu.vector_load %arg15[%get3A_315] {strides = array<i32>} : memref<512xf32, #tpu.memory_space<vmem>>, vector<16xf32>,
    %convert_element_type3A_317 = arith.fptosi %get3A_316 : vector<16xf32> to vector<16xi32>
    %swap3A_318 = arith.constant 272 : index
    %swap3A_319 = tpu.vector_load %arg16[%swap3A_318] {strides = array<i32>} : memref<512xi32, #tpu.memory_space<vmem>>, vector<16xi32>,
    tpu.vector_store %arg16[%swap3A_318], %convert_element_type3A_317 {strides = array<i32>} : memref<512xi32, #tpu.memory_space<vmem>>, vector<16xi32>,
    %get3A_320 = arith.constant 288 : index
    %get3A_321 = tpu.vector_load %arg15[%get3A_320] {strides = array<i32>} : memref<512xf32, #tpu.memory_space<vmem>>, vector<16xf32>,
    %convert_element_type3A_322 = arith.fptosi %get3A_321 : vector<16xf32> to vector<16xi32>
    %swap3A_323 = arith.constant 288 : index
    %swap3A_324 = tpu.vector_load %arg16[%swap3A_323] {strides = array<i32>} : memref<512xi32, #tpu.memory_space<vmem>>, vector<16xi32>,
    tpu.vector_store %arg16[%swap3A_323], %convert_element_type3A_322 {strides = array<i32>} : memref<512xi32, #tpu.memory_space<vmem>>, vector<16xi32>,
    %get3A_325 = arith.constant 304 : index
    %get3A_326 = tpu.vector_load %arg15[%get3A_325] {strides = array<i32>} : memref<512xf32, #tpu.memory_space<vmem>>, vector<16xf32>,
    %convert_element_type3A_327 = arith.fptosi %get3A_326 : vector<16xf32> to vector<16xi32>
    %swap3A_328 = arith.constant 304 : index
    %swap3A_329 = tpu.vector_load %arg16[%swap3A_328] {strides = array<i32>} : memref<512xi32, #tpu.memory_space<vmem>>, vector<16xi32>,
    tpu.vector_store %arg16[%swap3A_328], %convert_element_type3A_327 {strides = array<i32>} : memref<512xi32, #tpu.memory_space<vmem>>, vector<16xi32>,
    %get3A_330 = arith.constant 320 : index
    %get3A_331 = tpu.vector_load %arg15[%get3A_330] {strides = array<i32>} : memref<512xf32, #tpu.memory_space<vmem>>, vector<16xf32>,
    %convert_element_type3A_332 = arith.fptosi %get3A_331 : vector<16xf32> to vector<16xi32>
    %swap3A_333 = arith.constant 320 : index
    %swap3A_334 = tpu.vector_load %arg16[%swap3A_333] {strides = array<i32>} : memref<512xi32, #tpu.memory_space<vmem>>, vector<16xi32>,
    tpu.vector_store %arg16[%swap3A_333], %convert_element_type3A_332 {strides = array<i32>} : memref<512xi32, #tpu.memory_space<vmem>>, vector<16xi32>,
    %get3A_335 = arith.constant 336 : index
    %get3A_336 = tpu.vector_load %arg15[%get3A_335] {strides = array<i32>} : memref<512xf32, #tpu.memory_space<vmem>>, vector<16xf32>,
    %convert_element_type3A_337 = arith.fptosi %get3A_336 : vector<16xf32> to vector<16xi32>
    %swap3A_338 = arith.constant 336 : index
    %swap3A_339 = tpu.vector_load %arg16[%swap3A_338] {strides = array<i32>} : memref<512xi32, #tpu.memory_space<vmem>>, vector<16xi32>,
    tpu.vector_store %arg16[%swap3A_338], %convert_element_type3A_337 {strides = array<i32>} : memref<512xi32, #tpu.memory_space<vmem>>, vector<16xi32>,
    %get3A_340 = arith.constant 352 : index
    %get3A_341 = tpu.vector_load %arg15[%get3A_340] {strides = array<i32>} : memref<512xf32, #tpu.memory_space<vmem>>, vector<16xf32>,
    %convert_element_type3A_342 = arith.fptosi %get3A_341 : vector<16xf32> to vector<16xi32>
    %swap3A_343 = arith.constant 352 : index
    %swap3A_344 = tpu.vector_load %arg16[%swap3A_343] {strides = array<i32>} : memref<512xi32, #tpu.memory_space<vmem>>, vector<16xi32>,
    tpu.vector_store %arg16[%swap3A_343], %convert_element_type3A_342 {strides = array<i32>} : memref<512xi32, #tpu.memory_space<vmem>>, vector<16xi32>,
    %get3A_345 = arith.constant 368 : index
    %get3A_346 = tpu.vector_load %arg15[%get3A_345] {strides = array<i32>} : memref<512xf32, #tpu.memory_space<vmem>>, vector<16xf32>,
    %convert_element_type3A_347 = arith.fptosi %get3A_346 : vector<16xf32> to vector<16xi32>
    %swap3A_348 = arith.constant 368 : index
    %swap3A_349 = tpu.vector_load %arg16[%swap3A_348] {strides = array<i32>} : memref<512xi32, #tpu.memory_space<vmem>>, vector<16xi32>,
    tpu.vector_store %arg16[%swap3A_348], %convert_element_type3A_347 {strides = array<i32>} : memref<512xi32, #tpu.memory_space<vmem>>, vector<16xi32>,
    %get3A_350 = arith.constant 384 : index
    %get3A_351 = tpu.vector_load %arg15[%get3A_350] {strides = array<i32>} : memref<512xf32, #tpu.memory_space<vmem>>, vector<16xf32>,
    %convert_element_type3A_352 = arith.fptosi %get3A_351 : vector<16xf32> to vector<16xi32>
    %swap3A_353 = arith.constant 384 : index
    %swap3A_354 = tpu.vector_load %arg16[%swap3A_353] {strides = array<i32>} : memref<512xi32, #tpu.memory_space<vmem>>, vector<16xi32>,
    tpu.vector_store %arg16[%swap3A_353], %convert_element_type3A_352 {strides = array<i32>} : memref<512xi32, #tpu.memory_space<vmem>>, vector<16xi32>,
    %get3A_355 = arith.constant 400 : index
    %get3A_356 = tpu.vector_load %arg15[%get3A_355] {strides = array<i32>} : memref<512xf32, #tpu.memory_space<vmem>>, vector<16xf32>,
    %convert_element_type3A_357 = arith.fptosi %get3A_356 : vector<16xf32> to vector<16xi32>
    %swap3A_358 = arith.constant 400 : index
    %swap3A_359 = tpu.vector_load %arg16[%swap3A_358] {strides = array<i32>} : memref<512xi32, #tpu.memory_space<vmem>>, vector<16xi32>,
    tpu.vector_store %arg16[%swap3A_358], %convert_element_type3A_357 {strides = array<i32>} : memref<512xi32, #tpu.memory_space<vmem>>, vector<16xi32>,
    %get3A_360 = arith.constant 416 : index
    %get3A_361 = tpu.vector_load %arg15[%get3A_360] {strides = array<i32>} : memref<512xf32, #tpu.memory_space<vmem>>, vector<16xf32>,
    %convert_element_type3A_362 = arith.fptosi %get3A_361 : vector<16xf32> to vector<16xi32>
    %swap3A_363 = arith.constant 416 : index
    %swap3A_364 = tpu.vector_load %arg16[%swap3A_363] {strides = array<i32>} : memref<512xi32, #tpu.memory_space<vmem>>, vector<16xi32>,
    tpu.vector_store %arg16[%swap3A_363], %convert_element_type3A_362 {strides = array<i32>} : memref<512xi32, #tpu.memory_space<vmem>>, vector<16xi32>,
    %get3A_365 = arith.constant 432 : index
    %get3A_366 = tpu.vector_load %arg15[%get3A_365] {strides = array<i32>} : memref<512xf32, #tpu.memory_space<vmem>>, vector<16xf32>,
    %convert_element_type3A_367 = arith.fptosi %get3A_366 : vector<16xf32> to vector<16xi32>
    %swap3A_368 = arith.constant 432 : index
    %swap3A_369 = tpu.vector_load %arg16[%swap3A_368] {strides = array<i32>} : memref<512xi32, #tpu.memory_space<vmem>>, vector<16xi32>,
    tpu.vector_store %arg16[%swap3A_368], %convert_element_type3A_367 {strides = array<i32>} : memref<512xi32, #tpu.memory_space<vmem>>, vector<16xi32>,
    %get3A_370 = arith.constant 448 : index
    %get3A_371 = tpu.vector_load %arg15[%get3A_370] {strides = array<i32>} : memref<512xf32, #tpu.memory_space<vmem>>, vector<16xf32>,
    %convert_element_type3A_372 = arith.fptosi %get3A_371 : vector<16xf32> to vector<16xi32>
    %swap3A_373 = arith.constant 448 : index
    %swap3A_374 = tpu.vector_load %arg16[%swap3A_373] {strides = array<i32>} : memref<512xi32, #tpu.memory_space<vmem>>, vector<16xi32>,
    tpu.vector_store %arg16[%swap3A_373], %convert_element_type3A_372 {strides = array<i32>} : memref<512xi32, #tpu.memory_space<vmem>>, vector<16xi32>,
    %get3A_375 = arith.constant 464 : index
    %get3A_376 = tpu.vector_load %arg15[%get3A_375] {strides = array<i32>} : memref<512xf32, #tpu.memory_space<vmem>>, vector<16xf32>,
    %convert_element_type3A_377 = arith.fptosi %get3A_376 : vector<16xf32> to vector<16xi32>
    %swap3A_378 = arith.constant 464 : index
    %swap3A_379 = tpu.vector_load %arg16[%swap3A_378] {strides = array<i32>} : memref<512xi32, #tpu.memory_space<vmem>>, vector<16xi32>,
    tpu.vector_store %arg16[%swap3A_378], %convert_element_type3A_377 {strides = array<i32>} : memref<512xi32, #tpu.memory_space<vmem>>, vector<16xi32>,
    %get3A_380 = arith.constant 480 : index
    %get3A_381 = tpu.vector_load %arg15[%get3A_380] {strides = array<i32>} : memref<512xf32, #tpu.memory_space<vmem>>, vector<16xf32>,
    %convert_element_type3A_382 = arith.fptosi %get3A_381 : vector<16xf32> to vector<16xi32>
    %swap3A_383 = arith.constant 480 : index
    %swap3A_384 = tpu.vector_load %arg16[%swap3A_383] {strides = array<i32>} : memref<512xi32, #tpu.memory_space<vmem>>, vector<16xi32>,
    tpu.vector_store %arg16[%swap3A_383], %convert_element_type3A_382 {strides = array<i32>} : memref<512xi32, #tpu.memory_space<vmem>>, vector<16xi32>,
    %get3A_385 = arith.constant 496 : index
    %get3A_386 = tpu.vector_load %arg15[%get3A_385] {strides = array<i32>} : memref<512xf32, #tpu.memory_space<vmem>>, vector<16xf32>,
    %convert_element_type3A_387 = arith.fptosi %get3A_386 : vector<16xf32> to vector<16xi32>
    %swap3A_388 = arith.constant 496 : index
    %swap3A_389 = tpu.vector_load %arg16[%swap3A_388] {strides = array<i32>} : memref<512xi32, #tpu.memory_space<vmem>>, vector<16xi32>,
    tpu.vector_store %arg16[%swap3A_388], %convert_element_type3A_387 {strides = array<i32>} : memref<512xi32, #tpu.memory_space<vmem>>, vector<16xi32>,
    %dma_start3A_390 = tpu.memref_slice %arg11[%mul3A_2] : memref<16384xi32, #tpu.memory_space<hbm>> -> memref<512xi32, #tpu.memory_space<hbm>>
    %dma_start3A_391 = tpu.memref_slice %arg11[%mul3A_2] : memref<16384xi32, #tpu.memory_space<hbm>> -> memref<512xi32, #tpu.memory_space<hbm>>
    tpu.enqueue_dma source(%arg16 : memref<512xi32, #tpu.memory_space<vmem>>) target(%dma_start3A_391 : memref<512xi32, #tpu.memory_space<hbm>>) target_semaphore(%arg26 : memref<!tpu.dma_semaphore, #tpu.memory_space<semaphore_mem>>)
    %dma_wait3A_392 = arith.constant 0 : i32
    %dma_wait3A_393 = tpu.memref_slice %arg4[%dma_wait3A_392] : memref<100001xf32, #tpu.memory_space<hbm>> -> memref<100001xf32, #tpu.memory_space<hbm>>
    tpu.wait_indirect_dma semaphore(%arg24 : memref<!tpu.dma_semaphore, #tpu.memory_space<semaphore_mem>>) src(%dma_wait3A_393 : memref<100001xf32, #tpu.memory_space<hbm>>) dst(%arg17 : memref<512xf32, #tpu.memory_space<vmem>>)
    %dma_start3A_394 = tpu.memref_slice %arg12[%mul3A_2] : memref<16384xf32, #tpu.memory_space<hbm>> -> memref<512xf32, #tpu.memory_space<hbm>>
    %dma_start3A_395 = tpu.memref_slice %arg12[%mul3A_2] : memref<16384xf32, #tpu.memory_space<hbm>> -> memref<512xf32, #tpu.memory_space<hbm>>
    tpu.enqueue_dma source(%arg17 : memref<512xf32, #tpu.memory_space<vmem>>) target(%dma_start3A_395 : memref<512xf32, #tpu.memory_space<hbm>>) target_semaphore(%arg26 : memref<!tpu.dma_semaphore, #tpu.memory_space<semaphore_mem>>)
    %dma_wait3A_396 = arith.constant 0 : i32
    %dma_wait3A_397 = arith.constant 0 : i32
    %dma_wait3A_398 = arith.constant 0 : i32
    %dma_wait3A_399 = tpu.memref_slice %arg20[%dma_wait3A_396, %dma_wait3A_397, %dma_wait3A_398] : memref<2x64x256xf32, #tpu.memory_space<vmem>> -> memref<1x64x256xf32, #tpu.memory_space<vmem>>
    %dma_wait3A_400 = tpu.memref_squeeze %dma_wait3A_399 : memref<1x64x256xf32, #tpu.memory_space<vmem>> -> memref<64x256xf32, #tpu.memory_space<vmem>>
    %dma_wait3A_401 = arith.constant 0 : i32
    %dma_wait3A_402 = tpu.memref_slice %arg14[%dma_wait3A_401] : memref<512xi32, #tpu.memory_space<vmem>> -> memref<64xi32, #tpu.memory_space<vmem>>
    %dma_wait3A_403 = arith.constant 0 : i32
    %dma_wait3A_404 = arith.constant 0 : i32
    %dma_wait3A_405 = tpu.memref_slice %arg6[%dma_wait3A_403, %dma_wait3A_404] : memref<100001x256xf32, #tpu.memory_space<hbm>> -> memref<100001x256xf32, #tpu.memory_space<hbm>>
    tpu.wait_indirect_dma semaphore(%arg27 : memref<!tpu.dma_semaphore, #tpu.memory_space<semaphore_mem>>) src(%dma_wait3A_405 : memref<100001x256xf32, #tpu.memory_space<hbm>>) dst(%dma_wait3A_400 : memref<64x256xf32, #tpu.memory_space<vmem>>)
    %dma_wait3A_406 = arith.constant 0 : i32
    %dma_wait3A_407 = arith.constant 0 : i32
    %dma_wait3A_408 = arith.constant 0 : i32
    %dma_wait3A_409 = tpu.memref_slice %arg21[%dma_wait3A_406, %dma_wait3A_407, %dma_wait3A_408] : memref<2x64x256xf32, #tpu.memory_space<vmem>> -> memref<1x64x256xf32, #tpu.memory_space<vmem>>
    %dma_wait3A_410 = tpu.memref_squeeze %dma_wait3A_409 : memref<1x64x256xf32, #tpu.memory_space<vmem>> -> memref<64x256xf32, #tpu.memory_space<vmem>>
    %dma_wait3A_411 = arith.constant 0 : i32
    %dma_wait3A_412 = tpu.memref_slice %arg19[%dma_wait3A_411] : memref<512xi32, #tpu.memory_space<vmem>> -> memref<64xi32, #tpu.memory_space<vmem>>
    %dma_wait3A_413 = arith.constant 0 : i32
    %dma_wait3A_414 = arith.constant 0 : i32
    %dma_wait3A_415 = tpu.memref_slice %arg6[%dma_wait3A_413, %dma_wait3A_414] : memref<100001x256xf32, #tpu.memory_space<hbm>> -> memref<100001x256xf32, #tpu.memory_space<hbm>>
    tpu.wait_indirect_dma semaphore(%arg28 : memref<!tpu.dma_semaphore, #tpu.memory_space<semaphore_mem>>) src(%dma_wait3A_415 : memref<100001x256xf32, #tpu.memory_space<hbm>>) dst(%dma_wait3A_410 : memref<64x256xf32, #tpu.memory_space<vmem>>)
    %dma_wait3A_416 = arith.constant 0 : i32
    %dma_wait3A_417 = arith.constant 0 : i32
    %dma_wait3A_418 = arith.constant 0 : i32
    %dma_wait3A_419 = tpu.memref_slice %arg22[%dma_wait3A_416, %dma_wait3A_417, %dma_wait3A_418] : memref<2x64x128xf32, #tpu.memory_space<vmem>> -> memref<1x64x128xf32, #tpu.memory_space<vmem>>
    %dma_wait3A_420 = tpu.memref_squeeze %dma_wait3A_419 : memref<1x64x128xf32, #tpu.memory_space<vmem>> -> memref<64x128xf32, #tpu.memory_space<vmem>>
    %dma_wait3A_421 = arith.constant 0 : i32
    %dma_wait3A_422 = tpu.memref_slice %arg14[%dma_wait3A_421] : memref<512xi32, #tpu.memory_space<vmem>> -> memref<64xi32, #tpu.memory_space<vmem>>
    %dma_wait3A_423 = arith.constant 0 : i32
    %dma_wait3A_424 = arith.constant 0 : i32
    %dma_wait3A_425 = tpu.memref_slice %arg7[%dma_wait3A_423, %dma_wait3A_424] : memref<100001x128xf32, #tpu.memory_space<hbm>> -> memref<100001x128xf32, #tpu.memory_space<hbm>>
    tpu.wait_indirect_dma semaphore(%arg29 : memref<!tpu.dma_semaphore, #tpu.memory_space<semaphore_mem>>) src(%dma_wait3A_425 : memref<100001x128xf32, #tpu.memory_space<hbm>>) dst(%dma_wait3A_420 : memref<64x128xf32, #tpu.memory_space<vmem>>)
    %add3A_426 = arith.constant 0 : i32
    %add3A_427 = arith.addi %mul3A_2, %add3A_426 : i32
    %dma_start3A_428 = arith.constant 0 : i32
    %dma_start3A_429 = arith.constant 0 : i32
    %dma_start3A_430 = arith.constant 0 : i32
    %dma_start3A_431 = tpu.memref_slice %arg20[%dma_start3A_428, %dma_start3A_429, %dma_start3A_430] : memref<2x64x256xf32, #tpu.memory_space<vmem>> -> memref<1x64x256xf32, #tpu.memory_space<vmem>>
    %dma_start3A_432 = tpu.memref_squeeze %dma_start3A_431 : memref<1x64x256xf32, #tpu.memory_space<vmem>> -> memref<64x256xf32, #tpu.memory_space<vmem>>
    %dma_start3A_433 = arith.constant 0 : i32
    %dma_start3A_434 = tpu.memref_slice %arg8[%add3A_427, %dma_start3A_433] : memref<16384x256xf32, #tpu.memory_space<hbm>> -> memref<64x256xf32, #tpu.memory_space<hbm>>
    %dma_start3A_435 = arith.constant 0 : i32
    %dma_start3A_436 = tpu.memref_slice %arg8[%add3A_427, %dma_start3A_435] : memref<16384x256xf32, #tpu.memory_space<hbm>> -> memref<64x256xf32, #tpu.memory_space<hbm>>
    %dma_start3A_437 = arith.constant 0 : i32
    %dma_start3A_438 = arith.constant 0 : i32
    %dma_start3A_439 = tpu.memref_slice %arg20[%dma_start3A_428, %dma_start3A_437, %dma_start3A_438] : memref<2x64x256xf32, #tpu.memory_space<vmem>> -> memref<1x64x256xf32, #tpu.memory_space<vmem>>
    %dma_start3A_440 = tpu.memref_squeeze %dma_start3A_439 : memref<1x64x256xf32, #tpu.memory_space<vmem>> -> memref<64x256xf32, #tpu.memory_space<vmem>>
    tpu.enqueue_dma source(%dma_start3A_440 : memref<64x256xf32, #tpu.memory_space<vmem>>) target(%dma_start3A_436 : memref<64x256xf32, #tpu.memory_space<hbm>>) target_semaphore(%arg33 : memref<!tpu.dma_semaphore, #tpu.memory_space<semaphore_mem>>)
    %add3A_441 = arith.constant 0 : i32
    %add3A_442 = arith.addi %mul3A_2, %add3A_441 : i32
    %dma_start3A_443 = arith.constant 0 : i32
    %dma_start3A_444 = arith.constant 0 : i32
    %dma_start3A_445 = arith.constant 0 : i32
    %dma_start3A_446 = tpu.memref_slice %arg21[%dma_start3A_443, %dma_start3A_444, %dma_start3A_445] : memref<2x64x256xf32, #tpu.memory_space<vmem>> -> memref<1x64x256xf32, #tpu.memory_space<vmem>>
    %dma_start3A_447 = tpu.memref_squeeze %dma_start3A_446 : memref<1x64x256xf32, #tpu.memory_space<vmem>> -> memref<64x256xf32, #tpu.memory_space<vmem>>
    %dma_start3A_448 = arith.constant 0 : i32
    %dma_start3A_449 = tpu.memref_slice %arg9[%add3A_442, %dma_start3A_448] : memref<16384x256xf32, #tpu.memory_space<hbm>> -> memref<64x256xf32, #tpu.memory_space<hbm>>
    %dma_start3A_450 = arith.constant 0 : i32
    %dma_start3A_451 = tpu.memref_slice %arg9[%add3A_442, %dma_start3A_450] : memref<16384x256xf32, #tpu.memory_space<hbm>> -> memref<64x256xf32, #tpu.memory_space<hbm>>
    %dma_start3A_452 = arith.constant 0 : i32
    %dma_start3A_453 = arith.constant 0 : i32
    %dma_start3A_454 = tpu.memref_slice %arg21[%dma_start3A_443, %dma_start3A_452, %dma_start3A_453] : memref<2x64x256xf32, #tpu.memory_space<vmem>> -> memref<1x64x256xf32, #tpu.memory_space<vmem>>
    %dma_start3A_455 = tpu.memref_squeeze %dma_start3A_454 : memref<1x64x256xf32, #tpu.memory_space<vmem>> -> memref<64x256xf32, #tpu.memory_space<vmem>>
    tpu.enqueue_dma source(%dma_start3A_455 : memref<64x256xf32, #tpu.memory_space<vmem>>) target(%dma_start3A_451 : memref<64x256xf32, #tpu.memory_space<hbm>>) target_semaphore(%arg34 : memref<!tpu.dma_semaphore, #tpu.memory_space<semaphore_mem>>)
    %add3A_456 = arith.constant 0 : i32
    %add3A_457 = arith.addi %mul3A_2, %add3A_456 : i32
    %dma_start3A_458 = arith.constant 0 : i32
    %dma_start3A_459 = arith.constant 0 : i32
    %dma_start3A_460 = arith.constant 0 : i32
    %dma_start3A_461 = tpu.memref_slice %arg22[%dma_start3A_458, %dma_start3A_459, %dma_start3A_460] : memref<2x64x128xf32, #tpu.memory_space<vmem>> -> memref<1x64x128xf32, #tpu.memory_space<vmem>>
    %dma_start3A_462 = tpu.memref_squeeze %dma_start3A_461 : memref<1x64x128xf32, #tpu.memory_space<vmem>> -> memref<64x128xf32, #tpu.memory_space<vmem>>
    %dma_start3A_463 = arith.constant 0 : i32
    %dma_start3A_464 = tpu.memref_slice %arg10[%add3A_457, %dma_start3A_463] : memref<16384x128xf32, #tpu.memory_space<hbm>> -> memref<64x128xf32, #tpu.memory_space<hbm>>
    %dma_start3A_465 = arith.constant 0 : i32
    %dma_start3A_466 = tpu.memref_slice %arg10[%add3A_457, %dma_start3A_465] : memref<16384x128xf32, #tpu.memory_space<hbm>> -> memref<64x128xf32, #tpu.memory_space<hbm>>
    %dma_start3A_467 = arith.constant 0 : i32
    %dma_start3A_468 = arith.constant 0 : i32
    %dma_start3A_469 = tpu.memref_slice %arg22[%dma_start3A_458, %dma_start3A_467, %dma_start3A_468] : memref<2x64x128xf32, #tpu.memory_space<vmem>> -> memref<1x64x128xf32, #tpu.memory_space<vmem>>
    %dma_start3A_470 = tpu.memref_squeeze %dma_start3A_469 : memref<1x64x128xf32, #tpu.memory_space<vmem>> -> memref<64x128xf32, #tpu.memory_space<vmem>>
    tpu.enqueue_dma source(%dma_start3A_470 : memref<64x128xf32, #tpu.memory_space<vmem>>) target(%dma_start3A_466 : memref<64x128xf32, #tpu.memory_space<hbm>>) target_semaphore(%arg35 : memref<!tpu.dma_semaphore, #tpu.memory_space<semaphore_mem>>)
    %dma_wait3A_471 = arith.constant 0 : i32
    %dma_wait3A_472 = arith.constant 0 : i32
    %dma_wait3A_473 = arith.constant 0 : i32
    %dma_wait3A_474 = tpu.memref_slice %arg20[%dma_wait3A_471, %dma_wait3A_472, %dma_wait3A_473] : memref<2x64x256xf32, #tpu.memory_space<vmem>> -> memref<1x64x256xf32, #tpu.memory_space<vmem>>
    %dma_wait3A_475 = tpu.memref_squeeze %dma_wait3A_474 : memref<1x64x256xf32, #tpu.memory_space<vmem>> -> memref<64x256xf32, #tpu.memory_space<vmem>>
    %dma_wait3A_476 = arith.constant 0 : i32
    %dma_wait3A_477 = tpu.memref_slice %arg8[%add3A_427, %dma_wait3A_476] : memref<16384x256xf32, #tpu.memory_space<hbm>> -> memref<64x256xf32, #tpu.memory_space<hbm>>
    %dma_wait3A_478 = arith.constant 0 : i32
    %dma_wait3A_479 = tpu.memref_slice %arg8[%add3A_427, %dma_wait3A_478] : memref<16384x256xf32, #tpu.memory_space<hbm>> -> memref<64x256xf32, #tpu.memory_space<hbm>>
    %dma_wait3A_480 = arith.constant 0 : i32
    %dma_wait3A_481 = arith.constant 0 : i32
    %dma_wait3A_482 = tpu.memref_slice %arg20[%dma_wait3A_471, %dma_wait3A_480, %dma_wait3A_481] : memref<2x64x256xf32, #tpu.memory_space<vmem>> -> memref<1x64x256xf32, #tpu.memory_space<vmem>>
    %dma_wait3A_483 = tpu.memref_squeeze %dma_wait3A_482 : memref<1x64x256xf32, #tpu.memory_space<vmem>> -> memref<64x256xf32, #tpu.memory_space<vmem>>
    tpu.wait_dma2 semaphore(%arg33 : memref<!tpu.dma_semaphore, #tpu.memory_space<semaphore_mem>>) src(%dma_wait3A_483 : memref<64x256xf32, #tpu.memory_space<vmem>>) dst(%dma_wait3A_479 : memref<64x256xf32, #tpu.memory_space<hbm>>)
    %dma_wait3A_484 = arith.constant 0 : i32
    %dma_wait3A_485 = arith.constant 0 : i32
    %dma_wait3A_486 = arith.constant 0 : i32
    %dma_wait3A_487 = tpu.memref_slice %arg21[%dma_wait3A_484, %dma_wait3A_485, %dma_wait3A_486] : memref<2x64x256xf32, #tpu.memory_space<vmem>> -> memref<1x64x256xf32, #tpu.memory_space<vmem>>
    %dma_wait3A_488 = tpu.memref_squeeze %dma_wait3A_487 : memref<1x64x256xf32, #tpu.memory_space<vmem>> -> memref<64x256xf32, #tpu.memory_space<vmem>>
    %dma_wait3A_489 = arith.constant 0 : i32
    %dma_wait3A_490 = tpu.memref_slice %arg9[%add3A_442, %dma_wait3A_489] : memref<16384x256xf32, #tpu.memory_space<hbm>> -> memref<64x256xf32, #tpu.memory_space<hbm>>
    %dma_wait3A_491 = arith.constant 0 : i32
    %dma_wait3A_492 = tpu.memref_slice %arg9[%add3A_442, %dma_wait3A_491] : memref<16384x256xf32, #tpu.memory_space<hbm>> -> memref<64x256xf32, #tpu.memory_space<hbm>>
    %dma_wait3A_493 = arith.constant 0 : i32
    %dma_wait3A_494 = arith.constant 0 : i32
    %dma_wait3A_495 = tpu.memref_slice %arg21[%dma_wait3A_484, %dma_wait3A_493, %dma_wait3A_494] : memref<2x64x256xf32, #tpu.memory_space<vmem>> -> memref<1x64x256xf32, #tpu.memory_space<vmem>>
    %dma_wait3A_496 = tpu.memref_squeeze %dma_wait3A_495 : memref<1x64x256xf32, #tpu.memory_space<vmem>> -> memref<64x256xf32, #tpu.memory_space<vmem>>
    tpu.wait_dma2 semaphore(%arg34 : memref<!tpu.dma_semaphore, #tpu.memory_space<semaphore_mem>>) src(%dma_wait3A_496 : memref<64x256xf32, #tpu.memory_space<vmem>>) dst(%dma_wait3A_492 : memref<64x256xf32, #tpu.memory_space<hbm>>)
    %dma_wait3A_497 = arith.constant 0 : i32
    %dma_wait3A_498 = arith.constant 0 : i32
    %dma_wait3A_499 = arith.constant 0 : i32
    %dma_wait3A_500 = tpu.memref_slice %arg22[%dma_wait3A_497, %dma_wait3A_498, %dma_wait3A_499] : memref<2x64x128xf32, #tpu.memory_space<vmem>> -> memref<1x64x128xf32, #tpu.memory_space<vmem>>
    %dma_wait3A_501 = tpu.memref_squeeze %dma_wait3A_500 : memref<1x64x128xf32, #tpu.memory_space<vmem>> -> memref<64x128xf32, #tpu.memory_space<vmem>>
    %dma_wait3A_502 = arith.constant 0 : i32
    %dma_wait3A_503 = tpu.memref_slice %arg10[%add3A_457, %dma_wait3A_502] : memref<16384x128xf32, #tpu.memory_space<hbm>> -> memref<64x128xf32, #tpu.memory_space<hbm>>
    %dma_wait3A_504 = arith.constant 0 : i32
    %dma_wait3A_505 = tpu.memref_slice %arg10[%add3A_457, %dma_wait3A_504] : memref<16384x128xf32, #tpu.memory_space<hbm>> -> memref<64x128xf32, #tpu.memory_space<hbm>>
    %dma_wait3A_506 = arith.constant 0 : i32
    %dma_wait3A_507 = arith.constant 0 : i32
    %dma_wait3A_508 = tpu.memref_slice %arg22[%dma_wait3A_497, %dma_wait3A_506, %dma_wait3A_507] : memref<2x64x128xf32, #tpu.memory_space<vmem>> -> memref<1x64x128xf32, #tpu.memory_space<vmem>>
    %dma_wait3A_509 = tpu.memref_squeeze %dma_wait3A_508 : memref<1x64x128xf32, #tpu.memory_space<vmem>> -> memref<64x128xf32, #tpu.memory_space<vmem>>
    tpu.wait_dma2 semaphore(%arg35 : memref<!tpu.dma_semaphore, #tpu.memory_space<semaphore_mem>>) src(%dma_wait3A_509 : memref<64x128xf32, #tpu.memory_space<vmem>>) dst(%dma_wait3A_505 : memref<64x128xf32, #tpu.memory_space<hbm>>)
    %dma_start3A_510 = arith.constant 0 : i32
    %dma_start3A_511 = arith.constant 0 : i32
    %dma_start3A_512 = arith.constant 0 : i32
    %dma_start3A_513 = tpu.memref_slice %arg20[%dma_start3A_510, %dma_start3A_511, %dma_start3A_512] : memref<2x64x256xf32, #tpu.memory_space<vmem>> -> memref<1x64x256xf32, #tpu.memory_space<vmem>>
    %dma_start3A_514 = tpu.memref_squeeze %dma_start3A_513 : memref<1x64x256xf32, #tpu.memory_space<vmem>> -> memref<64x256xf32, #tpu.memory_space<vmem>>
    %dma_start3A_515 = arith.constant 128 : i32
    %dma_start3A_516 = tpu.memref_slice %arg14[%dma_start3A_515] : memref<512xi32, #tpu.memory_space<vmem>> -> memref<64xi32, #tpu.memory_space<vmem>>
    %dma_start3A_517 = arith.constant 0 : i32
    %dma_start3A_518 = arith.constant 0 : i32
    %dma_start3A_519 = tpu.memref_slice %arg6[%dma_start3A_517, %dma_start3A_518] : memref<100001x256xf32, #tpu.memory_space<hbm>> -> memref<100001x256xf32, #tpu.memory_space<hbm>>
    tpu.enqueue_indirect_dma source(%dma_start3A_519 : memref<100001x256xf32, #tpu.memory_space<hbm>>) target(%dma_start3A_514 : memref<64x256xf32, #tpu.memory_space<vmem>>) offsets(%dma_start3A_516 : memref<64xi32, #tpu.memory_space<vmem>>) semaphore(%arg27 : memref<!tpu.dma_semaphore, #tpu.memory_space<semaphore_mem>>)
    %dma_start3A_520 = arith.constant 0 : i32
    %dma_start3A_521 = arith.constant 0 : i32
    %dma_start3A_522 = arith.constant 0 : i32
    %dma_start3A_523 = tpu.memref_slice %arg21[%dma_start3A_520, %dma_start3A_521, %dma_start3A_522] : memref<2x64x256xf32, #tpu.memory_space<vmem>> -> memref<1x64x256xf32, #tpu.memory_space<vmem>>
    %dma_start3A_524 = tpu.memref_squeeze %dma_start3A_523 : memref<1x64x256xf32, #tpu.memory_space<vmem>> -> memref<64x256xf32, #tpu.memory_space<vmem>>
    %dma_start3A_525 = arith.constant 128 : i32
    %dma_start3A_526 = tpu.memref_slice %arg19[%dma_start3A_525] : memref<512xi32, #tpu.memory_space<vmem>> -> memref<64xi32, #tpu.memory_space<vmem>>
    %dma_start3A_527 = arith.constant 0 : i32
    %dma_start3A_528 = arith.constant 0 : i32
    %dma_start3A_529 = tpu.memref_slice %arg6[%dma_start3A_527, %dma_start3A_528] : memref<100001x256xf32, #tpu.memory_space<hbm>> -> memref<100001x256xf32, #tpu.memory_space<hbm>>
    tpu.enqueue_indirect_dma source(%dma_start3A_529 : memref<100001x256xf32, #tpu.memory_space<hbm>>) target(%dma_start3A_524 : memref<64x256xf32, #tpu.memory_space<vmem>>) offsets(%dma_start3A_526 : memref<64xi32, #tpu.memory_space<vmem>>) semaphore(%arg28 : memref<!tpu.dma_semaphore, #tpu.memory_space<semaphore_mem>>)
    %dma_start3A_530 = arith.constant 0 : i32
    %dma_start3A_531 = arith.constant 0 : i32
    %dma_start3A_532 = arith.constant 0 : i32
    %dma_start3A_533 = tpu.memref_slice %arg22[%dma_start3A_530, %dma_start3A_531, %dma_start3A_532] : memref<2x64x128xf32, #tpu.memory_space<vmem>> -> memref<1x64x128xf32, #tpu.memory_space<vmem>>
    %dma_start3A_534 = tpu.memref_squeeze %dma_start3A_533 : memref<1x64x128xf32, #tpu.memory_space<vmem>> -> memref<64x128xf32, #tpu.memory_space<vmem>>
    %dma_start3A_535 = arith.constant 128 : i32
    %dma_start3A_536 = tpu.memref_slice %arg14[%dma_start3A_535] : memref<512xi32, #tpu.memory_space<vmem>> -> memref<64xi32, #tpu.memory_space<vmem>>
    %dma_start3A_537 = arith.constant 0 : i32
    %dma_start3A_538 = arith.constant 0 : i32
    %dma_start3A_539 = tpu.memref_slice %arg7[%dma_start3A_537, %dma_start3A_538] : memref<100001x128xf32, #tpu.memory_space<hbm>> -> memref<100001x128xf32, #tpu.memory_space<hbm>>
    tpu.enqueue_indirect_dma source(%dma_start3A_539 : memref<100001x128xf32, #tpu.memory_space<hbm>>) target(%dma_start3A_534 : memref<64x128xf32, #tpu.memory_space<vmem>>) offsets(%dma_start3A_536 : memref<64xi32, #tpu.memory_space<vmem>>) semaphore(%arg29 : memref<!tpu.dma_semaphore, #tpu.memory_space<semaphore_mem>>)
    %dma_wait3A_540 = arith.constant 1 : i32
    %dma_wait3A_541 = arith.constant 0 : i32
    %dma_wait3A_542 = arith.constant 0 : i32
    %dma_wait3A_543 = tpu.memref_slice %arg20[%dma_wait3A_540, %dma_wait3A_541, %dma_wait3A_542] : memref<2x64x256xf32, #tpu.memory_space<vmem>> -> memref<1x64x256xf32, #tpu.memory_space<vmem>>
    %dma_wait3A_544 = tpu.memref_squeeze %dma_wait3A_543 : memref<1x64x256xf32, #tpu.memory_space<vmem>> -> memref<64x256xf32, #tpu.memory_space<vmem>>
    %dma_wait3A_545 = arith.constant 64 : i32
    %dma_wait3A_546 = tpu.memref_slice %arg14[%dma_wait3A_545] : memref<512xi32, #tpu.memory_space<vmem>> -> memref<64xi32, #tpu.memory_space<vmem>>
    %dma_wait3A_547 = arith.constant 0 : i32
    %dma_wait3A_548 = arith.constant 0 : i32
    %dma_wait3A_549 = tpu.memref_slice %arg6[%dma_wait3A_547, %dma_wait3A_548] : memref<100001x256xf32, #tpu.memory_space<hbm>> -> memref<100001x256xf32, #tpu.memory_space<hbm>>
    tpu.wait_indirect_dma semaphore(%arg30 : memref<!tpu.dma_semaphore, #tpu.memory_space<semaphore_mem>>) src(%dma_wait3A_549 : memref<100001x256xf32, #tpu.memory_space<hbm>>) dst(%dma_wait3A_544 : memref<64x256xf32, #tpu.memory_space<vmem>>)
    %dma_wait3A_550 = arith.constant 1 : i32
    %dma_wait3A_551 = arith.constant 0 : i32
    %dma_wait3A_552 = arith.constant 0 : i32
    %dma_wait3A_553 = tpu.memref_slice %arg21[%dma_wait3A_550, %dma_wait3A_551, %dma_wait3A_552] : memref<2x64x256xf32, #tpu.memory_space<vmem>> -> memref<1x64x256xf32, #tpu.memory_space<vmem>>
    %dma_wait3A_554 = tpu.memref_squeeze %dma_wait3A_553 : memref<1x64x256xf32, #tpu.memory_space<vmem>> -> memref<64x256xf32, #tpu.memory_space<vmem>>
    %dma_wait3A_555 = arith.constant 64 : i32
    %dma_wait3A_556 = tpu.memref_slice %arg19[%dma_wait3A_555] : memref<512xi32, #tpu.memory_space<vmem>> -> memref<64xi32, #tpu.memory_space<vmem>>
    %dma_wait3A_557 = arith.constant 0 : i32
    %dma_wait3A_558 = arith.constant 0 : i32
    %dma_wait3A_559 = tpu.memref_slice %arg6[%dma_wait3A_557, %dma_wait3A_558] : memref<100001x256xf32, #tpu.memory_space<hbm>> -> memref<100001x256xf32, #tpu.memory_space<hbm>>
    tpu.wait_indirect_dma semaphore(%arg31 : memref<!tpu.dma_semaphore, #tpu.memory_space<semaphore_mem>>) src(%dma_wait3A_559 : memref<100001x256xf32, #tpu.memory_space<hbm>>) dst(%dma_wait3A_554 : memref<64x256xf32, #tpu.memory_space<vmem>>)
    %dma_wait3A_560 = arith.constant 1 : i32
    %dma_wait3A_561 = arith.constant 0 : i32
    %dma_wait3A_562 = arith.constant 0 : i32
    %dma_wait3A_563 = tpu.memref_slice %arg22[%dma_wait3A_560, %dma_wait3A_561, %dma_wait3A_562] : memref<2x64x128xf32, #tpu.memory_space<vmem>> -> memref<1x64x128xf32, #tpu.memory_space<vmem>>
    %dma_wait3A_564 = tpu.memref_squeeze %dma_wait3A_563 : memref<1x64x128xf32, #tpu.memory_space<vmem>> -> memref<64x128xf32, #tpu.memory_space<vmem>>
    %dma_wait3A_565 = arith.constant 64 : i32
    %dma_wait3A_566 = tpu.memref_slice %arg14[%dma_wait3A_565] : memref<512xi32, #tpu.memory_space<vmem>> -> memref<64xi32, #tpu.memory_space<vmem>>
    %dma_wait3A_567 = arith.constant 0 : i32
    %dma_wait3A_568 = arith.constant 0 : i32
    %dma_wait3A_569 = tpu.memref_slice %arg7[%dma_wait3A_567, %dma_wait3A_568] : memref<100001x128xf32, #tpu.memory_space<hbm>> -> memref<100001x128xf32, #tpu.memory_space<hbm>>
    tpu.wait_indirect_dma semaphore(%arg32 : memref<!tpu.dma_semaphore, #tpu.memory_space<semaphore_mem>>) src(%dma_wait3A_569 : memref<100001x128xf32, #tpu.memory_space<hbm>>) dst(%dma_wait3A_564 : memref<64x128xf32, #tpu.memory_space<vmem>>)
    %add3A_570 = arith.constant 64 : i32
    %add3A_571 = arith.addi %mul3A_2, %add3A_570 : i32
    %dma_start3A_572 = arith.constant 1 : i32
    %dma_start3A_573 = arith.constant 0 : i32
    %dma_start3A_574 = arith.constant 0 : i32
    %dma_start3A_575 = tpu.memref_slice %arg20[%dma_start3A_572, %dma_start3A_573, %dma_start3A_574] : memref<2x64x256xf32, #tpu.memory_space<vmem>> -> memref<1x64x256xf32, #tpu.memory_space<vmem>>
    %dma_start3A_576 = tpu.memref_squeeze %dma_start3A_575 : memref<1x64x256xf32, #tpu.memory_space<vmem>> -> memref<64x256xf32, #tpu.memory_space<vmem>>
    %dma_start3A_577 = arith.constant 0 : i32
    %dma_start3A_578 = tpu.memref_slice %arg8[%add3A_571, %dma_start3A_577] : memref<16384x256xf32, #tpu.memory_space<hbm>> -> memref<64x256xf32, #tpu.memory_space<hbm>>
    %dma_start3A_579 = arith.constant 0 : i32
    %dma_start3A_580 = tpu.memref_slice %arg8[%add3A_571, %dma_start3A_579] : memref<16384x256xf32, #tpu.memory_space<hbm>> -> memref<64x256xf32, #tpu.memory_space<hbm>>
    %dma_start3A_581 = arith.constant 0 : i32
    %dma_start3A_582 = arith.constant 0 : i32
    %dma_start3A_583 = tpu.memref_slice %arg20[%dma_start3A_572, %dma_start3A_581, %dma_start3A_582] : memref<2x64x256xf32, #tpu.memory_space<vmem>> -> memref<1x64x256xf32, #tpu.memory_space<vmem>>
    %dma_start3A_584 = tpu.memref_squeeze %dma_start3A_583 : memref<1x64x256xf32, #tpu.memory_space<vmem>> -> memref<64x256xf32, #tpu.memory_space<vmem>>
    tpu.enqueue_dma source(%dma_start3A_584 : memref<64x256xf32, #tpu.memory_space<vmem>>) target(%dma_start3A_580 : memref<64x256xf32, #tpu.memory_space<hbm>>) target_semaphore(%arg36 : memref<!tpu.dma_semaphore, #tpu.memory_space<semaphore_mem>>)
    %add3A_585 = arith.constant 64 : i32
    %add3A_586 = arith.addi %mul3A_2, %add3A_585 : i32
    %dma_start3A_587 = arith.constant 1 : i32
    %dma_start3A_588 = arith.constant 0 : i32
    %dma_start3A_589 = arith.constant 0 : i32
    %dma_start3A_590 = tpu.memref_slice %arg21[%dma_start3A_587, %dma_start3A_588, %dma_start3A_589] : memref<2x64x256xf32, #tpu.memory_space<vmem>> -> memref<1x64x256xf32, #tpu.memory_space<vmem>>
    %dma_start3A_591 = tpu.memref_squeeze %dma_start3A_590 : memref<1x64x256xf32, #tpu.memory_space<vmem>> -> memref<64x256xf32, #tpu.memory_space<vmem>>
    %dma_start3A_592 = arith.constant 0 : i32
    %dma_start3A_593 = tpu.memref_slice %arg9[%add3A_586, %dma_start3A_592] : memref<16384x256xf32, #tpu.memory_space<hbm>> -> memref<64x256xf32, #tpu.memory_space<hbm>>
    %dma_start3A_594 = arith.constant 0 : i32
    %dma_start3A_595 = tpu.memref_slice %arg9[%add3A_586, %dma_start3A_594] : memref<16384x256xf32, #tpu.memory_space<hbm>> -> memref<64x256xf32, #tpu.memory_space<hbm>>
    %dma_start3A_596 = arith.constant 0 : i32
    %dma_start3A_597 = arith.constant 0 : i32
    %dma_start3A_598 = tpu.memref_slice %arg21[%dma_start3A_587, %dma_start3A_596, %dma_start3A_597] : memref<2x64x256xf32, #tpu.memory_space<vmem>> -> memref<1x64x256xf32, #tpu.memory_space<vmem>>
    %dma_start3A_599 = tpu.memref_squeeze %dma_start3A_598 : memref<1x64x256xf32, #tpu.memory_space<vmem>> -> memref<64x256xf32, #tpu.memory_space<vmem>>
    tpu.enqueue_dma source(%dma_start3A_599 : memref<64x256xf32, #tpu.memory_space<vmem>>) target(%dma_start3A_595 : memref<64x256xf32, #tpu.memory_space<hbm>>) target_semaphore(%arg37 : memref<!tpu.dma_semaphore, #tpu.memory_space<semaphore_mem>>)
    %add3A_600 = arith.constant 64 : i32
    %add3A_601 = arith.addi %mul3A_2, %add3A_600 : i32
    %dma_start3A_602 = arith.constant 1 : i32
    %dma_start3A_603 = arith.constant 0 : i32
    %dma_start3A_604 = arith.constant 0 : i32
    %dma_start3A_605 = tpu.memref_slice %arg22[%dma_start3A_602, %dma_start3A_603, %dma_start3A_604] : memref<2x64x128xf32, #tpu.memory_space<vmem>> -> memref<1x64x128xf32, #tpu.memory_space<vmem>>
    %dma_start3A_606 = tpu.memref_squeeze %dma_start3A_605 : memref<1x64x128xf32, #tpu.memory_space<vmem>> -> memref<64x128xf32, #tpu.memory_space<vmem>>
    %dma_start3A_607 = arith.constant 0 : i32
    %dma_start3A_608 = tpu.memref_slice %arg10[%add3A_601, %dma_start3A_607] : memref<16384x128xf32, #tpu.memory_space<hbm>> -> memref<64x128xf32, #tpu.memory_space<hbm>>
    %dma_start3A_609 = arith.constant 0 : i32
    %dma_start3A_610 = tpu.memref_slice %arg10[%add3A_601, %dma_start3A_609] : memref<16384x128xf32, #tpu.memory_space<hbm>> -> memref<64x128xf32, #tpu.memory_space<hbm>>
    %dma_start3A_611 = arith.constant 0 : i32
    %dma_start3A_612 = arith.constant 0 : i32
    %dma_start3A_613 = tpu.memref_slice %arg22[%dma_start3A_602, %dma_start3A_611, %dma_start3A_612] : memref<2x64x128xf32, #tpu.memory_space<vmem>> -> memref<1x64x128xf32, #tpu.memory_space<vmem>>
    %dma_start3A_614 = tpu.memref_squeeze %dma_start3A_613 : memref<1x64x128xf32, #tpu.memory_space<vmem>> -> memref<64x128xf32, #tpu.memory_space<vmem>>
    tpu.enqueue_dma source(%dma_start3A_614 : memref<64x128xf32, #tpu.memory_space<vmem>>) target(%dma_start3A_610 : memref<64x128xf32, #tpu.memory_space<hbm>>) target_semaphore(%arg38 : memref<!tpu.dma_semaphore, #tpu.memory_space<semaphore_mem>>)
    %dma_wait3A_615 = arith.constant 1 : i32
    %dma_wait3A_616 = arith.constant 0 : i32
    %dma_wait3A_617 = arith.constant 0 : i32
    %dma_wait3A_618 = tpu.memref_slice %arg20[%dma_wait3A_615, %dma_wait3A_616, %dma_wait3A_617] : memref<2x64x256xf32, #tpu.memory_space<vmem>> -> memref<1x64x256xf32, #tpu.memory_space<vmem>>
    %dma_wait3A_619 = tpu.memref_squeeze %dma_wait3A_618 : memref<1x64x256xf32, #tpu.memory_space<vmem>> -> memref<64x256xf32, #tpu.memory_space<vmem>>
    %dma_wait3A_620 = arith.constant 0 : i32
    %dma_wait3A_621 = tpu.memref_slice %arg8[%add3A_571, %dma_wait3A_620] : memref<16384x256xf32, #tpu.memory_space<hbm>> -> memref<64x256xf32, #tpu.memory_space<hbm>>
    %dma_wait3A_622 = arith.constant 0 : i32
    %dma_wait3A_623 = tpu.memref_slice %arg8[%add3A_571, %dma_wait3A_622] : memref<16384x256xf32, #tpu.memory_space<hbm>> -> memref<64x256xf32, #tpu.memory_space<hbm>>
    %dma_wait3A_624 = arith.constant 0 : i32
    %dma_wait3A_625 = arith.constant 0 : i32
    %dma_wait3A_626 = tpu.memref_slice %arg20[%dma_wait3A_615, %dma_wait3A_624, %dma_wait3A_625] : memref<2x64x256xf32, #tpu.memory_space<vmem>> -> memref<1x64x256xf32, #tpu.memory_space<vmem>>
    %dma_wait3A_627 = tpu.memref_squeeze %dma_wait3A_626 : memref<1x64x256xf32, #tpu.memory_space<vmem>> -> memref<64x256xf32, #tpu.memory_space<vmem>>
    tpu.wait_dma2 semaphore(%arg36 : memref<!tpu.dma_semaphore, #tpu.memory_space<semaphore_mem>>) src(%dma_wait3A_627 : memref<64x256xf32, #tpu.memory_space<vmem>>) dst(%dma_wait3A_623 : memref<64x256xf32, #tpu.memory_space<hbm>>)
    %dma_wait3A_628 = arith.constant 1 : i32
    %dma_wait3A_629 = arith.constant 0 : i32
    %dma_wait3A_630 = arith.constant 0 : i32
    %dma_wait3A_631 = tpu.memref_slice %arg21[%dma_wait3A_628, %dma_wait3A_629, %dma_wait3A_630] : memref<2x64x256xf32, #tpu.memory_space<vmem>> -> memref<1x64x256xf32, #tpu.memory_space<vmem>>
    %dma_wait3A_632 = tpu.memref_squeeze %dma_wait3A_631 : memref<1x64x256xf32, #tpu.memory_space<vmem>> -> memref<64x256xf32, #tpu.memory_space<vmem>>
    %dma_wait3A_633 = arith.constant 0 : i32
    %dma_wait3A_634 = tpu.memref_slice %arg9[%add3A_586, %dma_wait3A_633] : memref<16384x256xf32, #tpu.memory_space<hbm>> -> memref<64x256xf32, #tpu.memory_space<hbm>>
    %dma_wait3A_635 = arith.constant 0 : i32
    %dma_wait3A_636 = tpu.memref_slice %arg9[%add3A_586, %dma_wait3A_635] : memref<16384x256xf32, #tpu.memory_space<hbm>> -> memref<64x256xf32, #tpu.memory_space<hbm>>
    %dma_wait3A_637 = arith.constant 0 : i32
    %dma_wait3A_638 = arith.constant 0 : i32
    %dma_wait3A_639 = tpu.memref_slice %arg21[%dma_wait3A_628, %dma_wait3A_637, %dma_wait3A_638] : memref<2x64x256xf32, #tpu.memory_space<vmem>> -> memref<1x64x256xf32, #tpu.memory_space<vmem>>
    %dma_wait3A_640 = tpu.memref_squeeze %dma_wait3A_639 : memref<1x64x256xf32, #tpu.memory_space<vmem>> -> memref<64x256xf32, #tpu.memory_space<vmem>>
    tpu.wait_dma2 semaphore(%arg37 : memref<!tpu.dma_semaphore, #tpu.memory_space<semaphore_mem>>) src(%dma_wait3A_640 : memref<64x256xf32, #tpu.memory_space<vmem>>) dst(%dma_wait3A_636 : memref<64x256xf32, #tpu.memory_space<hbm>>)
    %dma_wait3A_641 = arith.constant 1 : i32
    %dma_wait3A_642 = arith.constant 0 : i32
    %dma_wait3A_643 = arith.constant 0 : i32
    %dma_wait3A_644 = tpu.memref_slice %arg22[%dma_wait3A_641, %dma_wait3A_642, %dma_wait3A_643] : memref<2x64x128xf32, #tpu.memory_space<vmem>> -> memref<1x64x128xf32, #tpu.memory_space<vmem>>
    %dma_wait3A_645 = tpu.memref_squeeze %dma_wait3A_644 : memref<1x64x128xf32, #tpu.memory_space<vmem>> -> memref<64x128xf32, #tpu.memory_space<vmem>>
    %dma_wait3A_646 = arith.constant 0 : i32
    %dma_wait3A_647 = tpu.memref_slice %arg10[%add3A_601, %dma_wait3A_646] : memref<16384x128xf32, #tpu.memory_space<hbm>> -> memref<64x128xf32, #tpu.memory_space<hbm>>
    %dma_wait3A_648 = arith.constant 0 : i32
    %dma_wait3A_649 = tpu.memref_slice %arg10[%add3A_601, %dma_wait3A_648] : memref<16384x128xf32, #tpu.memory_space<hbm>> -> memref<64x128xf32, #tpu.memory_space<hbm>>
    %dma_wait3A_650 = arith.constant 0 : i32
    %dma_wait3A_651 = arith.constant 0 : i32
    %dma_wait3A_652 = tpu.memref_slice %arg22[%dma_wait3A_641, %dma_wait3A_650, %dma_wait3A_651] : memref<2x64x128xf32, #tpu.memory_space<vmem>> -> memref<1x64x128xf32, #tpu.memory_space<vmem>>
    %dma_wait3A_653 = tpu.memref_squeeze %dma_wait3A_652 : memref<1x64x128xf32, #tpu.memory_space<vmem>> -> memref<64x128xf32, #tpu.memory_space<vmem>>
    tpu.wait_dma2 semaphore(%arg38 : memref<!tpu.dma_semaphore, #tpu.memory_space<semaphore_mem>>) src(%dma_wait3A_653 : memref<64x128xf32, #tpu.memory_space<vmem>>) dst(%dma_wait3A_649 : memref<64x128xf32, #tpu.memory_space<hbm>>)
    %dma_start3A_654 = arith.constant 1 : i32
    %dma_start3A_655 = arith.constant 0 : i32
    %dma_start3A_656 = arith.constant 0 : i32
    %dma_start3A_657 = tpu.memref_slice %arg20[%dma_start3A_654, %dma_start3A_655, %dma_start3A_656] : memref<2x64x256xf32, #tpu.memory_space<vmem>> -> memref<1x64x256xf32, #tpu.memory_space<vmem>>
    %dma_start3A_658 = tpu.memref_squeeze %dma_start3A_657 : memref<1x64x256xf32, #tpu.memory_space<vmem>> -> memref<64x256xf32, #tpu.memory_space<vmem>>
    %dma_start3A_659 = arith.constant 192 : i32
    %dma_start3A_660 = tpu.memref_slice %arg14[%dma_start3A_659] : memref<512xi32, #tpu.memory_space<vmem>> -> memref<64xi32, #tpu.memory_space<vmem>>
    %dma_start3A_661 = arith.constant 0 : i32
    %dma_start3A_662 = arith.constant 0 : i32
    %dma_start3A_663 = tpu.memref_slice %arg6[%dma_start3A_661, %dma_start3A_662] : memref<100001x256xf32, #tpu.memory_space<hbm>> -> memref<100001x256xf32, #tpu.memory_space<hbm>>
    tpu.enqueue_indirect_dma source(%dma_start3A_663 : memref<100001x256xf32, #tpu.memory_space<hbm>>) target(%dma_start3A_658 : memref<64x256xf32, #tpu.memory_space<vmem>>) offsets(%dma_start3A_660 : memref<64xi32, #tpu.memory_space<vmem>>) semaphore(%arg30 : memref<!tpu.dma_semaphore, #tpu.memory_space<semaphore_mem>>)
    %dma_start3A_664 = arith.constant 1 : i32
    %dma_start3A_665 = arith.constant 0 : i32
    %dma_start3A_666 = arith.constant 0 : i32
    %dma_start3A_667 = tpu.memref_slice %arg21[%dma_start3A_664, %dma_start3A_665, %dma_start3A_666] : memref<2x64x256xf32, #tpu.memory_space<vmem>> -> memref<1x64x256xf32, #tpu.memory_space<vmem>>
    %dma_start3A_668 = tpu.memref_squeeze %dma_start3A_667 : memref<1x64x256xf32, #tpu.memory_space<vmem>> -> memref<64x256xf32, #tpu.memory_space<vmem>>
    %dma_start3A_669 = arith.constant 192 : i32
    %dma_start3A_670 = tpu.memref_slice %arg19[%dma_start3A_669] : memref<512xi32, #tpu.memory_space<vmem>> -> memref<64xi32, #tpu.memory_space<vmem>>
    %dma_start3A_671 = arith.constant 0 : i32
    %dma_start3A_672 = arith.constant 0 : i32
    %dma_start3A_673 = tpu.memref_slice %arg6[%dma_start3A_671, %dma_start3A_672] : memref<100001x256xf32, #tpu.memory_space<hbm>> -> memref<100001x256xf32, #tpu.memory_space<hbm>>
    tpu.enqueue_indirect_dma source(%dma_start3A_673 : memref<100001x256xf32, #tpu.memory_space<hbm>>) target(%dma_start3A_668 : memref<64x256xf32, #tpu.memory_space<vmem>>) offsets(%dma_start3A_670 : memref<64xi32, #tpu.memory_space<vmem>>) semaphore(%arg31 : memref<!tpu.dma_semaphore, #tpu.memory_space<semaphore_mem>>)
    %dma_start3A_674 = arith.constant 1 : i32
    %dma_start3A_675 = arith.constant 0 : i32
    %dma_start3A_676 = arith.constant 0 : i32
    %dma_start3A_677 = tpu.memref_slice %arg22[%dma_start3A_674, %dma_start3A_675, %dma_start3A_676] : memref<2x64x128xf32, #tpu.memory_space<vmem>> -> memref<1x64x128xf32, #tpu.memory_space<vmem>>
    %dma_start3A_678 = tpu.memref_squeeze %dma_start3A_677 : memref<1x64x128xf32, #tpu.memory_space<vmem>> -> memref<64x128xf32, #tpu.memory_space<vmem>>
    %dma_start3A_679 = arith.constant 192 : i32
    %dma_start3A_680 = tpu.memref_slice %arg14[%dma_start3A_679] : memref<512xi32, #tpu.memory_space<vmem>> -> memref<64xi32, #tpu.memory_space<vmem>>
    %dma_start3A_681 = arith.constant 0 : i32
    %dma_start3A_682 = arith.constant 0 : i32
    %dma_start3A_683 = tpu.memref_slice %arg7[%dma_start3A_681, %dma_start3A_682] : memref<100001x128xf32, #tpu.memory_space<hbm>> -> memref<100001x128xf32, #tpu.memory_space<hbm>>
    tpu.enqueue_indirect_dma source(%dma_start3A_683 : memref<100001x128xf32, #tpu.memory_space<hbm>>) target(%dma_start3A_678 : memref<64x128xf32, #tpu.memory_space<vmem>>) offsets(%dma_start3A_680 : memref<64xi32, #tpu.memory_space<vmem>>) semaphore(%arg32 : memref<!tpu.dma_semaphore, #tpu.memory_space<semaphore_mem>>)
    %dma_wait3A_684 = arith.constant 0 : i32
    %dma_wait3A_685 = arith.constant 0 : i32
    %dma_wait3A_686 = arith.constant 0 : i32
    %dma_wait3A_687 = tpu.memref_slice %arg20[%dma_wait3A_684, %dma_wait3A_685, %dma_wait3A_686] : memref<2x64x256xf32, #tpu.memory_space<vmem>> -> memref<1x64x256xf32, #tpu.memory_space<vmem>>
    %dma_wait3A_688 = tpu.memref_squeeze %dma_wait3A_687 : memref<1x64x256xf32, #tpu.memory_space<vmem>> -> memref<64x256xf32, #tpu.memory_space<vmem>>
    %dma_wait3A_689 = arith.constant 128 : i32
    %dma_wait3A_690 = tpu.memref_slice %arg14[%dma_wait3A_689] : memref<512xi32, #tpu.memory_space<vmem>> -> memref<64xi32, #tpu.memory_space<vmem>>
    %dma_wait3A_691 = arith.constant 0 : i32
    %dma_wait3A_692 = arith.constant 0 : i32
    %dma_wait3A_693 = tpu.memref_slice %arg6[%dma_wait3A_691, %dma_wait3A_692] : memref<100001x256xf32, #tpu.memory_space<hbm>> -> memref<100001x256xf32, #tpu.memory_space<hbm>>
    tpu.wait_indirect_dma semaphore(%arg27 : memref<!tpu.dma_semaphore, #tpu.memory_space<semaphore_mem>>) src(%dma_wait3A_693 : memref<100001x256xf32, #tpu.memory_space<hbm>>) dst(%dma_wait3A_688 : memref<64x256xf32, #tpu.memory_space<vmem>>)
    %dma_wait3A_694 = arith.constant 0 : i32
    %dma_wait3A_695 = arith.constant 0 : i32
    %dma_wait3A_696 = arith.constant 0 : i32
    %dma_wait3A_697 = tpu.memref_slice %arg21[%dma_wait3A_694, %dma_wait3A_695, %dma_wait3A_696] : memref<2x64x256xf32, #tpu.memory_space<vmem>> -> memref<1x64x256xf32, #tpu.memory_space<vmem>>
    %dma_wait3A_698 = tpu.memref_squeeze %dma_wait3A_697 : memref<1x64x256xf32, #tpu.memory_space<vmem>> -> memref<64x256xf32, #tpu.memory_space<vmem>>
    %dma_wait3A_699 = arith.constant 128 : i32
    %dma_wait3A_700 = tpu.memref_slice %arg19[%dma_wait3A_699] : memref<512xi32, #tpu.memory_space<vmem>> -> memref<64xi32, #tpu.memory_space<vmem>>
    %dma_wait3A_701 = arith.constant 0 : i32
    %dma_wait3A_702 = arith.constant 0 : i32
    %dma_wait3A_703 = tpu.memref_slice %arg6[%dma_wait3A_701, %dma_wait3A_702] : memref<100001x256xf32, #tpu.memory_space<hbm>> -> memref<100001x256xf32, #tpu.memory_space<hbm>>
    tpu.wait_indirect_dma semaphore(%arg28 : memref<!tpu.dma_semaphore, #tpu.memory_space<semaphore_mem>>) src(%dma_wait3A_703 : memref<100001x256xf32, #tpu.memory_space<hbm>>) dst(%dma_wait3A_698 : memref<64x256xf32, #tpu.memory_space<vmem>>)
    %dma_wait3A_704 = arith.constant 0 : i32
    %dma_wait3A_705 = arith.constant 0 : i32
    %dma_wait3A_706 = arith.constant 0 : i32
    %dma_wait3A_707 = tpu.memref_slice %arg22[%dma_wait3A_704, %dma_wait3A_705, %dma_wait3A_706] : memref<2x64x128xf32, #tpu.memory_space<vmem>> -> memref<1x64x128xf32, #tpu.memory_space<vmem>>
    %dma_wait3A_708 = tpu.memref_squeeze %dma_wait3A_707 : memref<1x64x128xf32, #tpu.memory_space<vmem>> -> memref<64x128xf32, #tpu.memory_space<vmem>>
    %dma_wait3A_709 = arith.constant 128 : i32
    %dma_wait3A_710 = tpu.memref_slice %arg14[%dma_wait3A_709] : memref<512xi32, #tpu.memory_space<vmem>> -> memref<64xi32, #tpu.memory_space<vmem>>
    %dma_wait3A_711 = arith.constant 0 : i32
    %dma_wait3A_712 = arith.constant 0 : i32
    %dma_wait3A_713 = tpu.memref_slice %arg7[%dma_wait3A_711, %dma_wait3A_712] : memref<100001x128xf32, #tpu.memory_space<hbm>> -> memref<100001x128xf32, #tpu.memory_space<hbm>>
    tpu.wait_indirect_dma semaphore(%arg29 : memref<!tpu.dma_semaphore, #tpu.memory_space<semaphore_mem>>) src(%dma_wait3A_713 : memref<100001x128xf32, #tpu.memory_space<hbm>>) dst(%dma_wait3A_708 : memref<64x128xf32, #tpu.memory_space<vmem>>)
    %add3A_714 = arith.constant 128 : i32
    %add3A_715 = arith.addi %mul3A_2, %add3A_714 : i32
    %dma_start3A_716 = arith.constant 0 : i32
    %dma_start3A_717 = arith.constant 0 : i32
    %dma_start3A_718 = arith.constant 0 : i32
    %dma_start3A_719 = tpu.memref_slice %arg20[%dma_start3A_716, %dma_start3A_717, %dma_start3A_718] : memref<2x64x256xf32, #tpu.memory_space<vmem>> -> memref<1x64x256xf32, #tpu.memory_space<vmem>>
    %dma_start3A_720 = tpu.memref_squeeze %dma_start3A_719 : memref<1x64x256xf32, #tpu.memory_space<vmem>> -> memref<64x256xf32, #tpu.memory_space<vmem>>
    %dma_start3A_721 = arith.constant 0 : i32
    %dma_start3A_722 = tpu.memref_slice %arg8[%add3A_715, %dma_start3A_721] : memref<16384x256xf32, #tpu.memory_space<hbm>> -> memref<64x256xf32, #tpu.memory_space<hbm>>
    %dma_start3A_723 = arith.constant 0 : i32
    %dma_start3A_724 = tpu.memref_slice %arg8[%add3A_715, %dma_start3A_723] : memref<16384x256xf32, #tpu.memory_space<hbm>> -> memref<64x256xf32, #tpu.memory_space<hbm>>
    %dma_start3A_725 = arith.constant 0 : i32
    %dma_start3A_726 = arith.constant 0 : i32
    %dma_start3A_727 = tpu.memref_slice %arg20[%dma_start3A_716, %dma_start3A_725, %dma_start3A_726] : memref<2x64x256xf32, #tpu.memory_space<vmem>> -> memref<1x64x256xf32, #tpu.memory_space<vmem>>
    %dma_start3A_728 = tpu.memref_squeeze %dma_start3A_727 : memref<1x64x256xf32, #tpu.memory_space<vmem>> -> memref<64x256xf32, #tpu.memory_space<vmem>>
    tpu.enqueue_dma source(%dma_start3A_728 : memref<64x256xf32, #tpu.memory_space<vmem>>) target(%dma_start3A_724 : memref<64x256xf32, #tpu.memory_space<hbm>>) target_semaphore(%arg33 : memref<!tpu.dma_semaphore, #tpu.memory_space<semaphore_mem>>)
    %add3A_729 = arith.constant 128 : i32
    %add3A_730 = arith.addi %mul3A_2, %add3A_729 : i32
    %dma_start3A_731 = arith.constant 0 : i32
    %dma_start3A_732 = arith.constant 0 : i32
    %dma_start3A_733 = arith.constant 0 : i32
    %dma_start3A_734 = tpu.memref_slice %arg21[%dma_start3A_731, %dma_start3A_732, %dma_start3A_733] : memref<2x64x256xf32, #tpu.memory_space<vmem>> -> memref<1x64x256xf32, #tpu.memory_space<vmem>>
    %dma_start3A_735 = tpu.memref_squeeze %dma_start3A_734 : memref<1x64x256xf32, #tpu.memory_space<vmem>> -> memref<64x256xf32, #tpu.memory_space<vmem>>
    %dma_start3A_736 = arith.constant 0 : i32
    %dma_start3A_737 = tpu.memref_slice %arg9[%add3A_730, %dma_start3A_736] : memref<16384x256xf32, #tpu.memory_space<hbm>> -> memref<64x256xf32, #tpu.memory_space<hbm>>
    %dma_start3A_738 = arith.constant 0 : i32
    %dma_start3A_739 = tpu.memref_slice %arg9[%add3A_730, %dma_start3A_738] : memref<16384x256xf32, #tpu.memory_space<hbm>> -> memref<64x256xf32, #tpu.memory_space<hbm>>
    %dma_start3A_740 = arith.constant 0 : i32
    %dma_start3A_741 = arith.constant 0 : i32
    %dma_start3A_742 = tpu.memref_slice %arg21[%dma_start3A_731, %dma_start3A_740, %dma_start3A_741] : memref<2x64x256xf32, #tpu.memory_space<vmem>> -> memref<1x64x256xf32, #tpu.memory_space<vmem>>
    %dma_start3A_743 = tpu.memref_squeeze %dma_start3A_742 : memref<1x64x256xf32, #tpu.memory_space<vmem>> -> memref<64x256xf32, #tpu.memory_space<vmem>>
    tpu.enqueue_dma source(%dma_start3A_743 : memref<64x256xf32, #tpu.memory_space<vmem>>) target(%dma_start3A_739 : memref<64x256xf32, #tpu.memory_space<hbm>>) target_semaphore(%arg34 : memref<!tpu.dma_semaphore, #tpu.memory_space<semaphore_mem>>)
    %add3A_744 = arith.constant 128 : i32
    %add3A_745 = arith.addi %mul3A_2, %add3A_744 : i32
    %dma_start3A_746 = arith.constant 0 : i32
    %dma_start3A_747 = arith.constant 0 : i32
    %dma_start3A_748 = arith.constant 0 : i32
    %dma_start3A_749 = tpu.memref_slice %arg22[%dma_start3A_746, %dma_start3A_747, %dma_start3A_748] : memref<2x64x128xf32, #tpu.memory_space<vmem>> -> memref<1x64x128xf32, #tpu.memory_space<vmem>>
    %dma_start3A_750 = tpu.memref_squeeze %dma_start3A_749 : memref<1x64x128xf32, #tpu.memory_space<vmem>> -> memref<64x128xf32, #tpu.memory_space<vmem>>
    %dma_start3A_751 = arith.constant 0 : i32
    %dma_start3A_752 = tpu.memref_slice %arg10[%add3A_745, %dma_start3A_751] : memref<16384x128xf32, #tpu.memory_space<hbm>> -> memref<64x128xf32, #tpu.memory_space<hbm>>
    %dma_start3A_753 = arith.constant 0 : i32
    %dma_start3A_754 = tpu.memref_slice %arg10[%add3A_745, %dma_start3A_753] : memref<16384x128xf32, #tpu.memory_space<hbm>> -> memref<64x128xf32, #tpu.memory_space<hbm>>
    %dma_start3A_755 = arith.constant 0 : i32
    %dma_start3A_756 = arith.constant 0 : i32
    %dma_start3A_757 = tpu.memref_slice %arg22[%dma_start3A_746, %dma_start3A_755, %dma_start3A_756] : memref<2x64x128xf32, #tpu.memory_space<vmem>> -> memref<1x64x128xf32, #tpu.memory_space<vmem>>
    %dma_start3A_758 = tpu.memref_squeeze %dma_start3A_757 : memref<1x64x128xf32, #tpu.memory_space<vmem>> -> memref<64x128xf32, #tpu.memory_space<vmem>>
    tpu.enqueue_dma source(%dma_start3A_758 : memref<64x128xf32, #tpu.memory_space<vmem>>) target(%dma_start3A_754 : memref<64x128xf32, #tpu.memory_space<hbm>>) target_semaphore(%arg35 : memref<!tpu.dma_semaphore, #tpu.memory_space<semaphore_mem>>)
    %dma_wait3A_759 = arith.constant 0 : i32
    %dma_wait3A_760 = arith.constant 0 : i32
    %dma_wait3A_761 = arith.constant 0 : i32
    %dma_wait3A_762 = tpu.memref_slice %arg20[%dma_wait3A_759, %dma_wait3A_760, %dma_wait3A_761] : memref<2x64x256xf32, #tpu.memory_space<vmem>> -> memref<1x64x256xf32, #tpu.memory_space<vmem>>
    %dma_wait3A_763 = tpu.memref_squeeze %dma_wait3A_762 : memref<1x64x256xf32, #tpu.memory_space<vmem>> -> memref<64x256xf32, #tpu.memory_space<vmem>>
    %dma_wait3A_764 = arith.constant 0 : i32
    %dma_wait3A_765 = tpu.memref_slice %arg8[%add3A_715, %dma_wait3A_764] : memref<16384x256xf32, #tpu.memory_space<hbm>> -> memref<64x256xf32, #tpu.memory_space<hbm>>
    %dma_wait3A_766 = arith.constant 0 : i32
    %dma_wait3A_767 = tpu.memref_slice %arg8[%add3A_715, %dma_wait3A_766] : memref<16384x256xf32, #tpu.memory_space<hbm>> -> memref<64x256xf32, #tpu.memory_space<hbm>>
    %dma_wait3A_768 = arith.constant 0 : i32
    %dma_wait3A_769 = arith.constant 0 : i32
    %dma_wait3A_770 = tpu.memref_slice %arg20[%dma_wait3A_759, %dma_wait3A_768, %dma_wait3A_769] : memref<2x64x256xf32, #tpu.memory_space<vmem>> -> memref<1x64x256xf32, #tpu.memory_space<vmem>>
    %dma_wait3A_771 = tpu.memref_squeeze %dma_wait3A_770 : memref<1x64x256xf32, #tpu.memory_space<vmem>> -> memref<64x256xf32, #tpu.memory_space<vmem>>
    tpu.wait_dma2 semaphore(%arg33 : memref<!tpu.dma_semaphore, #tpu.memory_space<semaphore_mem>>) src(%dma_wait3A_771 : memref<64x256xf32, #tpu.memory_space<vmem>>) dst(%dma_wait3A_767 : memref<64x256xf32, #tpu.memory_space<hbm>>)
    %dma_wait3A_772 = arith.constant 0 : i32
    %dma_wait3A_773 = arith.constant 0 : i32
    %dma_wait3A_774 = arith.constant 0 : i32
    %dma_wait3A_775 = tpu.memref_slice %arg21[%dma_wait3A_772, %dma_wait3A_773, %dma_wait3A_774] : memref<2x64x256xf32, #tpu.memory_space<vmem>> -> memref<1x64x256xf32, #tpu.memory_space<vmem>>
    %dma_wait3A_776 = tpu.memref_squeeze %dma_wait3A_775 : memref<1x64x256xf32, #tpu.memory_space<vmem>> -> memref<64x256xf32, #tpu.memory_space<vmem>>
    %dma_wait3A_777 = arith.constant 0 : i32
    %dma_wait3A_778 = tpu.memref_slice %arg9[%add3A_730, %dma_wait3A_777] : memref<16384x256xf32, #tpu.memory_space<hbm>> -> memref<64x256xf32, #tpu.memory_space<hbm>>
    %dma_wait3A_779 = arith.constant 0 : i32
    %dma_wait3A_780 = tpu.memref_slice %arg9[%add3A_730, %dma_wait3A_779] : memref<16384x256xf32, #tpu.memory_space<hbm>> -> memref<64x256xf32, #tpu.memory_space<hbm>>
    %dma_wait3A_781 = arith.constant 0 : i32
    %dma_wait3A_782 = arith.constant 0 : i32
    %dma_wait3A_783 = tpu.memref_slice %arg21[%dma_wait3A_772, %dma_wait3A_781, %dma_wait3A_782] : memref<2x64x256xf32, #tpu.memory_space<vmem>> -> memref<1x64x256xf32, #tpu.memory_space<vmem>>
    %dma_wait3A_784 = tpu.memref_squeeze %dma_wait3A_783 : memref<1x64x256xf32, #tpu.memory_space<vmem>> -> memref<64x256xf32, #tpu.memory_space<vmem>>
    tpu.wait_dma2 semaphore(%arg34 : memref<!tpu.dma_semaphore, #tpu.memory_space<semaphore_mem>>) src(%dma_wait3A_784 : memref<64x256xf32, #tpu.memory_space<vmem>>) dst(%dma_wait3A_780 : memref<64x256xf32, #tpu.memory_space<hbm>>)
    %dma_wait3A_785 = arith.constant 0 : i32
    %dma_wait3A_786 = arith.constant 0 : i32
    %dma_wait3A_787 = arith.constant 0 : i32
    %dma_wait3A_788 = tpu.memref_slice %arg22[%dma_wait3A_785, %dma_wait3A_786, %dma_wait3A_787] : memref<2x64x128xf32, #tpu.memory_space<vmem>> -> memref<1x64x128xf32, #tpu.memory_space<vmem>>
    %dma_wait3A_789 = tpu.memref_squeeze %dma_wait3A_788 : memref<1x64x128xf32, #tpu.memory_space<vmem>> -> memref<64x128xf32, #tpu.memory_space<vmem>>
    %dma_wait3A_790 = arith.constant 0 : i32
    %dma_wait3A_791 = tpu.memref_slice %arg10[%add3A_745, %dma_wait3A_790] : memref<16384x128xf32, #tpu.memory_space<hbm>> -> memref<64x128xf32, #tpu.memory_space<hbm>>
    %dma_wait3A_792 = arith.constant 0 : i32
    %dma_wait3A_793 = tpu.memref_slice %arg10[%add3A_745, %dma_wait3A_792] : memref<16384x128xf32, #tpu.memory_space<hbm>> -> memref<64x128xf32, #tpu.memory_space<hbm>>
    %dma_wait3A_794 = arith.constant 0 : i32
    %dma_wait3A_795 = arith.constant 0 : i32
    %dma_wait3A_796 = tpu.memref_slice %arg22[%dma_wait3A_785, %dma_wait3A_794, %dma_wait3A_795] : memref<2x64x128xf32, #tpu.memory_space<vmem>> -> memref<1x64x128xf32, #tpu.memory_space<vmem>>
    %dma_wait3A_797 = tpu.memref_squeeze %dma_wait3A_796 : memref<1x64x128xf32, #tpu.memory_space<vmem>> -> memref<64x128xf32, #tpu.memory_space<vmem>>
    tpu.wait_dma2 semaphore(%arg35 : memref<!tpu.dma_semaphore, #tpu.memory_space<semaphore_mem>>) src(%dma_wait3A_797 : memref<64x128xf32, #tpu.memory_space<vmem>>) dst(%dma_wait3A_793 : memref<64x128xf32, #tpu.memory_space<hbm>>)
    %dma_start3A_798 = arith.constant 0 : i32
    %dma_start3A_799 = arith.constant 0 : i32
    %dma_start3A_800 = arith.constant 0 : i32
    %dma_start3A_801 = tpu.memref_slice %arg20[%dma_start3A_798, %dma_start3A_799, %dma_start3A_800] : memref<2x64x256xf32, #tpu.memory_space<vmem>> -> memref<1x64x256xf32, #tpu.memory_space<vmem>>
    %dma_start3A_802 = tpu.memref_squeeze %dma_start3A_801 : memref<1x64x256xf32, #tpu.memory_space<vmem>> -> memref<64x256xf32, #tpu.memory_space<vmem>>
    %dma_start3A_803 = arith.constant 256 : i32
    %dma_start3A_804 = tpu.memref_slice %arg14[%dma_start3A_803] : memref<512xi32, #tpu.memory_space<vmem>> -> memref<64xi32, #tpu.memory_space<vmem>>
    %dma_start3A_805 = arith.constant 0 : i32
    %dma_start3A_806 = arith.constant 0 : i32
    %dma_start3A_807 = tpu.memref_slice %arg6[%dma_start3A_805, %dma_start3A_806] : memref<100001x256xf32, #tpu.memory_space<hbm>> -> memref<100001x256xf32, #tpu.memory_space<hbm>>
    tpu.enqueue_indirect_dma source(%dma_start3A_807 : memref<100001x256xf32, #tpu.memory_space<hbm>>) target(%dma_start3A_802 : memref<64x256xf32, #tpu.memory_space<vmem>>) offsets(%dma_start3A_804 : memref<64xi32, #tpu.memory_space<vmem>>) semaphore(%arg27 : memref<!tpu.dma_semaphore, #tpu.memory_space<semaphore_mem>>)
    %dma_start3A_808 = arith.constant 0 : i32
    %dma_start3A_809 = arith.constant 0 : i32
    %dma_start3A_810 = arith.constant 0 : i32
    %dma_start3A_811 = tpu.memref_slice %arg21[%dma_start3A_808, %dma_start3A_809, %dma_start3A_810] : memref<2x64x256xf32, #tpu.memory_space<vmem>> -> memref<1x64x256xf32, #tpu.memory_space<vmem>>
    %dma_start3A_812 = tpu.memref_squeeze %dma_start3A_811 : memref<1x64x256xf32, #tpu.memory_space<vmem>> -> memref<64x256xf32, #tpu.memory_space<vmem>>
    %dma_start3A_813 = arith.constant 256 : i32
    %dma_start3A_814 = tpu.memref_slice %arg19[%dma_start3A_813] : memref<512xi32, #tpu.memory_space<vmem>> -> memref<64xi32, #tpu.memory_space<vmem>>
    %dma_start3A_815 = arith.constant 0 : i32
    %dma_start3A_816 = arith.constant 0 : i32
    %dma_start3A_817 = tpu.memref_slice %arg6[%dma_start3A_815, %dma_start3A_816] : memref<100001x256xf32, #tpu.memory_space<hbm>> -> memref<100001x256xf32, #tpu.memory_space<hbm>>
    tpu.enqueue_indirect_dma source(%dma_start3A_817 : memref<100001x256xf32, #tpu.memory_space<hbm>>) target(%dma_start3A_812 : memref<64x256xf32, #tpu.memory_space<vmem>>) offsets(%dma_start3A_814 : memref<64xi32, #tpu.memory_space<vmem>>) semaphore(%arg28 : memref<!tpu.dma_semaphore, #tpu.memory_space<semaphore_mem>>)
    %dma_start3A_818 = arith.constant 0 : i32
    %dma_start3A_819 = arith.constant 0 : i32
    %dma_start3A_820 = arith.constant 0 : i32
    %dma_start3A_821 = tpu.memref_slice %arg22[%dma_start3A_818, %dma_start3A_819, %dma_start3A_820] : memref<2x64x128xf32, #tpu.memory_space<vmem>> -> memref<1x64x128xf32, #tpu.memory_space<vmem>>
    %dma_start3A_822 = tpu.memref_squeeze %dma_start3A_821 : memref<1x64x128xf32, #tpu.memory_space<vmem>> -> memref<64x128xf32, #tpu.memory_space<vmem>>
    %dma_start3A_823 = arith.constant 256 : i32
    %dma_start3A_824 = tpu.memref_slice %arg14[%dma_start3A_823] : memref<512xi32, #tpu.memory_space<vmem>> -> memref<64xi32, #tpu.memory_space<vmem>>
    %dma_start3A_825 = arith.constant 0 : i32
    %dma_start3A_826 = arith.constant 0 : i32
    %dma_start3A_827 = tpu.memref_slice %arg7[%dma_start3A_825, %dma_start3A_826] : memref<100001x128xf32, #tpu.memory_space<hbm>> -> memref<100001x128xf32, #tpu.memory_space<hbm>>
    tpu.enqueue_indirect_dma source(%dma_start3A_827 : memref<100001x128xf32, #tpu.memory_space<hbm>>) target(%dma_start3A_822 : memref<64x128xf32, #tpu.memory_space<vmem>>) offsets(%dma_start3A_824 : memref<64xi32, #tpu.memory_space<vmem>>) semaphore(%arg29 : memref<!tpu.dma_semaphore, #tpu.memory_space<semaphore_mem>>)
    %dma_wait3A_828 = arith.constant 1 : i32
    %dma_wait3A_829 = arith.constant 0 : i32
    %dma_wait3A_830 = arith.constant 0 : i32
    %dma_wait3A_831 = tpu.memref_slice %arg20[%dma_wait3A_828, %dma_wait3A_829, %dma_wait3A_830] : memref<2x64x256xf32, #tpu.memory_space<vmem>> -> memref<1x64x256xf32, #tpu.memory_space<vmem>>
    %dma_wait3A_832 = tpu.memref_squeeze %dma_wait3A_831 : memref<1x64x256xf32, #tpu.memory_space<vmem>> -> memref<64x256xf32, #tpu.memory_space<vmem>>
    %dma_wait3A_833 = arith.constant 192 : i32
    %dma_wait3A_834 = tpu.memref_slice %arg14[%dma_wait3A_833] : memref<512xi32, #tpu.memory_space<vmem>> -> memref<64xi32, #tpu.memory_space<vmem>>
    %dma_wait3A_835 = arith.constant 0 : i32
    %dma_wait3A_836 = arith.constant 0 : i32
    %dma_wait3A_837 = tpu.memref_slice %arg6[%dma_wait3A_835, %dma_wait3A_836] : memref<100001x256xf32, #tpu.memory_space<hbm>> -> memref<100001x256xf32, #tpu.memory_space<hbm>>
    tpu.wait_indirect_dma semaphore(%arg30 : memref<!tpu.dma_semaphore, #tpu.memory_space<semaphore_mem>>) src(%dma_wait3A_837 : memref<100001x256xf32, #tpu.memory_space<hbm>>) dst(%dma_wait3A_832 : memref<64x256xf32, #tpu.memory_space<vmem>>)
    %dma_wait3A_838 = arith.constant 1 : i32
    %dma_wait3A_839 = arith.constant 0 : i32
    %dma_wait3A_840 = arith.constant 0 : i32
    %dma_wait3A_841 = tpu.memref_slice %arg21[%dma_wait3A_838, %dma_wait3A_839, %dma_wait3A_840] : memref<2x64x256xf32, #tpu.memory_space<vmem>> -> memref<1x64x256xf32, #tpu.memory_space<vmem>>
    %dma_wait3A_842 = tpu.memref_squeeze %dma_wait3A_841 : memref<1x64x256xf32, #tpu.memory_space<vmem>> -> memref<64x256xf32, #tpu.memory_space<vmem>>
    %dma_wait3A_843 = arith.constant 192 : i32
    %dma_wait3A_844 = tpu.memref_slice %arg19[%dma_wait3A_843] : memref<512xi32, #tpu.memory_space<vmem>> -> memref<64xi32, #tpu.memory_space<vmem>>
    %dma_wait3A_845 = arith.constant 0 : i32
    %dma_wait3A_846 = arith.constant 0 : i32
    %dma_wait3A_847 = tpu.memref_slice %arg6[%dma_wait3A_845, %dma_wait3A_846] : memref<100001x256xf32, #tpu.memory_space<hbm>> -> memref<100001x256xf32, #tpu.memory_space<hbm>>
    tpu.wait_indirect_dma semaphore(%arg31 : memref<!tpu.dma_semaphore, #tpu.memory_space<semaphore_mem>>) src(%dma_wait3A_847 : memref<100001x256xf32, #tpu.memory_space<hbm>>) dst(%dma_wait3A_842 : memref<64x256xf32, #tpu.memory_space<vmem>>)
    %dma_wait3A_848 = arith.constant 1 : i32
    %dma_wait3A_849 = arith.constant 0 : i32
    %dma_wait3A_850 = arith.constant 0 : i32
    %dma_wait3A_851 = tpu.memref_slice %arg22[%dma_wait3A_848, %dma_wait3A_849, %dma_wait3A_850] : memref<2x64x128xf32, #tpu.memory_space<vmem>> -> memref<1x64x128xf32, #tpu.memory_space<vmem>>
    %dma_wait3A_852 = tpu.memref_squeeze %dma_wait3A_851 : memref<1x64x128xf32, #tpu.memory_space<vmem>> -> memref<64x128xf32, #tpu.memory_space<vmem>>
    %dma_wait3A_853 = arith.constant 192 : i32
    %dma_wait3A_854 = tpu.memref_slice %arg14[%dma_wait3A_853] : memref<512xi32, #tpu.memory_space<vmem>> -> memref<64xi32, #tpu.memory_space<vmem>>
    %dma_wait3A_855 = arith.constant 0 : i32
    %dma_wait3A_856 = arith.constant 0 : i32
    %dma_wait3A_857 = tpu.memref_slice %arg7[%dma_wait3A_855, %dma_wait3A_856] : memref<100001x128xf32, #tpu.memory_space<hbm>> -> memref<100001x128xf32, #tpu.memory_space<hbm>>
    tpu.wait_indirect_dma semaphore(%arg32 : memref<!tpu.dma_semaphore, #tpu.memory_space<semaphore_mem>>) src(%dma_wait3A_857 : memref<100001x128xf32, #tpu.memory_space<hbm>>) dst(%dma_wait3A_852 : memref<64x128xf32, #tpu.memory_space<vmem>>)
    %add3A_858 = arith.constant 192 : i32
    %add3A_859 = arith.addi %mul3A_2, %add3A_858 : i32
    %dma_start3A_860 = arith.constant 1 : i32
    %dma_start3A_861 = arith.constant 0 : i32
    %dma_start3A_862 = arith.constant 0 : i32
    %dma_start3A_863 = tpu.memref_slice %arg20[%dma_start3A_860, %dma_start3A_861, %dma_start3A_862] : memref<2x64x256xf32, #tpu.memory_space<vmem>> -> memref<1x64x256xf32, #tpu.memory_space<vmem>>
    %dma_start3A_864 = tpu.memref_squeeze %dma_start3A_863 : memref<1x64x256xf32, #tpu.memory_space<vmem>> -> memref<64x256xf32, #tpu.memory_space<vmem>>
    %dma_start3A_865 = arith.constant 0 : i32
    %dma_start3A_866 = tpu.memref_slice %arg8[%add3A_859, %dma_start3A_865] : memref<16384x256xf32, #tpu.memory_space<hbm>> -> memref<64x256xf32, #tpu.memory_space<hbm>>
    %dma_start3A_867 = arith.constant 0 : i32
    %dma_start3A_868 = tpu.memref_slice %arg8[%add3A_859, %dma_start3A_867] : memref<16384x256xf32, #tpu.memory_space<hbm>> -> memref<64x256xf32, #tpu.memory_space<hbm>>
    %dma_start3A_869 = arith.constant 0 : i32
    %dma_start3A_870 = arith.constant 0 : i32
    %dma_start3A_871 = tpu.memref_slice %arg20[%dma_start3A_860, %dma_start3A_869, %dma_start3A_870] : memref<2x64x256xf32, #tpu.memory_space<vmem>> -> memref<1x64x256xf32, #tpu.memory_space<vmem>>
    %dma_start3A_872 = tpu.memref_squeeze %dma_start3A_871 : memref<1x64x256xf32, #tpu.memory_space<vmem>> -> memref<64x256xf32, #tpu.memory_space<vmem>>
    tpu.enqueue_dma source(%dma_start3A_872 : memref<64x256xf32, #tpu.memory_space<vmem>>) target(%dma_start3A_868 : memref<64x256xf32, #tpu.memory_space<hbm>>) target_semaphore(%arg36 : memref<!tpu.dma_semaphore, #tpu.memory_space<semaphore_mem>>)
    %add3A_873 = arith.constant 192 : i32
    %add3A_874 = arith.addi %mul3A_2, %add3A_873 : i32
    %dma_start3A_875 = arith.constant 1 : i32
    %dma_start3A_876 = arith.constant 0 : i32
    %dma_start3A_877 = arith.constant 0 : i32
    %dma_start3A_878 = tpu.memref_slice %arg21[%dma_start3A_875, %dma_start3A_876, %dma_start3A_877] : memref<2x64x256xf32, #tpu.memory_space<vmem>> -> memref<1x64x256xf32, #tpu.memory_space<vmem>>
    %dma_start3A_879 = tpu.memref_squeeze %dma_start3A_878 : memref<1x64x256xf32, #tpu.memory_space<vmem>> -> memref<64x256xf32, #tpu.memory_space<vmem>>
    %dma_start3A_880 = arith.constant 0 : i32
    %dma_start3A_881 = tpu.memref_slice %arg9[%add3A_874, %dma_start3A_880] : memref<16384x256xf32, #tpu.memory_space<hbm>> -> memref<64x256xf32, #tpu.memory_space<hbm>>
    %dma_start3A_882 = arith.constant 0 : i32
    %dma_start3A_883 = tpu.memref_slice %arg9[%add3A_874, %dma_start3A_882] : memref<16384x256xf32, #tpu.memory_space<hbm>> -> memref<64x256xf32, #tpu.memory_space<hbm>>
    %dma_start3A_884 = arith.constant 0 : i32
    %dma_start3A_885 = arith.constant 0 : i32
    %dma_start3A_886 = tpu.memref_slice %arg21[%dma_start3A_875, %dma_start3A_884, %dma_start3A_885] : memref<2x64x256xf32, #tpu.memory_space<vmem>> -> memref<1x64x256xf32, #tpu.memory_space<vmem>>
    %dma_start3A_887 = tpu.memref_squeeze %dma_start3A_886 : memref<1x64x256xf32, #tpu.memory_space<vmem>> -> memref<64x256xf32, #tpu.memory_space<vmem>>
    tpu.enqueue_dma source(%dma_start3A_887 : memref<64x256xf32, #tpu.memory_space<vmem>>) target(%dma_start3A_883 : memref<64x256xf32, #tpu.memory_space<hbm>>) target_semaphore(%arg37 : memref<!tpu.dma_semaphore, #tpu.memory_space<semaphore_mem>>)
    %add3A_888 = arith.constant 192 : i32
    %add3A_889 = arith.addi %mul3A_2, %add3A_888 : i32
    %dma_start3A_890 = arith.constant 1 : i32
    %dma_start3A_891 = arith.constant 0 : i32
    %dma_start3A_892 = arith.constant 0 : i32
    %dma_start3A_893 = tpu.memref_slice %arg22[%dma_start3A_890, %dma_start3A_891, %dma_start3A_892] : memref<2x64x128xf32, #tpu.memory_space<vmem>> -> memref<1x64x128xf32, #tpu.memory_space<vmem>>
    %dma_start3A_894 = tpu.memref_squeeze %dma_start3A_893 : memref<1x64x128xf32, #tpu.memory_space<vmem>> -> memref<64x128xf32, #tpu.memory_space<vmem>>
    %dma_start3A_895 = arith.constant 0 : i32
    %dma_start3A_896 = tpu.memref_slice %arg10[%add3A_889, %dma_start3A_895] : memref<16384x128xf32, #tpu.memory_space<hbm>> -> memref<64x128xf32, #tpu.memory_space<hbm>>
    %dma_start3A_897 = arith.constant 0 : i32
    %dma_start3A_898 = tpu.memref_slice %arg10[%add3A_889, %dma_start3A_897] : memref<16384x128xf32, #tpu.memory_space<hbm>> -> memref<64x128xf32, #tpu.memory_space<hbm>>
    %dma_start3A_899 = arith.constant 0 : i32
    %dma_start3A_900 = arith.constant 0 : i32
    %dma_start3A_901 = tpu.memref_slice %arg22[%dma_start3A_890, %dma_start3A_899, %dma_start3A_900] : memref<2x64x128xf32, #tpu.memory_space<vmem>> -> memref<1x64x128xf32, #tpu.memory_space<vmem>>
    %dma_start3A_902 = tpu.memref_squeeze %dma_start3A_901 : memref<1x64x128xf32, #tpu.memory_space<vmem>> -> memref<64x128xf32, #tpu.memory_space<vmem>>
    tpu.enqueue_dma source(%dma_start3A_902 : memref<64x128xf32, #tpu.memory_space<vmem>>) target(%dma_start3A_898 : memref<64x128xf32, #tpu.memory_space<hbm>>) target_semaphore(%arg38 : memref<!tpu.dma_semaphore, #tpu.memory_space<semaphore_mem>>)
    %dma_wait3A_903 = arith.constant 1 : i32
    %dma_wait3A_904 = arith.constant 0 : i32
    %dma_wait3A_905 = arith.constant 0 : i32
    %dma_wait3A_906 = tpu.memref_slice %arg20[%dma_wait3A_903, %dma_wait3A_904, %dma_wait3A_905] : memref<2x64x256xf32, #tpu.memory_space<vmem>> -> memref<1x64x256xf32, #tpu.memory_space<vmem>>
    %dma_wait3A_907 = tpu.memref_squeeze %dma_wait3A_906 : memref<1x64x256xf32, #tpu.memory_space<vmem>> -> memref<64x256xf32, #tpu.memory_space<vmem>>
    %dma_wait3A_908 = arith.constant 0 : i32
    %dma_wait3A_909 = tpu.memref_slice %arg8[%add3A_859, %dma_wait3A_908] : memref<16384x256xf32, #tpu.memory_space<hbm>> -> memref<64x256xf32, #tpu.memory_space<hbm>>
    %dma_wait3A_910 = arith.constant 0 : i32
    %dma_wait3A_911 = tpu.memref_slice %arg8[%add3A_859, %dma_wait3A_910] : memref<16384x256xf32, #tpu.memory_space<hbm>> -> memref<64x256xf32, #tpu.memory_space<hbm>>
    %dma_wait3A_912 = arith.constant 0 : i32
    %dma_wait3A_913 = arith.constant 0 : i32
    %dma_wait3A_914 = tpu.memref_slice %arg20[%dma_wait3A_903, %dma_wait3A_912, %dma_wait3A_913] : memref<2x64x256xf32, #tpu.memory_space<vmem>> -> memref<1x64x256xf32, #tpu.memory_space<vmem>>
    %dma_wait3A_915 = tpu.memref_squeeze %dma_wait3A_914 : memref<1x64x256xf32, #tpu.memory_space<vmem>> -> memref<64x256xf32, #tpu.memory_space<vmem>>
    tpu.wait_dma2 semaphore(%arg36 : memref<!tpu.dma_semaphore, #tpu.memory_space<semaphore_mem>>) src(%dma_wait3A_915 : memref<64x256xf32, #tpu.memory_space<vmem>>) dst(%dma_wait3A_911 : memref<64x256xf32, #tpu.memory_space<hbm>>)
    %dma_wait3A_916 = arith.constant 1 : i32
    %dma_wait3A_917 = arith.constant 0 : i32
    %dma_wait3A_918 = arith.constant 0 : i32
    %dma_wait3A_919 = tpu.memref_slice %arg21[%dma_wait3A_916, %dma_wait3A_917, %dma_wait3A_918] : memref<2x64x256xf32, #tpu.memory_space<vmem>> -> memref<1x64x256xf32, #tpu.memory_space<vmem>>
    %dma_wait3A_920 = tpu.memref_squeeze %dma_wait3A_919 : memref<1x64x256xf32, #tpu.memory_space<vmem>> -> memref<64x256xf32, #tpu.memory_space<vmem>>
    %dma_wait3A_921 = arith.constant 0 : i32
    %dma_wait3A_922 = tpu.memref_slice %arg9[%add3A_874, %dma_wait3A_921] : memref<16384x256xf32, #tpu.memory_space<hbm>> -> memref<64x256xf32, #tpu.memory_space<hbm>>
    %dma_wait3A_923 = arith.constant 0 : i32
    %dma_wait3A_924 = tpu.memref_slice %arg9[%add3A_874, %dma_wait3A_923] : memref<16384x256xf32, #tpu.memory_space<hbm>> -> memref<64x256xf32, #tpu.memory_space<hbm>>
    %dma_wait3A_925 = arith.constant 0 : i32
    %dma_wait3A_926 = arith.constant 0 : i32
    %dma_wait3A_927 = tpu.memref_slice %arg21[%dma_wait3A_916, %dma_wait3A_925, %dma_wait3A_926] : memref<2x64x256xf32, #tpu.memory_space<vmem>> -> memref<1x64x256xf32, #tpu.memory_space<vmem>>
    %dma_wait3A_928 = tpu.memref_squeeze %dma_wait3A_927 : memref<1x64x256xf32, #tpu.memory_space<vmem>> -> memref<64x256xf32, #tpu.memory_space<vmem>>
    tpu.wait_dma2 semaphore(%arg37 : memref<!tpu.dma_semaphore, #tpu.memory_space<semaphore_mem>>) src(%dma_wait3A_928 : memref<64x256xf32, #tpu.memory_space<vmem>>) dst(%dma_wait3A_924 : memref<64x256xf32, #tpu.memory_space<hbm>>)
    %dma_wait3A_929 = arith.constant 1 : i32
    %dma_wait3A_930 = arith.constant 0 : i32
    %dma_wait3A_931 = arith.constant 0 : i32
    %dma_wait3A_932 = tpu.memref_slice %arg22[%dma_wait3A_929, %dma_wait3A_930, %dma_wait3A_931] : memref<2x64x128xf32, #tpu.memory_space<vmem>> -> memref<1x64x128xf32, #tpu.memory_space<vmem>>
    %dma_wait3A_933 = tpu.memref_squeeze %dma_wait3A_932 : memref<1x64x128xf32, #tpu.memory_space<vmem>> -> memref<64x128xf32, #tpu.memory_space<vmem>>
    %dma_wait3A_934 = arith.constant 0 : i32
    %dma_wait3A_935 = tpu.memref_slice %arg10[%add3A_889, %dma_wait3A_934] : memref<16384x128xf32, #tpu.memory_space<hbm>> -> memref<64x128xf32, #tpu.memory_space<hbm>>
    %dma_wait3A_936 = arith.constant 0 : i32
    %dma_wait3A_937 = tpu.memref_slice %arg10[%add3A_889, %dma_wait3A_936] : memref<16384x128xf32, #tpu.memory_space<hbm>> -> memref<64x128xf32, #tpu.memory_space<hbm>>
    %dma_wait3A_938 = arith.constant 0 : i32
    %dma_wait3A_939 = arith.constant 0 : i32
    %dma_wait3A_940 = tpu.memref_slice %arg22[%dma_wait3A_929, %dma_wait3A_938, %dma_wait3A_939] : memref<2x64x128xf32, #tpu.memory_space<vmem>> -> memref<1x64x128xf32, #tpu.memory_space<vmem>>
    %dma_wait3A_941 = tpu.memref_squeeze %dma_wait3A_940 : memref<1x64x128xf32, #tpu.memory_space<vmem>> -> memref<64x128xf32, #tpu.memory_space<vmem>>
    tpu.wait_dma2 semaphore(%arg38 : memref<!tpu.dma_semaphore, #tpu.memory_space<semaphore_mem>>) src(%dma_wait3A_941 : memref<64x128xf32, #tpu.memory_space<vmem>>) dst(%dma_wait3A_937 : memref<64x128xf32, #tpu.memory_space<hbm>>)
    %dma_start3A_942 = arith.constant 1 : i32
    %dma_start3A_943 = arith.constant 0 : i32
    %dma_start3A_944 = arith.constant 0 : i32
    %dma_start3A_945 = tpu.memref_slice %arg20[%dma_start3A_942, %dma_start3A_943, %dma_start3A_944] : memref<2x64x256xf32, #tpu.memory_space<vmem>> -> memref<1x64x256xf32, #tpu.memory_space<vmem>>
    %dma_start3A_946 = tpu.memref_squeeze %dma_start3A_945 : memref<1x64x256xf32, #tpu.memory_space<vmem>> -> memref<64x256xf32, #tpu.memory_space<vmem>>
    %dma_start3A_947 = arith.constant 320 : i32
    %dma_start3A_948 = tpu.memref_slice %arg14[%dma_start3A_947] : memref<512xi32, #tpu.memory_space<vmem>> -> memref<64xi32, #tpu.memory_space<vmem>>
    %dma_start3A_949 = arith.constant 0 : i32
    %dma_start3A_950 = arith.constant 0 : i32
    %dma_start3A_951 = tpu.memref_slice %arg6[%dma_start3A_949, %dma_start3A_950] : memref<100001x256xf32, #tpu.memory_space<hbm>> -> memref<100001x256xf32, #tpu.memory_space<hbm>>
    tpu.enqueue_indirect_dma source(%dma_start3A_951 : memref<100001x256xf32, #tpu.memory_space<hbm>>) target(%dma_start3A_946 : memref<64x256xf32, #tpu.memory_space<vmem>>) offsets(%dma_start3A_948 : memref<64xi32, #tpu.memory_space<vmem>>) semaphore(%arg30 : memref<!tpu.dma_semaphore, #tpu.memory_space<semaphore_mem>>)
    %dma_start3A_952 = arith.constant 1 : i32
    %dma_start3A_953 = arith.constant 0 : i32
    %dma_start3A_954 = arith.constant 0 : i32
    %dma_start3A_955 = tpu.memref_slice %arg21[%dma_start3A_952, %dma_start3A_953, %dma_start3A_954] : memref<2x64x256xf32, #tpu.memory_space<vmem>> -> memref<1x64x256xf32, #tpu.memory_space<vmem>>
    %dma_start3A_956 = tpu.memref_squeeze %dma_start3A_955 : memref<1x64x256xf32, #tpu.memory_space<vmem>> -> memref<64x256xf32, #tpu.memory_space<vmem>>
    %dma_start3A_957 = arith.constant 320 : i32
    %dma_start3A_958 = tpu.memref_slice %arg19[%dma_start3A_957] : memref<512xi32, #tpu.memory_space<vmem>> -> memref<64xi32, #tpu.memory_space<vmem>>
    %dma_start3A_959 = arith.constant 0 : i32
    %dma_start3A_960 = arith.constant 0 : i32
    %dma_start3A_961 = tpu.memref_slice %arg6[%dma_start3A_959, %dma_start3A_960] : memref<100001x256xf32, #tpu.memory_space<hbm>> -> memref<100001x256xf32, #tpu.memory_space<hbm>>
    tpu.enqueue_indirect_dma source(%dma_start3A_961 : memref<100001x256xf32, #tpu.memory_space<hbm>>) target(%dma_start3A_956 : memref<64x256xf32, #tpu.memory_space<vmem>>) offsets(%dma_start3A_958 : memref<64xi32, #tpu.memory_space<vmem>>) semaphore(%arg31 : memref<!tpu.dma_semaphore, #tpu.memory_space<semaphore_mem>>)
    %dma_start3A_962 = arith.constant 1 : i32
    %dma_start3A_963 = arith.constant 0 : i32
    %dma_start3A_964 = arith.constant 0 : i32
    %dma_start3A_965 = tpu.memref_slice %arg22[%dma_start3A_962, %dma_start3A_963, %dma_start3A_964] : memref<2x64x128xf32, #tpu.memory_space<vmem>> -> memref<1x64x128xf32, #tpu.memory_space<vmem>>
    %dma_start3A_966 = tpu.memref_squeeze %dma_start3A_965 : memref<1x64x128xf32, #tpu.memory_space<vmem>> -> memref<64x128xf32, #tpu.memory_space<vmem>>
    %dma_start3A_967 = arith.constant 320 : i32
    %dma_start3A_968 = tpu.memref_slice %arg14[%dma_start3A_967] : memref<512xi32, #tpu.memory_space<vmem>> -> memref<64xi32, #tpu.memory_space<vmem>>
    %dma_start3A_969 = arith.constant 0 : i32
    %dma_start3A_970 = arith.constant 0 : i32
    %dma_start3A_971 = tpu.memref_slice %arg7[%dma_start3A_969, %dma_start3A_970] : memref<100001x128xf32, #tpu.memory_space<hbm>> -> memref<100001x128xf32, #tpu.memory_space<hbm>>
    tpu.enqueue_indirect_dma source(%dma_start3A_971 : memref<100001x128xf32, #tpu.memory_space<hbm>>) target(%dma_start3A_966 : memref<64x128xf32, #tpu.memory_space<vmem>>) offsets(%dma_start3A_968 : memref<64xi32, #tpu.memory_space<vmem>>) semaphore(%arg32 : memref<!tpu.dma_semaphore, #tpu.memory_space<semaphore_mem>>)
    %dma_wait3A_972 = arith.constant 0 : i32
    %dma_wait3A_973 = arith.constant 0 : i32
    %dma_wait3A_974 = arith.constant 0 : i32
    %dma_wait3A_975 = tpu.memref_slice %arg20[%dma_wait3A_972, %dma_wait3A_973, %dma_wait3A_974] : memref<2x64x256xf32, #tpu.memory_space<vmem>> -> memref<1x64x256xf32, #tpu.memory_space<vmem>>
    %dma_wait3A_976 = tpu.memref_squeeze %dma_wait3A_975 : memref<1x64x256xf32, #tpu.memory_space<vmem>> -> memref<64x256xf32, #tpu.memory_space<vmem>>
    %dma_wait3A_977 = arith.constant 256 : i32
    %dma_wait3A_978 = tpu.memref_slice %arg14[%dma_wait3A_977] : memref<512xi32, #tpu.memory_space<vmem>> -> memref<64xi32, #tpu.memory_space<vmem>>
    %dma_wait3A_979 = arith.constant 0 : i32
    %dma_wait3A_980 = arith.constant 0 : i32
    %dma_wait3A_981 = tpu.memref_slice %arg6[%dma_wait3A_979, %dma_wait3A_980] : memref<100001x256xf32, #tpu.memory_space<hbm>> -> memref<100001x256xf32, #tpu.memory_space<hbm>>
    tpu.wait_indirect_dma semaphore(%arg27 : memref<!tpu.dma_semaphore, #tpu.memory_space<semaphore_mem>>) src(%dma_wait3A_981 : memref<100001x256xf32, #tpu.memory_space<hbm>>) dst(%dma_wait3A_976 : memref<64x256xf32, #tpu.memory_space<vmem>>)
    %dma_wait3A_982 = arith.constant 0 : i32
    %dma_wait3A_983 = arith.constant 0 : i32
    %dma_wait3A_984 = arith.constant 0 : i32
    %dma_wait3A_985 = tpu.memref_slice %arg21[%dma_wait3A_982, %dma_wait3A_983, %dma_wait3A_984] : memref<2x64x256xf32, #tpu.memory_space<vmem>> -> memref<1x64x256xf32, #tpu.memory_space<vmem>>
    %dma_wait3A_986 = tpu.memref_squeeze %dma_wait3A_985 : memref<1x64x256xf32, #tpu.memory_space<vmem>> -> memref<64x256xf32, #tpu.memory_space<vmem>>
    %dma_wait3A_987 = arith.constant 256 : i32
    %dma_wait3A_988 = tpu.memref_slice %arg19[%dma_wait3A_987] : memref<512xi32, #tpu.memory_space<vmem>> -> memref<64xi32, #tpu.memory_space<vmem>>
    %dma_wait3A_989 = arith.constant 0 : i32
    %dma_wait3A_990 = arith.constant 0 : i32
    %dma_wait3A_991 = tpu.memref_slice %arg6[%dma_wait3A_989, %dma_wait3A_990] : memref<100001x256xf32, #tpu.memory_space<hbm>> -> memref<100001x256xf32, #tpu.memory_space<hbm>>
    tpu.wait_indirect_dma semaphore(%arg28 : memref<!tpu.dma_semaphore, #tpu.memory_space<semaphore_mem>>) src(%dma_wait3A_991 : memref<100001x256xf32, #tpu.memory_space<hbm>>) dst(%dma_wait3A_986 : memref<64x256xf32, #tpu.memory_space<vmem>>)
    %dma_wait3A_992 = arith.constant 0 : i32
    %dma_wait3A_993 = arith.constant 0 : i32
    %dma_wait3A_994 = arith.constant 0 : i32
    %dma_wait3A_995 = tpu.memref_slice %arg22[%dma_wait3A_992, %dma_wait3A_993, %dma_wait3A_994] : memref<2x64x128xf32, #tpu.memory_space<vmem>> -> memref<1x64x128xf32, #tpu.memory_space<vmem>>
    %dma_wait3A_996 = tpu.memref_squeeze %dma_wait3A_995 : memref<1x64x128xf32, #tpu.memory_space<vmem>> -> memref<64x128xf32, #tpu.memory_space<vmem>>
    %dma_wait3A_997 = arith.constant 256 : i32
    %dma_wait3A_998 = tpu.memref_slice %arg14[%dma_wait3A_997] : memref<512xi32, #tpu.memory_space<vmem>> -> memref<64xi32, #tpu.memory_space<vmem>>
    %dma_wait3A_999 = arith.constant 0 : i32
    %dma_wait3A_1000 = arith.constant 0 : i32
    %dma_wait3A_1001 = tpu.memref_slice %arg7[%dma_wait3A_999, %dma_wait3A_1000] : memref<100001x128xf32, #tpu.memory_space<hbm>> -> memref<100001x128xf32, #tpu.memory_space<hbm>>
    tpu.wait_indirect_dma semaphore(%arg29 : memref<!tpu.dma_semaphore, #tpu.memory_space<semaphore_mem>>) src(%dma_wait3A_1001 : memref<100001x128xf32, #tpu.memory_space<hbm>>) dst(%dma_wait3A_996 : memref<64x128xf32, #tpu.memory_space<vmem>>)
    %add3A_1002 = arith.constant 256 : i32
    %add3A_1003 = arith.addi %mul3A_2, %add3A_1002 : i32
    %dma_start3A_1004 = arith.constant 0 : i32
    %dma_start3A_1005 = arith.constant 0 : i32
    %dma_start3A_1006 = arith.constant 0 : i32
    %dma_start3A_1007 = tpu.memref_slice %arg20[%dma_start3A_1004, %dma_start3A_1005, %dma_start3A_1006] : memref<2x64x256xf32, #tpu.memory_space<vmem>> -> memref<1x64x256xf32, #tpu.memory_space<vmem>>
    %dma_start3A_1008 = tpu.memref_squeeze %dma_start3A_1007 : memref<1x64x256xf32, #tpu.memory_space<vmem>> -> memref<64x256xf32, #tpu.memory_space<vmem>>
    %dma_start3A_1009 = arith.constant 0 : i32
    %dma_start3A_1010 = tpu.memref_slice %arg8[%add3A_1003, %dma_start3A_1009] : memref<16384x256xf32, #tpu.memory_space<hbm>> -> memref<64x256xf32, #tpu.memory_space<hbm>>
    %dma_start3A_1011 = arith.constant 0 : i32
    %dma_start3A_1012 = tpu.memref_slice %arg8[%add3A_1003, %dma_start3A_1011] : memref<16384x256xf32, #tpu.memory_space<hbm>> -> memref<64x256xf32, #tpu.memory_space<hbm>>
    %dma_start3A_1013 = arith.constant 0 : i32
    %dma_start3A_1014 = arith.constant 0 : i32
    %dma_start3A_1015 = tpu.memref_slice %arg20[%dma_start3A_1004, %dma_start3A_1013, %dma_start3A_1014] : memref<2x64x256xf32, #tpu.memory_space<vmem>> -> memref<1x64x256xf32, #tpu.memory_space<vmem>>
    %dma_start3A_1016 = tpu.memref_squeeze %dma_start3A_1015 : memref<1x64x256xf32, #tpu.memory_space<vmem>> -> memref<64x256xf32, #tpu.memory_space<vmem>>
    tpu.enqueue_dma source(%dma_start3A_1016 : memref<64x256xf32, #tpu.memory_space<vmem>>) target(%dma_start3A_1012 : memref<64x256xf32, #tpu.memory_space<hbm>>) target_semaphore(%arg33 : memref<!tpu.dma_semaphore, #tpu.memory_space<semaphore_mem>>)
    %add3A_1017 = arith.constant 256 : i32
    %add3A_1018 = arith.addi %mul3A_2, %add3A_1017 : i32
    %dma_start3A_1019 = arith.constant 0 : i32
    %dma_start3A_1020 = arith.constant 0 : i32
    %dma_start3A_1021 = arith.constant 0 : i32
    %dma_start3A_1022 = tpu.memref_slice %arg21[%dma_start3A_1019, %dma_start3A_1020, %dma_start3A_1021] : memref<2x64x256xf32, #tpu.memory_space<vmem>> -> memref<1x64x256xf32, #tpu.memory_space<vmem>>
    %dma_start3A_1023 = tpu.memref_squeeze %dma_start3A_1022 : memref<1x64x256xf32, #tpu.memory_space<vmem>> -> memref<64x256xf32, #tpu.memory_space<vmem>>
    %dma_start3A_1024 = arith.constant 0 : i32
    %dma_start3A_1025 = tpu.memref_slice %arg9[%add3A_1018, %dma_start3A_1024] : memref<16384x256xf32, #tpu.memory_space<hbm>> -> memref<64x256xf32, #tpu.memory_space<hbm>>
    %dma_start3A_1026 = arith.constant 0 : i32
    %dma_start3A_1027 = tpu.memref_slice %arg9[%add3A_1018, %dma_start3A_1026] : memref<16384x256xf32, #tpu.memory_space<hbm>> -> memref<64x256xf32, #tpu.memory_space<hbm>>
    %dma_start3A_1028 = arith.constant 0 : i32
    %dma_start3A_1029 = arith.constant 0 : i32
    %dma_start3A_1030 = tpu.memref_slice %arg21[%dma_start3A_1019, %dma_start3A_1028, %dma_start3A_1029] : memref<2x64x256xf32, #tpu.memory_space<vmem>> -> memref<1x64x256xf32, #tpu.memory_space<vmem>>
    %dma_start3A_1031 = tpu.memref_squeeze %dma_start3A_1030 : memref<1x64x256xf32, #tpu.memory_space<vmem>> -> memref<64x256xf32, #tpu.memory_space<vmem>>
    tpu.enqueue_dma source(%dma_start3A_1031 : memref<64x256xf32, #tpu.memory_space<vmem>>) target(%dma_start3A_1027 : memref<64x256xf32, #tpu.memory_space<hbm>>) target_semaphore(%arg34 : memref<!tpu.dma_semaphore, #tpu.memory_space<semaphore_mem>>)
    %add3A_1032 = arith.constant 256 : i32
    %add3A_1033 = arith.addi %mul3A_2, %add3A_1032 : i32
    %dma_start3A_1034 = arith.constant 0 : i32
    %dma_start3A_1035 = arith.constant 0 : i32
    %dma_start3A_1036 = arith.constant 0 : i32
    %dma_start3A_1037 = tpu.memref_slice %arg22[%dma_start3A_1034, %dma_start3A_1035, %dma_start3A_1036] : memref<2x64x128xf32, #tpu.memory_space<vmem>> -> memref<1x64x128xf32, #tpu.memory_space<vmem>>
    %dma_start3A_1038 = tpu.memref_squeeze %dma_start3A_1037 : memref<1x64x128xf32, #tpu.memory_space<vmem>> -> memref<64x128xf32, #tpu.memory_space<vmem>>
    %dma_start3A_1039 = arith.constant 0 : i32
    %dma_start3A_1040 = tpu.memref_slice %arg10[%add3A_1033, %dma_start3A_1039] : memref<16384x128xf32, #tpu.memory_space<hbm>> -> memref<64x128xf32, #tpu.memory_space<hbm>>
    %dma_start3A_1041 = arith.constant 0 : i32
    %dma_start3A_1042 = tpu.memref_slice %arg10[%add3A_1033, %dma_start3A_1041] : memref<16384x128xf32, #tpu.memory_space<hbm>> -> memref<64x128xf32, #tpu.memory_space<hbm>>
    %dma_start3A_1043 = arith.constant 0 : i32
    %dma_start3A_1044 = arith.constant 0 : i32
    %dma_start3A_1045 = tpu.memref_slice %arg22[%dma_start3A_1034, %dma_start3A_1043, %dma_start3A_1044] : memref<2x64x128xf32, #tpu.memory_space<vmem>> -> memref<1x64x128xf32, #tpu.memory_space<vmem>>
    %dma_start3A_1046 = tpu.memref_squeeze %dma_start3A_1045 : memref<1x64x128xf32, #tpu.memory_space<vmem>> -> memref<64x128xf32, #tpu.memory_space<vmem>>
    tpu.enqueue_dma source(%dma_start3A_1046 : memref<64x128xf32, #tpu.memory_space<vmem>>) target(%dma_start3A_1042 : memref<64x128xf32, #tpu.memory_space<hbm>>) target_semaphore(%arg35 : memref<!tpu.dma_semaphore, #tpu.memory_space<semaphore_mem>>)
    %dma_wait3A_1047 = arith.constant 0 : i32
    %dma_wait3A_1048 = arith.constant 0 : i32
    %dma_wait3A_1049 = arith.constant 0 : i32
    %dma_wait3A_1050 = tpu.memref_slice %arg20[%dma_wait3A_1047, %dma_wait3A_1048, %dma_wait3A_1049] : memref<2x64x256xf32, #tpu.memory_space<vmem>> -> memref<1x64x256xf32, #tpu.memory_space<vmem>>
    %dma_wait3A_1051 = tpu.memref_squeeze %dma_wait3A_1050 : memref<1x64x256xf32, #tpu.memory_space<vmem>> -> memref<64x256xf32, #tpu.memory_space<vmem>>
    %dma_wait3A_1052 = arith.constant 0 : i32
    %dma_wait3A_1053 = tpu.memref_slice %arg8[%add3A_1003, %dma_wait3A_1052] : memref<16384x256xf32, #tpu.memory_space<hbm>> -> memref<64x256xf32, #tpu.memory_space<hbm>>
    %dma_wait3A_1054 = arith.constant 0 : i32
    %dma_wait3A_1055 = tpu.memref_slice %arg8[%add3A_1003, %dma_wait3A_1054] : memref<16384x256xf32, #tpu.memory_space<hbm>> -> memref<64x256xf32, #tpu.memory_space<hbm>>
    %dma_wait3A_1056 = arith.constant 0 : i32
    %dma_wait3A_1057 = arith.constant 0 : i32
    %dma_wait3A_1058 = tpu.memref_slice %arg20[%dma_wait3A_1047, %dma_wait3A_1056, %dma_wait3A_1057] : memref<2x64x256xf32, #tpu.memory_space<vmem>> -> memref<1x64x256xf32, #tpu.memory_space<vmem>>
    %dma_wait3A_1059 = tpu.memref_squeeze %dma_wait3A_1058 : memref<1x64x256xf32, #tpu.memory_space<vmem>> -> memref<64x256xf32, #tpu.memory_space<vmem>>
    tpu.wait_dma2 semaphore(%arg33 : memref<!tpu.dma_semaphore, #tpu.memory_space<semaphore_mem>>) src(%dma_wait3A_1059 : memref<64x256xf32, #tpu.memory_space<vmem>>) dst(%dma_wait3A_1055 : memref<64x256xf32, #tpu.memory_space<hbm>>)
    %dma_wait3A_1060 = arith.constant 0 : i32
    %dma_wait3A_1061 = arith.constant 0 : i32
    %dma_wait3A_1062 = arith.constant 0 : i32
    %dma_wait3A_1063 = tpu.memref_slice %arg21[%dma_wait3A_1060, %dma_wait3A_1061, %dma_wait3A_1062] : memref<2x64x256xf32, #tpu.memory_space<vmem>> -> memref<1x64x256xf32, #tpu.memory_space<vmem>>
    %dma_wait3A_1064 = tpu.memref_squeeze %dma_wait3A_1063 : memref<1x64x256xf32, #tpu.memory_space<vmem>> -> memref<64x256xf32, #tpu.memory_space<vmem>>
    %dma_wait3A_1065 = arith.constant 0 : i32
    %dma_wait3A_1066 = tpu.memref_slice %arg9[%add3A_1018, %dma_wait3A_1065] : memref<16384x256xf32, #tpu.memory_space<hbm>> -> memref<64x256xf32, #tpu.memory_space<hbm>>
    %dma_wait3A_1067 = arith.constant 0 : i32
    %dma_wait3A_1068 = tpu.memref_slice %arg9[%add3A_1018, %dma_wait3A_1067] : memref<16384x256xf32, #tpu.memory_space<hbm>> -> memref<64x256xf32, #tpu.memory_space<hbm>>
    %dma_wait3A_1069 = arith.constant 0 : i32
    %dma_wait3A_1070 = arith.constant 0 : i32
    %dma_wait3A_1071 = tpu.memref_slice %arg21[%dma_wait3A_1060, %dma_wait3A_1069, %dma_wait3A_1070] : memref<2x64x256xf32, #tpu.memory_space<vmem>> -> memref<1x64x256xf32, #tpu.memory_space<vmem>>
    %dma_wait3A_1072 = tpu.memref_squeeze %dma_wait3A_1071 : memref<1x64x256xf32, #tpu.memory_space<vmem>> -> memref<64x256xf32, #tpu.memory_space<vmem>>
    tpu.wait_dma2 semaphore(%arg34 : memref<!tpu.dma_semaphore, #tpu.memory_space<semaphore_mem>>) src(%dma_wait3A_1072 : memref<64x256xf32, #tpu.memory_space<vmem>>) dst(%dma_wait3A_1068 : memref<64x256xf32, #tpu.memory_space<hbm>>)
    %dma_wait3A_1073 = arith.constant 0 : i32
    %dma_wait3A_1074 = arith.constant 0 : i32
    %dma_wait3A_1075 = arith.constant 0 : i32
    %dma_wait3A_1076 = tpu.memref_slice %arg22[%dma_wait3A_1073, %dma_wait3A_1074, %dma_wait3A_1075] : memref<2x64x128xf32, #tpu.memory_space<vmem>> -> memref<1x64x128xf32, #tpu.memory_space<vmem>>
    %dma_wait3A_1077 = tpu.memref_squeeze %dma_wait3A_1076 : memref<1x64x128xf32, #tpu.memory_space<vmem>> -> memref<64x128xf32, #tpu.memory_space<vmem>>
    %dma_wait3A_1078 = arith.constant 0 : i32
    %dma_wait3A_1079 = tpu.memref_slice %arg10[%add3A_1033, %dma_wait3A_1078] : memref<16384x128xf32, #tpu.memory_space<hbm>> -> memref<64x128xf32, #tpu.memory_space<hbm>>
    %dma_wait3A_1080 = arith.constant 0 : i32
    %dma_wait3A_1081 = tpu.memref_slice %arg10[%add3A_1033, %dma_wait3A_1080] : memref<16384x128xf32, #tpu.memory_space<hbm>> -> memref<64x128xf32, #tpu.memory_space<hbm>>
    %dma_wait3A_1082 = arith.constant 0 : i32
    %dma_wait3A_1083 = arith.constant 0 : i32
    %dma_wait3A_1084 = tpu.memref_slice %arg22[%dma_wait3A_1073, %dma_wait3A_1082, %dma_wait3A_1083] : memref<2x64x128xf32, #tpu.memory_space<vmem>> -> memref<1x64x128xf32, #tpu.memory_space<vmem>>
    %dma_wait3A_1085 = tpu.memref_squeeze %dma_wait3A_1084 : memref<1x64x128xf32, #tpu.memory_space<vmem>> -> memref<64x128xf32, #tpu.memory_space<vmem>>
    tpu.wait_dma2 semaphore(%arg35 : memref<!tpu.dma_semaphore, #tpu.memory_space<semaphore_mem>>) src(%dma_wait3A_1085 : memref<64x128xf32, #tpu.memory_space<vmem>>) dst(%dma_wait3A_1081 : memref<64x128xf32, #tpu.memory_space<hbm>>)
    %dma_start3A_1086 = arith.constant 0 : i32
    %dma_start3A_1087 = arith.constant 0 : i32
    %dma_start3A_1088 = arith.constant 0 : i32
    %dma_start3A_1089 = tpu.memref_slice %arg20[%dma_start3A_1086, %dma_start3A_1087, %dma_start3A_1088] : memref<2x64x256xf32, #tpu.memory_space<vmem>> -> memref<1x64x256xf32, #tpu.memory_space<vmem>>
    %dma_start3A_1090 = tpu.memref_squeeze %dma_start3A_1089 : memref<1x64x256xf32, #tpu.memory_space<vmem>> -> memref<64x256xf32, #tpu.memory_space<vmem>>
    %dma_start3A_1091 = arith.constant 384 : i32
    %dma_start3A_1092 = tpu.memref_slice %arg14[%dma_start3A_1091] : memref<512xi32, #tpu.memory_space<vmem>> -> memref<64xi32, #tpu.memory_space<vmem>>
    %dma_start3A_1093 = arith.constant 0 : i32
    %dma_start3A_1094 = arith.constant 0 : i32
    %dma_start3A_1095 = tpu.memref_slice %arg6[%dma_start3A_1093, %dma_start3A_1094] : memref<100001x256xf32, #tpu.memory_space<hbm>> -> memref<100001x256xf32, #tpu.memory_space<hbm>>
    tpu.enqueue_indirect_dma source(%dma_start3A_1095 : memref<100001x256xf32, #tpu.memory_space<hbm>>) target(%dma_start3A_1090 : memref<64x256xf32, #tpu.memory_space<vmem>>) offsets(%dma_start3A_1092 : memref<64xi32, #tpu.memory_space<vmem>>) semaphore(%arg27 : memref<!tpu.dma_semaphore, #tpu.memory_space<semaphore_mem>>)
    %dma_start3A_1096 = arith.constant 0 : i32
    %dma_start3A_1097 = arith.constant 0 : i32
    %dma_start3A_1098 = arith.constant 0 : i32
    %dma_start3A_1099 = tpu.memref_slice %arg21[%dma_start3A_1096, %dma_start3A_1097, %dma_start3A_1098] : memref<2x64x256xf32, #tpu.memory_space<vmem>> -> memref<1x64x256xf32, #tpu.memory_space<vmem>>
    %dma_start3A_1100 = tpu.memref_squeeze %dma_start3A_1099 : memref<1x64x256xf32, #tpu.memory_space<vmem>> -> memref<64x256xf32, #tpu.memory_space<vmem>>
    %dma_start3A_1101 = arith.constant 384 : i32
    %dma_start3A_1102 = tpu.memref_slice %arg19[%dma_start3A_1101] : memref<512xi32, #tpu.memory_space<vmem>> -> memref<64xi32, #tpu.memory_space<vmem>>
    %dma_start3A_1103 = arith.constant 0 : i32
    %dma_start3A_1104 = arith.constant 0 : i32
    %dma_start3A_1105 = tpu.memref_slice %arg6[%dma_start3A_1103, %dma_start3A_1104] : memref<100001x256xf32, #tpu.memory_space<hbm>> -> memref<100001x256xf32, #tpu.memory_space<hbm>>
    tpu.enqueue_indirect_dma source(%dma_start3A_1105 : memref<100001x256xf32, #tpu.memory_space<hbm>>) target(%dma_start3A_1100 : memref<64x256xf32, #tpu.memory_space<vmem>>) offsets(%dma_start3A_1102 : memref<64xi32, #tpu.memory_space<vmem>>) semaphore(%arg28 : memref<!tpu.dma_semaphore, #tpu.memory_space<semaphore_mem>>)
    %dma_start3A_1106 = arith.constant 0 : i32
    %dma_start3A_1107 = arith.constant 0 : i32
    %dma_start3A_1108 = arith.constant 0 : i32
    %dma_start3A_1109 = tpu.memref_slice %arg22[%dma_start3A_1106, %dma_start3A_1107, %dma_start3A_1108] : memref<2x64x128xf32, #tpu.memory_space<vmem>> -> memref<1x64x128xf32, #tpu.memory_space<vmem>>
    %dma_start3A_1110 = tpu.memref_squeeze %dma_start3A_1109 : memref<1x64x128xf32, #tpu.memory_space<vmem>> -> memref<64x128xf32, #tpu.memory_space<vmem>>
    %dma_start3A_1111 = arith.constant 384 : i32
    %dma_start3A_1112 = tpu.memref_slice %arg14[%dma_start3A_1111] : memref<512xi32, #tpu.memory_space<vmem>> -> memref<64xi32, #tpu.memory_space<vmem>>
    %dma_start3A_1113 = arith.constant 0 : i32
    %dma_start3A_1114 = arith.constant 0 : i32
    %dma_start3A_1115 = tpu.memref_slice %arg7[%dma_start3A_1113, %dma_start3A_1114] : memref<100001x128xf32, #tpu.memory_space<hbm>> -> memref<100001x128xf32, #tpu.memory_space<hbm>>
    tpu.enqueue_indirect_dma source(%dma_start3A_1115 : memref<100001x128xf32, #tpu.memory_space<hbm>>) target(%dma_start3A_1110 : memref<64x128xf32, #tpu.memory_space<vmem>>) offsets(%dma_start3A_1112 : memref<64xi32, #tpu.memory_space<vmem>>) semaphore(%arg29 : memref<!tpu.dma_semaphore, #tpu.memory_space<semaphore_mem>>)
    %dma_wait3A_1116 = arith.constant 1 : i32
    %dma_wait3A_1117 = arith.constant 0 : i32
    %dma_wait3A_1118 = arith.constant 0 : i32
    %dma_wait3A_1119 = tpu.memref_slice %arg20[%dma_wait3A_1116, %dma_wait3A_1117, %dma_wait3A_1118] : memref<2x64x256xf32, #tpu.memory_space<vmem>> -> memref<1x64x256xf32, #tpu.memory_space<vmem>>
    %dma_wait3A_1120 = tpu.memref_squeeze %dma_wait3A_1119 : memref<1x64x256xf32, #tpu.memory_space<vmem>> -> memref<64x256xf32, #tpu.memory_space<vmem>>
    %dma_wait3A_1121 = arith.constant 320 : i32
    %dma_wait3A_1122 = tpu.memref_slice %arg14[%dma_wait3A_1121] : memref<512xi32, #tpu.memory_space<vmem>> -> memref<64xi32, #tpu.memory_space<vmem>>
    %dma_wait3A_1123 = arith.constant 0 : i32
    %dma_wait3A_1124 = arith.constant 0 : i32
    %dma_wait3A_1125 = tpu.memref_slice %arg6[%dma_wait3A_1123, %dma_wait3A_1124] : memref<100001x256xf32, #tpu.memory_space<hbm>> -> memref<100001x256xf32, #tpu.memory_space<hbm>>
    tpu.wait_indirect_dma semaphore(%arg30 : memref<!tpu.dma_semaphore, #tpu.memory_space<semaphore_mem>>) src(%dma_wait3A_1125 : memref<100001x256xf32, #tpu.memory_space<hbm>>) dst(%dma_wait3A_1120 : memref<64x256xf32, #tpu.memory_space<vmem>>)
    %dma_wait3A_1126 = arith.constant 1 : i32
    %dma_wait3A_1127 = arith.constant 0 : i32
    %dma_wait3A_1128 = arith.constant 0 : i32
    %dma_wait3A_1129 = tpu.memref_slice %arg21[%dma_wait3A_1126, %dma_wait3A_1127, %dma_wait3A_1128] : memref<2x64x256xf32, #tpu.memory_space<vmem>> -> memref<1x64x256xf32, #tpu.memory_space<vmem>>
    %dma_wait3A_1130 = tpu.memref_squeeze %dma_wait3A_1129 : memref<1x64x256xf32, #tpu.memory_space<vmem>> -> memref<64x256xf32, #tpu.memory_space<vmem>>
    %dma_wait3A_1131 = arith.constant 320 : i32
    %dma_wait3A_1132 = tpu.memref_slice %arg19[%dma_wait3A_1131] : memref<512xi32, #tpu.memory_space<vmem>> -> memref<64xi32, #tpu.memory_space<vmem>>
    %dma_wait3A_1133 = arith.constant 0 : i32
    %dma_wait3A_1134 = arith.constant 0 : i32
    %dma_wait3A_1135 = tpu.memref_slice %arg6[%dma_wait3A_1133, %dma_wait3A_1134] : memref<100001x256xf32, #tpu.memory_space<hbm>> -> memref<100001x256xf32, #tpu.memory_space<hbm>>
    tpu.wait_indirect_dma semaphore(%arg31 : memref<!tpu.dma_semaphore, #tpu.memory_space<semaphore_mem>>) src(%dma_wait3A_1135 : memref<100001x256xf32, #tpu.memory_space<hbm>>) dst(%dma_wait3A_1130 : memref<64x256xf32, #tpu.memory_space<vmem>>)
    %dma_wait3A_1136 = arith.constant 1 : i32
    %dma_wait3A_1137 = arith.constant 0 : i32
    %dma_wait3A_1138 = arith.constant 0 : i32
    %dma_wait3A_1139 = tpu.memref_slice %arg22[%dma_wait3A_1136, %dma_wait3A_1137, %dma_wait3A_1138] : memref<2x64x128xf32, #tpu.memory_space<vmem>> -> memref<1x64x128xf32, #tpu.memory_space<vmem>>
    %dma_wait3A_1140 = tpu.memref_squeeze %dma_wait3A_1139 : memref<1x64x128xf32, #tpu.memory_space<vmem>> -> memref<64x128xf32, #tpu.memory_space<vmem>>
    %dma_wait3A_1141 = arith.constant 320 : i32
    %dma_wait3A_1142 = tpu.memref_slice %arg14[%dma_wait3A_1141] : memref<512xi32, #tpu.memory_space<vmem>> -> memref<64xi32, #tpu.memory_space<vmem>>
    %dma_wait3A_1143 = arith.constant 0 : i32
    %dma_wait3A_1144 = arith.constant 0 : i32
    %dma_wait3A_1145 = tpu.memref_slice %arg7[%dma_wait3A_1143, %dma_wait3A_1144] : memref<100001x128xf32, #tpu.memory_space<hbm>> -> memref<100001x128xf32, #tpu.memory_space<hbm>>
    tpu.wait_indirect_dma semaphore(%arg32 : memref<!tpu.dma_semaphore, #tpu.memory_space<semaphore_mem>>) src(%dma_wait3A_1145 : memref<100001x128xf32, #tpu.memory_space<hbm>>) dst(%dma_wait3A_1140 : memref<64x128xf32, #tpu.memory_space<vmem>>)
    %add3A_1146 = arith.constant 320 : i32
    %add3A_1147 = arith.addi %mul3A_2, %add3A_1146 : i32
    %dma_start3A_1148 = arith.constant 1 : i32
    %dma_start3A_1149 = arith.constant 0 : i32
    %dma_start3A_1150 = arith.constant 0 : i32
    %dma_start3A_1151 = tpu.memref_slice %arg20[%dma_start3A_1148, %dma_start3A_1149, %dma_start3A_1150] : memref<2x64x256xf32, #tpu.memory_space<vmem>> -> memref<1x64x256xf32, #tpu.memory_space<vmem>>
    %dma_start3A_1152 = tpu.memref_squeeze %dma_start3A_1151 : memref<1x64x256xf32, #tpu.memory_space<vmem>> -> memref<64x256xf32, #tpu.memory_space<vmem>>
    %dma_start3A_1153 = arith.constant 0 : i32
    %dma_start3A_1154 = tpu.memref_slice %arg8[%add3A_1147, %dma_start3A_1153] : memref<16384x256xf32, #tpu.memory_space<hbm>> -> memref<64x256xf32, #tpu.memory_space<hbm>>
    %dma_start3A_1155 = arith.constant 0 : i32
    %dma_start3A_1156 = tpu.memref_slice %arg8[%add3A_1147, %dma_start3A_1155] : memref<16384x256xf32, #tpu.memory_space<hbm>> -> memref<64x256xf32, #tpu.memory_space<hbm>>
    %dma_start3A_1157 = arith.constant 0 : i32
    %dma_start3A_1158 = arith.constant 0 : i32
    %dma_start3A_1159 = tpu.memref_slice %arg20[%dma_start3A_1148, %dma_start3A_1157, %dma_start3A_1158] : memref<2x64x256xf32, #tpu.memory_space<vmem>> -> memref<1x64x256xf32, #tpu.memory_space<vmem>>
    %dma_start3A_1160 = tpu.memref_squeeze %dma_start3A_1159 : memref<1x64x256xf32, #tpu.memory_space<vmem>> -> memref<64x256xf32, #tpu.memory_space<vmem>>
    tpu.enqueue_dma source(%dma_start3A_1160 : memref<64x256xf32, #tpu.memory_space<vmem>>) target(%dma_start3A_1156 : memref<64x256xf32, #tpu.memory_space<hbm>>) target_semaphore(%arg36 : memref<!tpu.dma_semaphore, #tpu.memory_space<semaphore_mem>>)
    %add3A_1161 = arith.constant 320 : i32
    %add3A_1162 = arith.addi %mul3A_2, %add3A_1161 : i32
    %dma_start3A_1163 = arith.constant 1 : i32
    %dma_start3A_1164 = arith.constant 0 : i32
    %dma_start3A_1165 = arith.constant 0 : i32
    %dma_start3A_1166 = tpu.memref_slice %arg21[%dma_start3A_1163, %dma_start3A_1164, %dma_start3A_1165] : memref<2x64x256xf32, #tpu.memory_space<vmem>> -> memref<1x64x256xf32, #tpu.memory_space<vmem>>
    %dma_start3A_1167 = tpu.memref_squeeze %dma_start3A_1166 : memref<1x64x256xf32, #tpu.memory_space<vmem>> -> memref<64x256xf32, #tpu.memory_space<vmem>>
    %dma_start3A_1168 = arith.constant 0 : i32
    %dma_start3A_1169 = tpu.memref_slice %arg9[%add3A_1162, %dma_start3A_1168] : memref<16384x256xf32, #tpu.memory_space<hbm>> -> memref<64x256xf32, #tpu.memory_space<hbm>>
    %dma_start3A_1170 = arith.constant 0 : i32
    %dma_start3A_1171 = tpu.memref_slice %arg9[%add3A_1162, %dma_start3A_1170] : memref<16384x256xf32, #tpu.memory_space<hbm>> -> memref<64x256xf32, #tpu.memory_space<hbm>>
    %dma_start3A_1172 = arith.constant 0 : i32
    %dma_start3A_1173 = arith.constant 0 : i32
    %dma_start3A_1174 = tpu.memref_slice %arg21[%dma_start3A_1163, %dma_start3A_1172, %dma_start3A_1173] : memref<2x64x256xf32, #tpu.memory_space<vmem>> -> memref<1x64x256xf32, #tpu.memory_space<vmem>>
    %dma_start3A_1175 = tpu.memref_squeeze %dma_start3A_1174 : memref<1x64x256xf32, #tpu.memory_space<vmem>> -> memref<64x256xf32, #tpu.memory_space<vmem>>
    tpu.enqueue_dma source(%dma_start3A_1175 : memref<64x256xf32, #tpu.memory_space<vmem>>) target(%dma_start3A_1171 : memref<64x256xf32, #tpu.memory_space<hbm>>) target_semaphore(%arg37 : memref<!tpu.dma_semaphore, #tpu.memory_space<semaphore_mem>>)
    %add3A_1176 = arith.constant 320 : i32
    %add3A_1177 = arith.addi %mul3A_2, %add3A_1176 : i32
    %dma_start3A_1178 = arith.constant 1 : i32
    %dma_start3A_1179 = arith.constant 0 : i32
    %dma_start3A_1180 = arith.constant 0 : i32
    %dma_start3A_1181 = tpu.memref_slice %arg22[%dma_start3A_1178, %dma_start3A_1179, %dma_start3A_1180] : memref<2x64x128xf32, #tpu.memory_space<vmem>> -> memref<1x64x128xf32, #tpu.memory_space<vmem>>
    %dma_start3A_1182 = tpu.memref_squeeze %dma_start3A_1181 : memref<1x64x128xf32, #tpu.memory_space<vmem>> -> memref<64x128xf32, #tpu.memory_space<vmem>>
    %dma_start3A_1183 = arith.constant 0 : i32
    %dma_start3A_1184 = tpu.memref_slice %arg10[%add3A_1177, %dma_start3A_1183] : memref<16384x128xf32, #tpu.memory_space<hbm>> -> memref<64x128xf32, #tpu.memory_space<hbm>>
    %dma_start3A_1185 = arith.constant 0 : i32
    %dma_start3A_1186 = tpu.memref_slice %arg10[%add3A_1177, %dma_start3A_1185] : memref<16384x128xf32, #tpu.memory_space<hbm>> -> memref<64x128xf32, #tpu.memory_space<hbm>>
    %dma_start3A_1187 = arith.constant 0 : i32
    %dma_start3A_1188 = arith.constant 0 : i32
    %dma_start3A_1189 = tpu.memref_slice %arg22[%dma_start3A_1178, %dma_start3A_1187, %dma_start3A_1188] : memref<2x64x128xf32, #tpu.memory_space<vmem>> -> memref<1x64x128xf32, #tpu.memory_space<vmem>>
    %dma_start3A_1190 = tpu.memref_squeeze %dma_start3A_1189 : memref<1x64x128xf32, #tpu.memory_space<vmem>> -> memref<64x128xf32, #tpu.memory_space<vmem>>
    tpu.enqueue_dma source(%dma_start3A_1190 : memref<64x128xf32, #tpu.memory_space<vmem>>) target(%dma_start3A_1186 : memref<64x128xf32, #tpu.memory_space<hbm>>) target_semaphore(%arg38 : memref<!tpu.dma_semaphore, #tpu.memory_space<semaphore_mem>>)
    %dma_wait3A_1191 = arith.constant 1 : i32
    %dma_wait3A_1192 = arith.constant 0 : i32
    %dma_wait3A_1193 = arith.constant 0 : i32
    %dma_wait3A_1194 = tpu.memref_slice %arg20[%dma_wait3A_1191, %dma_wait3A_1192, %dma_wait3A_1193] : memref<2x64x256xf32, #tpu.memory_space<vmem>> -> memref<1x64x256xf32, #tpu.memory_space<vmem>>
    %dma_wait3A_1195 = tpu.memref_squeeze %dma_wait3A_1194 : memref<1x64x256xf32, #tpu.memory_space<vmem>> -> memref<64x256xf32, #tpu.memory_space<vmem>>
    %dma_wait3A_1196 = arith.constant 0 : i32
    %dma_wait3A_1197 = tpu.memref_slice %arg8[%add3A_1147, %dma_wait3A_1196] : memref<16384x256xf32, #tpu.memory_space<hbm>> -> memref<64x256xf32, #tpu.memory_space<hbm>>
    %dma_wait3A_1198 = arith.constant 0 : i32
    %dma_wait3A_1199 = tpu.memref_slice %arg8[%add3A_1147, %dma_wait3A_1198] : memref<16384x256xf32, #tpu.memory_space<hbm>> -> memref<64x256xf32, #tpu.memory_space<hbm>>
    %dma_wait3A_1200 = arith.constant 0 : i32
    %dma_wait3A_1201 = arith.constant 0 : i32
    %dma_wait3A_1202 = tpu.memref_slice %arg20[%dma_wait3A_1191, %dma_wait3A_1200, %dma_wait3A_1201] : memref<2x64x256xf32, #tpu.memory_space<vmem>> -> memref<1x64x256xf32, #tpu.memory_space<vmem>>
    %dma_wait3A_1203 = tpu.memref_squeeze %dma_wait3A_1202 : memref<1x64x256xf32, #tpu.memory_space<vmem>> -> memref<64x256xf32, #tpu.memory_space<vmem>>
    tpu.wait_dma2 semaphore(%arg36 : memref<!tpu.dma_semaphore, #tpu.memory_space<semaphore_mem>>) src(%dma_wait3A_1203 : memref<64x256xf32, #tpu.memory_space<vmem>>) dst(%dma_wait3A_1199 : memref<64x256xf32, #tpu.memory_space<hbm>>)
    %dma_wait3A_1204 = arith.constant 1 : i32
    %dma_wait3A_1205 = arith.constant 0 : i32
    %dma_wait3A_1206 = arith.constant 0 : i32
    %dma_wait3A_1207 = tpu.memref_slice %arg21[%dma_wait3A_1204, %dma_wait3A_1205, %dma_wait3A_1206] : memref<2x64x256xf32, #tpu.memory_space<vmem>> -> memref<1x64x256xf32, #tpu.memory_space<vmem>>
    %dma_wait3A_1208 = tpu.memref_squeeze %dma_wait3A_1207 : memref<1x64x256xf32, #tpu.memory_space<vmem>> -> memref<64x256xf32, #tpu.memory_space<vmem>>
    %dma_wait3A_1209 = arith.constant 0 : i32
    %dma_wait3A_1210 = tpu.memref_slice %arg9[%add3A_1162, %dma_wait3A_1209] : memref<16384x256xf32, #tpu.memory_space<hbm>> -> memref<64x256xf32, #tpu.memory_space<hbm>>
    %dma_wait3A_1211 = arith.constant 0 : i32
    %dma_wait3A_1212 = tpu.memref_slice %arg9[%add3A_1162, %dma_wait3A_1211] : memref<16384x256xf32, #tpu.memory_space<hbm>> -> memref<64x256xf32, #tpu.memory_space<hbm>>
    %dma_wait3A_1213 = arith.constant 0 : i32
    %dma_wait3A_1214 = arith.constant 0 : i32
    %dma_wait3A_1215 = tpu.memref_slice %arg21[%dma_wait3A_1204, %dma_wait3A_1213, %dma_wait3A_1214] : memref<2x64x256xf32, #tpu.memory_space<vmem>> -> memref<1x64x256xf32, #tpu.memory_space<vmem>>
    %dma_wait3A_1216 = tpu.memref_squeeze %dma_wait3A_1215 : memref<1x64x256xf32, #tpu.memory_space<vmem>> -> memref<64x256xf32, #tpu.memory_space<vmem>>
    tpu.wait_dma2 semaphore(%arg37 : memref<!tpu.dma_semaphore, #tpu.memory_space<semaphore_mem>>) src(%dma_wait3A_1216 : memref<64x256xf32, #tpu.memory_space<vmem>>) dst(%dma_wait3A_1212 : memref<64x256xf32, #tpu.memory_space<hbm>>)
    %dma_wait3A_1217 = arith.constant 1 : i32
    %dma_wait3A_1218 = arith.constant 0 : i32
    %dma_wait3A_1219 = arith.constant 0 : i32
    %dma_wait3A_1220 = tpu.memref_slice %arg22[%dma_wait3A_1217, %dma_wait3A_1218, %dma_wait3A_1219] : memref<2x64x128xf32, #tpu.memory_space<vmem>> -> memref<1x64x128xf32, #tpu.memory_space<vmem>>
    %dma_wait3A_1221 = tpu.memref_squeeze %dma_wait3A_1220 : memref<1x64x128xf32, #tpu.memory_space<vmem>> -> memref<64x128xf32, #tpu.memory_space<vmem>>
    %dma_wait3A_1222 = arith.constant 0 : i32
    %dma_wait3A_1223 = tpu.memref_slice %arg10[%add3A_1177, %dma_wait3A_1222] : memref<16384x128xf32, #tpu.memory_space<hbm>> -> memref<64x128xf32, #tpu.memory_space<hbm>>
    %dma_wait3A_1224 = arith.constant 0 : i32
    %dma_wait3A_1225 = tpu.memref_slice %arg10[%add3A_1177, %dma_wait3A_1224] : memref<16384x128xf32, #tpu.memory_space<hbm>> -> memref<64x128xf32, #tpu.memory_space<hbm>>
    %dma_wait3A_1226 = arith.constant 0 : i32
    %dma_wait3A_1227 = arith.constant 0 : i32
    %dma_wait3A_1228 = tpu.memref_slice %arg22[%dma_wait3A_1217, %dma_wait3A_1226, %dma_wait3A_1227] : memref<2x64x128xf32, #tpu.memory_space<vmem>> -> memref<1x64x128xf32, #tpu.memory_space<vmem>>
    %dma_wait3A_1229 = tpu.memref_squeeze %dma_wait3A_1228 : memref<1x64x128xf32, #tpu.memory_space<vmem>> -> memref<64x128xf32, #tpu.memory_space<vmem>>
    tpu.wait_dma2 semaphore(%arg38 : memref<!tpu.dma_semaphore, #tpu.memory_space<semaphore_mem>>) src(%dma_wait3A_1229 : memref<64x128xf32, #tpu.memory_space<vmem>>) dst(%dma_wait3A_1225 : memref<64x128xf32, #tpu.memory_space<hbm>>)
    %dma_start3A_1230 = arith.constant 1 : i32
    %dma_start3A_1231 = arith.constant 0 : i32
    %dma_start3A_1232 = arith.constant 0 : i32
    %dma_start3A_1233 = tpu.memref_slice %arg20[%dma_start3A_1230, %dma_start3A_1231, %dma_start3A_1232] : memref<2x64x256xf32, #tpu.memory_space<vmem>> -> memref<1x64x256xf32, #tpu.memory_space<vmem>>
    %dma_start3A_1234 = tpu.memref_squeeze %dma_start3A_1233 : memref<1x64x256xf32, #tpu.memory_space<vmem>> -> memref<64x256xf32, #tpu.memory_space<vmem>>
    %dma_start3A_1235 = arith.constant 448 : i32
    %dma_start3A_1236 = tpu.memref_slice %arg14[%dma_start3A_1235] : memref<512xi32, #tpu.memory_space<vmem>> -> memref<64xi32, #tpu.memory_space<vmem>>
    %dma_start3A_1237 = arith.constant 0 : i32
    %dma_start3A_1238 = arith.constant 0 : i32
    %dma_start3A_1239 = tpu.memref_slice %arg6[%dma_start3A_1237, %dma_start3A_1238] : memref<100001x256xf32, #tpu.memory_space<hbm>> -> memref<100001x256xf32, #tpu.memory_space<hbm>>
    tpu.enqueue_indirect_dma source(%dma_start3A_1239 : memref<100001x256xf32, #tpu.memory_space<hbm>>) target(%dma_start3A_1234 : memref<64x256xf32, #tpu.memory_space<vmem>>) offsets(%dma_start3A_1236 : memref<64xi32, #tpu.memory_space<vmem>>) semaphore(%arg30 : memref<!tpu.dma_semaphore, #tpu.memory_space<semaphore_mem>>)
    %dma_start3A_1240 = arith.constant 1 : i32
    %dma_start3A_1241 = arith.constant 0 : i32
    %dma_start3A_1242 = arith.constant 0 : i32
    %dma_start3A_1243 = tpu.memref_slice %arg21[%dma_start3A_1240, %dma_start3A_1241, %dma_start3A_1242] : memref<2x64x256xf32, #tpu.memory_space<vmem>> -> memref<1x64x256xf32, #tpu.memory_space<vmem>>
    %dma_start3A_1244 = tpu.memref_squeeze %dma_start3A_1243 : memref<1x64x256xf32, #tpu.memory_space<vmem>> -> memref<64x256xf32, #tpu.memory_space<vmem>>
    %dma_start3A_1245 = arith.constant 448 : i32
    %dma_start3A_1246 = tpu.memref_slice %arg19[%dma_start3A_1245] : memref<512xi32, #tpu.memory_space<vmem>> -> memref<64xi32, #tpu.memory_space<vmem>>
    %dma_start3A_1247 = arith.constant 0 : i32
    %dma_start3A_1248 = arith.constant 0 : i32
    %dma_start3A_1249 = tpu.memref_slice %arg6[%dma_start3A_1247, %dma_start3A_1248] : memref<100001x256xf32, #tpu.memory_space<hbm>> -> memref<100001x256xf32, #tpu.memory_space<hbm>>
    tpu.enqueue_indirect_dma source(%dma_start3A_1249 : memref<100001x256xf32, #tpu.memory_space<hbm>>) target(%dma_start3A_1244 : memref<64x256xf32, #tpu.memory_space<vmem>>) offsets(%dma_start3A_1246 : memref<64xi32, #tpu.memory_space<vmem>>) semaphore(%arg31 : memref<!tpu.dma_semaphore, #tpu.memory_space<semaphore_mem>>)
    %dma_start3A_1250 = arith.constant 1 : i32
    %dma_start3A_1251 = arith.constant 0 : i32
    %dma_start3A_1252 = arith.constant 0 : i32
    %dma_start3A_1253 = tpu.memref_slice %arg22[%dma_start3A_1250, %dma_start3A_1251, %dma_start3A_1252] : memref<2x64x128xf32, #tpu.memory_space<vmem>> -> memref<1x64x128xf32, #tpu.memory_space<vmem>>
    %dma_start3A_1254 = tpu.memref_squeeze %dma_start3A_1253 : memref<1x64x128xf32, #tpu.memory_space<vmem>> -> memref<64x128xf32, #tpu.memory_space<vmem>>
    %dma_start3A_1255 = arith.constant 448 : i32
    %dma_start3A_1256 = tpu.memref_slice %arg14[%dma_start3A_1255] : memref<512xi32, #tpu.memory_space<vmem>> -> memref<64xi32, #tpu.memory_space<vmem>>
    %dma_start3A_1257 = arith.constant 0 : i32
    %dma_start3A_1258 = arith.constant 0 : i32
    %dma_start3A_1259 = tpu.memref_slice %arg7[%dma_start3A_1257, %dma_start3A_1258] : memref<100001x128xf32, #tpu.memory_space<hbm>> -> memref<100001x128xf32, #tpu.memory_space<hbm>>
    tpu.enqueue_indirect_dma source(%dma_start3A_1259 : memref<100001x128xf32, #tpu.memory_space<hbm>>) target(%dma_start3A_1254 : memref<64x128xf32, #tpu.memory_space<vmem>>) offsets(%dma_start3A_1256 : memref<64xi32, #tpu.memory_space<vmem>>) semaphore(%arg32 : memref<!tpu.dma_semaphore, #tpu.memory_space<semaphore_mem>>)
    %dma_wait3A_1260 = arith.constant 0 : i32
    %dma_wait3A_1261 = arith.constant 0 : i32
    %dma_wait3A_1262 = arith.constant 0 : i32
    %dma_wait3A_1263 = tpu.memref_slice %arg20[%dma_wait3A_1260, %dma_wait3A_1261, %dma_wait3A_1262] : memref<2x64x256xf32, #tpu.memory_space<vmem>> -> memref<1x64x256xf32, #tpu.memory_space<vmem>>
    %dma_wait3A_1264 = tpu.memref_squeeze %dma_wait3A_1263 : memref<1x64x256xf32, #tpu.memory_space<vmem>> -> memref<64x256xf32, #tpu.memory_space<vmem>>
    %dma_wait3A_1265 = arith.constant 384 : i32
    %dma_wait3A_1266 = tpu.memref_slice %arg14[%dma_wait3A_1265] : memref<512xi32, #tpu.memory_space<vmem>> -> memref<64xi32, #tpu.memory_space<vmem>>
    %dma_wait3A_1267 = arith.constant 0 : i32
    %dma_wait3A_1268 = arith.constant 0 : i32
    %dma_wait3A_1269 = tpu.memref_slice %arg6[%dma_wait3A_1267, %dma_wait3A_1268] : memref<100001x256xf32, #tpu.memory_space<hbm>> -> memref<100001x256xf32, #tpu.memory_space<hbm>>
    tpu.wait_indirect_dma semaphore(%arg27 : memref<!tpu.dma_semaphore, #tpu.memory_space<semaphore_mem>>) src(%dma_wait3A_1269 : memref<100001x256xf32, #tpu.memory_space<hbm>>) dst(%dma_wait3A_1264 : memref<64x256xf32, #tpu.memory_space<vmem>>)
    %dma_wait3A_1270 = arith.constant 0 : i32
    %dma_wait3A_1271 = arith.constant 0 : i32
    %dma_wait3A_1272 = arith.constant 0 : i32
    %dma_wait3A_1273 = tpu.memref_slice %arg21[%dma_wait3A_1270, %dma_wait3A_1271, %dma_wait3A_1272] : memref<2x64x256xf32, #tpu.memory_space<vmem>> -> memref<1x64x256xf32, #tpu.memory_space<vmem>>
    %dma_wait3A_1274 = tpu.memref_squeeze %dma_wait3A_1273 : memref<1x64x256xf32, #tpu.memory_space<vmem>> -> memref<64x256xf32, #tpu.memory_space<vmem>>
    %dma_wait3A_1275 = arith.constant 384 : i32
    %dma_wait3A_1276 = tpu.memref_slice %arg19[%dma_wait3A_1275] : memref<512xi32, #tpu.memory_space<vmem>> -> memref<64xi32, #tpu.memory_space<vmem>>
    %dma_wait3A_1277 = arith.constant 0 : i32
    %dma_wait3A_1278 = arith.constant 0 : i32
    %dma_wait3A_1279 = tpu.memref_slice %arg6[%dma_wait3A_1277, %dma_wait3A_1278] : memref<100001x256xf32, #tpu.memory_space<hbm>> -> memref<100001x256xf32, #tpu.memory_space<hbm>>
    tpu.wait_indirect_dma semaphore(%arg28 : memref<!tpu.dma_semaphore, #tpu.memory_space<semaphore_mem>>) src(%dma_wait3A_1279 : memref<100001x256xf32, #tpu.memory_space<hbm>>) dst(%dma_wait3A_1274 : memref<64x256xf32, #tpu.memory_space<vmem>>)
    %dma_wait3A_1280 = arith.constant 0 : i32
    %dma_wait3A_1281 = arith.constant 0 : i32
    %dma_wait3A_1282 = arith.constant 0 : i32
    %dma_wait3A_1283 = tpu.memref_slice %arg22[%dma_wait3A_1280, %dma_wait3A_1281, %dma_wait3A_1282] : memref<2x64x128xf32, #tpu.memory_space<vmem>> -> memref<1x64x128xf32, #tpu.memory_space<vmem>>
    %dma_wait3A_1284 = tpu.memref_squeeze %dma_wait3A_1283 : memref<1x64x128xf32, #tpu.memory_space<vmem>> -> memref<64x128xf32, #tpu.memory_space<vmem>>
    %dma_wait3A_1285 = arith.constant 384 : i32
    %dma_wait3A_1286 = tpu.memref_slice %arg14[%dma_wait3A_1285] : memref<512xi32, #tpu.memory_space<vmem>> -> memref<64xi32, #tpu.memory_space<vmem>>
    %dma_wait3A_1287 = arith.constant 0 : i32
    %dma_wait3A_1288 = arith.constant 0 : i32
    %dma_wait3A_1289 = tpu.memref_slice %arg7[%dma_wait3A_1287, %dma_wait3A_1288] : memref<100001x128xf32, #tpu.memory_space<hbm>> -> memref<100001x128xf32, #tpu.memory_space<hbm>>
    tpu.wait_indirect_dma semaphore(%arg29 : memref<!tpu.dma_semaphore, #tpu.memory_space<semaphore_mem>>) src(%dma_wait3A_1289 : memref<100001x128xf32, #tpu.memory_space<hbm>>) dst(%dma_wait3A_1284 : memref<64x128xf32, #tpu.memory_space<vmem>>)
    %add3A_1290 = arith.constant 384 : i32
    %add3A_1291 = arith.addi %mul3A_2, %add3A_1290 : i32
    %dma_start3A_1292 = arith.constant 0 : i32
    %dma_start3A_1293 = arith.constant 0 : i32
    %dma_start3A_1294 = arith.constant 0 : i32
    %dma_start3A_1295 = tpu.memref_slice %arg20[%dma_start3A_1292, %dma_start3A_1293, %dma_start3A_1294] : memref<2x64x256xf32, #tpu.memory_space<vmem>> -> memref<1x64x256xf32, #tpu.memory_space<vmem>>
    %dma_start3A_1296 = tpu.memref_squeeze %dma_start3A_1295 : memref<1x64x256xf32, #tpu.memory_space<vmem>> -> memref<64x256xf32, #tpu.memory_space<vmem>>
    %dma_start3A_1297 = arith.constant 0 : i32
    %dma_start3A_1298 = tpu.memref_slice %arg8[%add3A_1291, %dma_start3A_1297] : memref<16384x256xf32, #tpu.memory_space<hbm>> -> memref<64x256xf32, #tpu.memory_space<hbm>>
    %dma_start3A_1299 = arith.constant 0 : i32
    %dma_start3A_1300 = tpu.memref_slice %arg8[%add3A_1291, %dma_start3A_1299] : memref<16384x256xf32, #tpu.memory_space<hbm>> -> memref<64x256xf32, #tpu.memory_space<hbm>>
    %dma_start3A_1301 = arith.constant 0 : i32
    %dma_start3A_1302 = arith.constant 0 : i32
    %dma_start3A_1303 = tpu.memref_slice %arg20[%dma_start3A_1292, %dma_start3A_1301, %dma_start3A_1302] : memref<2x64x256xf32, #tpu.memory_space<vmem>> -> memref<1x64x256xf32, #tpu.memory_space<vmem>>
    %dma_start3A_1304 = tpu.memref_squeeze %dma_start3A_1303 : memref<1x64x256xf32, #tpu.memory_space<vmem>> -> memref<64x256xf32, #tpu.memory_space<vmem>>
    tpu.enqueue_dma source(%dma_start3A_1304 : memref<64x256xf32, #tpu.memory_space<vmem>>) target(%dma_start3A_1300 : memref<64x256xf32, #tpu.memory_space<hbm>>) target_semaphore(%arg33 : memref<!tpu.dma_semaphore, #tpu.memory_space<semaphore_mem>>)
    %add3A_1305 = arith.constant 384 : i32
    %add3A_1306 = arith.addi %mul3A_2, %add3A_1305 : i32
    %dma_start3A_1307 = arith.constant 0 : i32
    %dma_start3A_1308 = arith.constant 0 : i32
    %dma_start3A_1309 = arith.constant 0 : i32
    %dma_start3A_1310 = tpu.memref_slice %arg21[%dma_start3A_1307, %dma_start3A_1308, %dma_start3A_1309] : memref<2x64x256xf32, #tpu.memory_space<vmem>> -> memref<1x64x256xf32, #tpu.memory_space<vmem>>
    %dma_start3A_1311 = tpu.memref_squeeze %dma_start3A_1310 : memref<1x64x256xf32, #tpu.memory_space<vmem>> -> memref<64x256xf32, #tpu.memory_space<vmem>>
    %dma_start3A_1312 = arith.constant 0 : i32
    %dma_start3A_1313 = tpu.memref_slice %arg9[%add3A_1306, %dma_start3A_1312] : memref<16384x256xf32, #tpu.memory_space<hbm>> -> memref<64x256xf32, #tpu.memory_space<hbm>>
    %dma_start3A_1314 = arith.constant 0 : i32
    %dma_start3A_1315 = tpu.memref_slice %arg9[%add3A_1306, %dma_start3A_1314] : memref<16384x256xf32, #tpu.memory_space<hbm>> -> memref<64x256xf32, #tpu.memory_space<hbm>>
    %dma_start3A_1316 = arith.constant 0 : i32
    %dma_start3A_1317 = arith.constant 0 : i32
    %dma_start3A_1318 = tpu.memref_slice %arg21[%dma_start3A_1307, %dma_start3A_1316, %dma_start3A_1317] : memref<2x64x256xf32, #tpu.memory_space<vmem>> -> memref<1x64x256xf32, #tpu.memory_space<vmem>>
    %dma_start3A_1319 = tpu.memref_squeeze %dma_start3A_1318 : memref<1x64x256xf32, #tpu.memory_space<vmem>> -> memref<64x256xf32, #tpu.memory_space<vmem>>
    tpu.enqueue_dma source(%dma_start3A_1319 : memref<64x256xf32, #tpu.memory_space<vmem>>) target(%dma_start3A_1315 : memref<64x256xf32, #tpu.memory_space<hbm>>) target_semaphore(%arg34 : memref<!tpu.dma_semaphore, #tpu.memory_space<semaphore_mem>>)
    %add3A_1320 = arith.constant 384 : i32
    %add3A_1321 = arith.addi %mul3A_2, %add3A_1320 : i32
    %dma_start3A_1322 = arith.constant 0 : i32
    %dma_start3A_1323 = arith.constant 0 : i32
    %dma_start3A_1324 = arith.constant 0 : i32
    %dma_start3A_1325 = tpu.memref_slice %arg22[%dma_start3A_1322, %dma_start3A_1323, %dma_start3A_1324] : memref<2x64x128xf32, #tpu.memory_space<vmem>> -> memref<1x64x128xf32, #tpu.memory_space<vmem>>
    %dma_start3A_1326 = tpu.memref_squeeze %dma_start3A_1325 : memref<1x64x128xf32, #tpu.memory_space<vmem>> -> memref<64x128xf32, #tpu.memory_space<vmem>>
    %dma_start3A_1327 = arith.constant 0 : i32
    %dma_start3A_1328 = tpu.memref_slice %arg10[%add3A_1321, %dma_start3A_1327] : memref<16384x128xf32, #tpu.memory_space<hbm>> -> memref<64x128xf32, #tpu.memory_space<hbm>>
    %dma_start3A_1329 = arith.constant 0 : i32
    %dma_start3A_1330 = tpu.memref_slice %arg10[%add3A_1321, %dma_start3A_1329] : memref<16384x128xf32, #tpu.memory_space<hbm>> -> memref<64x128xf32, #tpu.memory_space<hbm>>
    %dma_start3A_1331 = arith.constant 0 : i32
    %dma_start3A_1332 = arith.constant 0 : i32
    %dma_start3A_1333 = tpu.memref_slice %arg22[%dma_start3A_1322, %dma_start3A_1331, %dma_start3A_1332] : memref<2x64x128xf32, #tpu.memory_space<vmem>> -> memref<1x64x128xf32, #tpu.memory_space<vmem>>
    %dma_start3A_1334 = tpu.memref_squeeze %dma_start3A_1333 : memref<1x64x128xf32, #tpu.memory_space<vmem>> -> memref<64x128xf32, #tpu.memory_space<vmem>>
    tpu.enqueue_dma source(%dma_start3A_1334 : memref<64x128xf32, #tpu.memory_space<vmem>>) target(%dma_start3A_1330 : memref<64x128xf32, #tpu.memory_space<hbm>>) target_semaphore(%arg35 : memref<!tpu.dma_semaphore, #tpu.memory_space<semaphore_mem>>)
    %dma_wait3A_1335 = arith.constant 1 : i32
    %dma_wait3A_1336 = arith.constant 0 : i32
    %dma_wait3A_1337 = arith.constant 0 : i32
    %dma_wait3A_1338 = tpu.memref_slice %arg20[%dma_wait3A_1335, %dma_wait3A_1336, %dma_wait3A_1337] : memref<2x64x256xf32, #tpu.memory_space<vmem>> -> memref<1x64x256xf32, #tpu.memory_space<vmem>>
    %dma_wait3A_1339 = tpu.memref_squeeze %dma_wait3A_1338 : memref<1x64x256xf32, #tpu.memory_space<vmem>> -> memref<64x256xf32, #tpu.memory_space<vmem>>
    %dma_wait3A_1340 = arith.constant 448 : i32
    %dma_wait3A_1341 = tpu.memref_slice %arg14[%dma_wait3A_1340] : memref<512xi32, #tpu.memory_space<vmem>> -> memref<64xi32, #tpu.memory_space<vmem>>
    %dma_wait3A_1342 = arith.constant 0 : i32
    %dma_wait3A_1343 = arith.constant 0 : i32
    %dma_wait3A_1344 = tpu.memref_slice %arg6[%dma_wait3A_1342, %dma_wait3A_1343] : memref<100001x256xf32, #tpu.memory_space<hbm>> -> memref<100001x256xf32, #tpu.memory_space<hbm>>
    tpu.wait_indirect_dma semaphore(%arg30 : memref<!tpu.dma_semaphore, #tpu.memory_space<semaphore_mem>>) src(%dma_wait3A_1344 : memref<100001x256xf32, #tpu.memory_space<hbm>>) dst(%dma_wait3A_1339 : memref<64x256xf32, #tpu.memory_space<vmem>>)
    %dma_wait3A_1345 = arith.constant 1 : i32
    %dma_wait3A_1346 = arith.constant 0 : i32
    %dma_wait3A_1347 = arith.constant 0 : i32
    %dma_wait3A_1348 = tpu.memref_slice %arg21[%dma_wait3A_1345, %dma_wait3A_1346, %dma_wait3A_1347] : memref<2x64x256xf32, #tpu.memory_space<vmem>> -> memref<1x64x256xf32, #tpu.memory_space<vmem>>
    %dma_wait3A_1349 = tpu.memref_squeeze %dma_wait3A_1348 : memref<1x64x256xf32, #tpu.memory_space<vmem>> -> memref<64x256xf32, #tpu.memory_space<vmem>>
    %dma_wait3A_1350 = arith.constant 448 : i32
    %dma_wait3A_1351 = tpu.memref_slice %arg19[%dma_wait3A_1350] : memref<512xi32, #tpu.memory_space<vmem>> -> memref<64xi32, #tpu.memory_space<vmem>>
    %dma_wait3A_1352 = arith.constant 0 : i32
    %dma_wait3A_1353 = arith.constant 0 : i32
    %dma_wait3A_1354 = tpu.memref_slice %arg6[%dma_wait3A_1352, %dma_wait3A_1353] : memref<100001x256xf32, #tpu.memory_space<hbm>> -> memref<100001x256xf32, #tpu.memory_space<hbm>>
    tpu.wait_indirect_dma semaphore(%arg31 : memref<!tpu.dma_semaphore, #tpu.memory_space<semaphore_mem>>) src(%dma_wait3A_1354 : memref<100001x256xf32, #tpu.memory_space<hbm>>) dst(%dma_wait3A_1349 : memref<64x256xf32, #tpu.memory_space<vmem>>)
    %dma_wait3A_1355 = arith.constant 1 : i32
    %dma_wait3A_1356 = arith.constant 0 : i32
    %dma_wait3A_1357 = arith.constant 0 : i32
    %dma_wait3A_1358 = tpu.memref_slice %arg22[%dma_wait3A_1355, %dma_wait3A_1356, %dma_wait3A_1357] : memref<2x64x128xf32, #tpu.memory_space<vmem>> -> memref<1x64x128xf32, #tpu.memory_space<vmem>>
    %dma_wait3A_1359 = tpu.memref_squeeze %dma_wait3A_1358 : memref<1x64x128xf32, #tpu.memory_space<vmem>> -> memref<64x128xf32, #tpu.memory_space<vmem>>
    %dma_wait3A_1360 = arith.constant 448 : i32
    %dma_wait3A_1361 = tpu.memref_slice %arg14[%dma_wait3A_1360] : memref<512xi32, #tpu.memory_space<vmem>> -> memref<64xi32, #tpu.memory_space<vmem>>
    %dma_wait3A_1362 = arith.constant 0 : i32
    %dma_wait3A_1363 = arith.constant 0 : i32
    %dma_wait3A_1364 = tpu.memref_slice %arg7[%dma_wait3A_1362, %dma_wait3A_1363] : memref<100001x128xf32, #tpu.memory_space<hbm>> -> memref<100001x128xf32, #tpu.memory_space<hbm>>
    tpu.wait_indirect_dma semaphore(%arg32 : memref<!tpu.dma_semaphore, #tpu.memory_space<semaphore_mem>>) src(%dma_wait3A_1364 : memref<100001x128xf32, #tpu.memory_space<hbm>>) dst(%dma_wait3A_1359 : memref<64x128xf32, #tpu.memory_space<vmem>>)
    %add3A_1365 = arith.constant 448 : i32
    %add3A_1366 = arith.addi %mul3A_2, %add3A_1365 : i32
    %dma_start3A_1367 = arith.constant 1 : i32
    %dma_start3A_1368 = arith.constant 0 : i32
    %dma_start3A_1369 = arith.constant 0 : i32
    %dma_start3A_1370 = tpu.memref_slice %arg20[%dma_start3A_1367, %dma_start3A_1368, %dma_start3A_1369] : memref<2x64x256xf32, #tpu.memory_space<vmem>> -> memref<1x64x256xf32, #tpu.memory_space<vmem>>
    %dma_start3A_1371 = tpu.memref_squeeze %dma_start3A_1370 : memref<1x64x256xf32, #tpu.memory_space<vmem>> -> memref<64x256xf32, #tpu.memory_space<vmem>>
    %dma_start3A_1372 = arith.constant 0 : i32
    %dma_start3A_1373 = tpu.memref_slice %arg8[%add3A_1366, %dma_start3A_1372] : memref<16384x256xf32, #tpu.memory_space<hbm>> -> memref<64x256xf32, #tpu.memory_space<hbm>>
    %dma_start3A_1374 = arith.constant 0 : i32
    %dma_start3A_1375 = tpu.memref_slice %arg8[%add3A_1366, %dma_start3A_1374] : memref<16384x256xf32, #tpu.memory_space<hbm>> -> memref<64x256xf32, #tpu.memory_space<hbm>>
    %dma_start3A_1376 = arith.constant 0 : i32
    %dma_start3A_1377 = arith.constant 0 : i32
    %dma_start3A_1378 = tpu.memref_slice %arg20[%dma_start3A_1367, %dma_start3A_1376, %dma_start3A_1377] : memref<2x64x256xf32, #tpu.memory_space<vmem>> -> memref<1x64x256xf32, #tpu.memory_space<vmem>>
    %dma_start3A_1379 = tpu.memref_squeeze %dma_start3A_1378 : memref<1x64x256xf32, #tpu.memory_space<vmem>> -> memref<64x256xf32, #tpu.memory_space<vmem>>
    tpu.enqueue_dma source(%dma_start3A_1379 : memref<64x256xf32, #tpu.memory_space<vmem>>) target(%dma_start3A_1375 : memref<64x256xf32, #tpu.memory_space<hbm>>) target_semaphore(%arg36 : memref<!tpu.dma_semaphore, #tpu.memory_space<semaphore_mem>>)
    %add3A_1380 = arith.constant 448 : i32
    %add3A_1381 = arith.addi %mul3A_2, %add3A_1380 : i32
    %dma_start3A_1382 = arith.constant 1 : i32
    %dma_start3A_1383 = arith.constant 0 : i32
    %dma_start3A_1384 = arith.constant 0 : i32
    %dma_start3A_1385 = tpu.memref_slice %arg21[%dma_start3A_1382, %dma_start3A_1383, %dma_start3A_1384] : memref<2x64x256xf32, #tpu.memory_space<vmem>> -> memref<1x64x256xf32, #tpu.memory_space<vmem>>
    %dma_start3A_1386 = tpu.memref_squeeze %dma_start3A_1385 : memref<1x64x256xf32, #tpu.memory_space<vmem>> -> memref<64x256xf32, #tpu.memory_space<vmem>>
    %dma_start3A_1387 = arith.constant 0 : i32
    %dma_start3A_1388 = tpu.memref_slice %arg9[%add3A_1381, %dma_start3A_1387] : memref<16384x256xf32, #tpu.memory_space<hbm>> -> memref<64x256xf32, #tpu.memory_space<hbm>>
    %dma_start3A_1389 = arith.constant 0 : i32
    %dma_start3A_1390 = tpu.memref_slice %arg9[%add3A_1381, %dma_start3A_1389] : memref<16384x256xf32, #tpu.memory_space<hbm>> -> memref<64x256xf32, #tpu.memory_space<hbm>>
    %dma_start3A_1391 = arith.constant 0 : i32
    %dma_start3A_1392 = arith.constant 0 : i32
    %dma_start3A_1393 = tpu.memref_slice %arg21[%dma_start3A_1382, %dma_start3A_1391, %dma_start3A_1392] : memref<2x64x256xf32, #tpu.memory_space<vmem>> -> memref<1x64x256xf32, #tpu.memory_space<vmem>>
    %dma_start3A_1394 = tpu.memref_squeeze %dma_start3A_1393 : memref<1x64x256xf32, #tpu.memory_space<vmem>> -> memref<64x256xf32, #tpu.memory_space<vmem>>
    tpu.enqueue_dma source(%dma_start3A_1394 : memref<64x256xf32, #tpu.memory_space<vmem>>) target(%dma_start3A_1390 : memref<64x256xf32, #tpu.memory_space<hbm>>) target_semaphore(%arg37 : memref<!tpu.dma_semaphore, #tpu.memory_space<semaphore_mem>>)
    %add3A_1395 = arith.constant 448 : i32
    %add3A_1396 = arith.addi %mul3A_2, %add3A_1395 : i32
    %dma_start3A_1397 = arith.constant 1 : i32
    %dma_start3A_1398 = arith.constant 0 : i32
    %dma_start3A_1399 = arith.constant 0 : i32
    %dma_start3A_1400 = tpu.memref_slice %arg22[%dma_start3A_1397, %dma_start3A_1398, %dma_start3A_1399] : memref<2x64x128xf32, #tpu.memory_space<vmem>> -> memref<1x64x128xf32, #tpu.memory_space<vmem>>
    %dma_start3A_1401 = tpu.memref_squeeze %dma_start3A_1400 : memref<1x64x128xf32, #tpu.memory_space<vmem>> -> memref<64x128xf32, #tpu.memory_space<vmem>>
    %dma_start3A_1402 = arith.constant 0 : i32
    %dma_start3A_1403 = tpu.memref_slice %arg10[%add3A_1396, %dma_start3A_1402] : memref<16384x128xf32, #tpu.memory_space<hbm>> -> memref<64x128xf32, #tpu.memory_space<hbm>>
    %dma_start3A_1404 = arith.constant 0 : i32
    %dma_start3A_1405 = tpu.memref_slice %arg10[%add3A_1396, %dma_start3A_1404] : memref<16384x128xf32, #tpu.memory_space<hbm>> -> memref<64x128xf32, #tpu.memory_space<hbm>>
    %dma_start3A_1406 = arith.constant 0 : i32
    %dma_start3A_1407 = arith.constant 0 : i32
    %dma_start3A_1408 = tpu.memref_slice %arg22[%dma_start3A_1397, %dma_start3A_1406, %dma_start3A_1407] : memref<2x64x128xf32, #tpu.memory_space<vmem>> -> memref<1x64x128xf32, #tpu.memory_space<vmem>>
    %dma_start3A_1409 = tpu.memref_squeeze %dma_start3A_1408 : memref<1x64x128xf32, #tpu.memory_space<vmem>> -> memref<64x128xf32, #tpu.memory_space<vmem>>
    tpu.enqueue_dma source(%dma_start3A_1409 : memref<64x128xf32, #tpu.memory_space<vmem>>) target(%dma_start3A_1405 : memref<64x128xf32, #tpu.memory_space<hbm>>) target_semaphore(%arg38 : memref<!tpu.dma_semaphore, #tpu.memory_space<semaphore_mem>>)
    %dma_wait3A_1410 = arith.constant 0 : i32
    %dma_wait3A_1411 = arith.constant 0 : i32
    %dma_wait3A_1412 = arith.constant 0 : i32
    %dma_wait3A_1413 = tpu.memref_slice %arg20[%dma_wait3A_1410, %dma_wait3A_1411, %dma_wait3A_1412] : memref<2x64x256xf32, #tpu.memory_space<vmem>> -> memref<1x64x256xf32, #tpu.memory_space<vmem>>
    %dma_wait3A_1414 = tpu.memref_squeeze %dma_wait3A_1413 : memref<1x64x256xf32, #tpu.memory_space<vmem>> -> memref<64x256xf32, #tpu.memory_space<vmem>>
    %dma_wait3A_1415 = arith.constant 0 : i32
    %dma_wait3A_1416 = tpu.memref_slice %arg8[%add3A_1291, %dma_wait3A_1415] : memref<16384x256xf32, #tpu.memory_space<hbm>> -> memref<64x256xf32, #tpu.memory_space<hbm>>
    %dma_wait3A_1417 = arith.constant 0 : i32
    %dma_wait3A_1418 = tpu.memref_slice %arg8[%add3A_1291, %dma_wait3A_1417] : memref<16384x256xf32, #tpu.memory_space<hbm>> -> memref<64x256xf32, #tpu.memory_space<hbm>>
    %dma_wait3A_1419 = arith.constant 0 : i32
    %dma_wait3A_1420 = arith.constant 0 : i32
    %dma_wait3A_1421 = tpu.memref_slice %arg20[%dma_wait3A_1410, %dma_wait3A_1419, %dma_wait3A_1420] : memref<2x64x256xf32, #tpu.memory_space<vmem>> -> memref<1x64x256xf32, #tpu.memory_space<vmem>>
    %dma_wait3A_1422 = tpu.memref_squeeze %dma_wait3A_1421 : memref<1x64x256xf32, #tpu.memory_space<vmem>> -> memref<64x256xf32, #tpu.memory_space<vmem>>
    tpu.wait_dma2 semaphore(%arg33 : memref<!tpu.dma_semaphore, #tpu.memory_space<semaphore_mem>>) src(%dma_wait3A_1422 : memref<64x256xf32, #tpu.memory_space<vmem>>) dst(%dma_wait3A_1418 : memref<64x256xf32, #tpu.memory_space<hbm>>)
    %dma_wait3A_1423 = arith.constant 0 : i32
    %dma_wait3A_1424 = arith.constant 0 : i32
    %dma_wait3A_1425 = arith.constant 0 : i32
    %dma_wait3A_1426 = tpu.memref_slice %arg21[%dma_wait3A_1423, %dma_wait3A_1424, %dma_wait3A_1425] : memref<2x64x256xf32, #tpu.memory_space<vmem>> -> memref<1x64x256xf32, #tpu.memory_space<vmem>>
    %dma_wait3A_1427 = tpu.memref_squeeze %dma_wait3A_1426 : memref<1x64x256xf32, #tpu.memory_space<vmem>> -> memref<64x256xf32, #tpu.memory_space<vmem>>
    %dma_wait3A_1428 = arith.constant 0 : i32
    %dma_wait3A_1429 = tpu.memref_slice %arg9[%add3A_1306, %dma_wait3A_1428] : memref<16384x256xf32, #tpu.memory_space<hbm>> -> memref<64x256xf32, #tpu.memory_space<hbm>>
    %dma_wait3A_1430 = arith.constant 0 : i32
    %dma_wait3A_1431 = tpu.memref_slice %arg9[%add3A_1306, %dma_wait3A_1430] : memref<16384x256xf32, #tpu.memory_space<hbm>> -> memref<64x256xf32, #tpu.memory_space<hbm>>
    %dma_wait3A_1432 = arith.constant 0 : i32
    %dma_wait3A_1433 = arith.constant 0 : i32
    %dma_wait3A_1434 = tpu.memref_slice %arg21[%dma_wait3A_1423, %dma_wait3A_1432, %dma_wait3A_1433] : memref<2x64x256xf32, #tpu.memory_space<vmem>> -> memref<1x64x256xf32, #tpu.memory_space<vmem>>
    %dma_wait3A_1435 = tpu.memref_squeeze %dma_wait3A_1434 : memref<1x64x256xf32, #tpu.memory_space<vmem>> -> memref<64x256xf32, #tpu.memory_space<vmem>>
    tpu.wait_dma2 semaphore(%arg34 : memref<!tpu.dma_semaphore, #tpu.memory_space<semaphore_mem>>) src(%dma_wait3A_1435 : memref<64x256xf32, #tpu.memory_space<vmem>>) dst(%dma_wait3A_1431 : memref<64x256xf32, #tpu.memory_space<hbm>>)
    %dma_wait3A_1436 = arith.constant 0 : i32
    %dma_wait3A_1437 = arith.constant 0 : i32
    %dma_wait3A_1438 = arith.constant 0 : i32
    %dma_wait3A_1439 = tpu.memref_slice %arg22[%dma_wait3A_1436, %dma_wait3A_1437, %dma_wait3A_1438] : memref<2x64x128xf32, #tpu.memory_space<vmem>> -> memref<1x64x128xf32, #tpu.memory_space<vmem>>
    %dma_wait3A_1440 = tpu.memref_squeeze %dma_wait3A_1439 : memref<1x64x128xf32, #tpu.memory_space<vmem>> -> memref<64x128xf32, #tpu.memory_space<vmem>>
    %dma_wait3A_1441 = arith.constant 0 : i32
    %dma_wait3A_1442 = tpu.memref_slice %arg10[%add3A_1321, %dma_wait3A_1441] : memref<16384x128xf32, #tpu.memory_space<hbm>> -> memref<64x128xf32, #tpu.memory_space<hbm>>
    %dma_wait3A_1443 = arith.constant 0 : i32
    %dma_wait3A_1444 = tpu.memref_slice %arg10[%add3A_1321, %dma_wait3A_1443] : memref<16384x128xf32, #tpu.memory_space<hbm>> -> memref<64x128xf32, #tpu.memory_space<hbm>>
    %dma_wait3A_1445 = arith.constant 0 : i32
    %dma_wait3A_1446 = arith.constant 0 : i32
    %dma_wait3A_1447 = tpu.memref_slice %arg22[%dma_wait3A_1436, %dma_wait3A_1445, %dma_wait3A_1446] : memref<2x64x128xf32, #tpu.memory_space<vmem>> -> memref<1x64x128xf32, #tpu.memory_space<vmem>>
    %dma_wait3A_1448 = tpu.memref_squeeze %dma_wait3A_1447 : memref<1x64x128xf32, #tpu.memory_space<vmem>> -> memref<64x128xf32, #tpu.memory_space<vmem>>
    tpu.wait_dma2 semaphore(%arg35 : memref<!tpu.dma_semaphore, #tpu.memory_space<semaphore_mem>>) src(%dma_wait3A_1448 : memref<64x128xf32, #tpu.memory_space<vmem>>) dst(%dma_wait3A_1444 : memref<64x128xf32, #tpu.memory_space<hbm>>)
    %dma_wait3A_1449 = arith.constant 1 : i32
    %dma_wait3A_1450 = arith.constant 0 : i32
    %dma_wait3A_1451 = arith.constant 0 : i32
    %dma_wait3A_1452 = tpu.memref_slice %arg20[%dma_wait3A_1449, %dma_wait3A_1450, %dma_wait3A_1451] : memref<2x64x256xf32, #tpu.memory_space<vmem>> -> memref<1x64x256xf32, #tpu.memory_space<vmem>>
    %dma_wait3A_1453 = tpu.memref_squeeze %dma_wait3A_1452 : memref<1x64x256xf32, #tpu.memory_space<vmem>> -> memref<64x256xf32, #tpu.memory_space<vmem>>
    %dma_wait3A_1454 = arith.constant 0 : i32
    %dma_wait3A_1455 = tpu.memref_slice %arg8[%add3A_1366, %dma_wait3A_1454] : memref<16384x256xf32, #tpu.memory_space<hbm>> -> memref<64x256xf32, #tpu.memory_space<hbm>>
    %dma_wait3A_1456 = arith.constant 0 : i32
    %dma_wait3A_1457 = tpu.memref_slice %arg8[%add3A_1366, %dma_wait3A_1456] : memref<16384x256xf32, #tpu.memory_space<hbm>> -> memref<64x256xf32, #tpu.memory_space<hbm>>
    %dma_wait3A_1458 = arith.constant 0 : i32
    %dma_wait3A_1459 = arith.constant 0 : i32
    %dma_wait3A_1460 = tpu.memref_slice %arg20[%dma_wait3A_1449, %dma_wait3A_1458, %dma_wait3A_1459] : memref<2x64x256xf32, #tpu.memory_space<vmem>> -> memref<1x64x256xf32, #tpu.memory_space<vmem>>
    %dma_wait3A_1461 = tpu.memref_squeeze %dma_wait3A_1460 : memref<1x64x256xf32, #tpu.memory_space<vmem>> -> memref<64x256xf32, #tpu.memory_space<vmem>>
    tpu.wait_dma2 semaphore(%arg36 : memref<!tpu.dma_semaphore, #tpu.memory_space<semaphore_mem>>) src(%dma_wait3A_1461 : memref<64x256xf32, #tpu.memory_space<vmem>>) dst(%dma_wait3A_1457 : memref<64x256xf32, #tpu.memory_space<hbm>>)
    %dma_wait3A_1462 = arith.constant 1 : i32
    %dma_wait3A_1463 = arith.constant 0 : i32
    %dma_wait3A_1464 = arith.constant 0 : i32
    %dma_wait3A_1465 = tpu.memref_slice %arg21[%dma_wait3A_1462, %dma_wait3A_1463, %dma_wait3A_1464] : memref<2x64x256xf32, #tpu.memory_space<vmem>> -> memref<1x64x256xf32, #tpu.memory_space<vmem>>
    %dma_wait3A_1466 = tpu.memref_squeeze %dma_wait3A_1465 : memref<1x64x256xf32, #tpu.memory_space<vmem>> -> memref<64x256xf32, #tpu.memory_space<vmem>>
    %dma_wait3A_1467 = arith.constant 0 : i32
    %dma_wait3A_1468 = tpu.memref_slice %arg9[%add3A_1381, %dma_wait3A_1467] : memref<16384x256xf32, #tpu.memory_space<hbm>> -> memref<64x256xf32, #tpu.memory_space<hbm>>
    %dma_wait3A_1469 = arith.constant 0 : i32
    %dma_wait3A_1470 = tpu.memref_slice %arg9[%add3A_1381, %dma_wait3A_1469] : memref<16384x256xf32, #tpu.memory_space<hbm>> -> memref<64x256xf32, #tpu.memory_space<hbm>>
    %dma_wait3A_1471 = arith.constant 0 : i32
    %dma_wait3A_1472 = arith.constant 0 : i32
    %dma_wait3A_1473 = tpu.memref_slice %arg21[%dma_wait3A_1462, %dma_wait3A_1471, %dma_wait3A_1472] : memref<2x64x256xf32, #tpu.memory_space<vmem>> -> memref<1x64x256xf32, #tpu.memory_space<vmem>>
    %dma_wait3A_1474 = tpu.memref_squeeze %dma_wait3A_1473 : memref<1x64x256xf32, #tpu.memory_space<vmem>> -> memref<64x256xf32, #tpu.memory_space<vmem>>
    tpu.wait_dma2 semaphore(%arg37 : memref<!tpu.dma_semaphore, #tpu.memory_space<semaphore_mem>>) src(%dma_wait3A_1474 : memref<64x256xf32, #tpu.memory_space<vmem>>) dst(%dma_wait3A_1470 : memref<64x256xf32, #tpu.memory_space<hbm>>)
    %dma_wait3A_1475 = arith.constant 1 : i32
    %dma_wait3A_1476 = arith.constant 0 : i32
    %dma_wait3A_1477 = arith.constant 0 : i32
    %dma_wait3A_1478 = tpu.memref_slice %arg22[%dma_wait3A_1475, %dma_wait3A_1476, %dma_wait3A_1477] : memref<2x64x128xf32, #tpu.memory_space<vmem>> -> memref<1x64x128xf32, #tpu.memory_space<vmem>>
    %dma_wait3A_1479 = tpu.memref_squeeze %dma_wait3A_1478 : memref<1x64x128xf32, #tpu.memory_space<vmem>> -> memref<64x128xf32, #tpu.memory_space<vmem>>
    %dma_wait3A_1480 = arith.constant 0 : i32
    %dma_wait3A_1481 = tpu.memref_slice %arg10[%add3A_1396, %dma_wait3A_1480] : memref<16384x128xf32, #tpu.memory_space<hbm>> -> memref<64x128xf32, #tpu.memory_space<hbm>>
    %dma_wait3A_1482 = arith.constant 0 : i32
    %dma_wait3A_1483 = tpu.memref_slice %arg10[%add3A_1396, %dma_wait3A_1482] : memref<16384x128xf32, #tpu.memory_space<hbm>> -> memref<64x128xf32, #tpu.memory_space<hbm>>
    %dma_wait3A_1484 = arith.constant 0 : i32
    %dma_wait3A_1485 = arith.constant 0 : i32
    %dma_wait3A_1486 = tpu.memref_slice %arg22[%dma_wait3A_1475, %dma_wait3A_1484, %dma_wait3A_1485] : memref<2x64x128xf32, #tpu.memory_space<vmem>> -> memref<1x64x128xf32, #tpu.memory_space<vmem>>
    %dma_wait3A_1487 = tpu.memref_squeeze %dma_wait3A_1486 : memref<1x64x128xf32, #tpu.memory_space<vmem>> -> memref<64x128xf32, #tpu.memory_space<vmem>>
    tpu.wait_dma2 semaphore(%arg38 : memref<!tpu.dma_semaphore, #tpu.memory_space<semaphore_mem>>) src(%dma_wait3A_1487 : memref<64x128xf32, #tpu.memory_space<vmem>>) dst(%dma_wait3A_1483 : memref<64x128xf32, #tpu.memory_space<hbm>>)
    %dma_wait3A_1488 = tpu.memref_slice %arg13[%mul3A_2] : memref<16384xi32, #tpu.memory_space<hbm>> -> memref<512xi32, #tpu.memory_space<hbm>>
    %dma_wait3A_1489 = tpu.memref_slice %arg13[%mul3A_2] : memref<16384xi32, #tpu.memory_space<hbm>> -> memref<512xi32, #tpu.memory_space<hbm>>
    tpu.wait_dma2 semaphore(%arg26 : memref<!tpu.dma_semaphore, #tpu.memory_space<semaphore_mem>>) src(%arg19 : memref<512xi32, #tpu.memory_space<vmem>>) dst(%dma_wait3A_1489 : memref<512xi32, #tpu.memory_space<hbm>>)
    %dma_wait3A_1490 = tpu.memref_slice %arg11[%mul3A_2] : memref<16384xi32, #tpu.memory_space<hbm>> -> memref<512xi32, #tpu.memory_space<hbm>>
    %dma_wait3A_1491 = tpu.memref_slice %arg11[%mul3A_2] : memref<16384xi32, #tpu.memory_space<hbm>> -> memref<512xi32, #tpu.memory_space<hbm>>
    tpu.wait_dma2 semaphore(%arg26 : memref<!tpu.dma_semaphore, #tpu.memory_space<semaphore_mem>>) src(%arg16 : memref<512xi32, #tpu.memory_space<vmem>>) dst(%dma_wait3A_1491 : memref<512xi32, #tpu.memory_space<hbm>>)
    %dma_wait3A_1492 = tpu.memref_slice %arg12[%mul3A_2] : memref<16384xf32, #tpu.memory_space<hbm>> -> memref<512xf32, #tpu.memory_space<hbm>>
    %dma_wait3A_1493 = tpu.memref_slice %arg12[%mul3A_2] : memref<16384xf32, #tpu.memory_space<hbm>> -> memref<512xf32, #tpu.memory_space<hbm>>
    tpu.wait_dma2 semaphore(%arg26 : memref<!tpu.dma_semaphore, #tpu.memory_space<semaphore_mem>>) src(%arg17 : memref<512xf32, #tpu.memory_space<vmem>>) dst(%dma_wait3A_1493 : memref<512xf32, #tpu.memory_space<hbm>>)
    return
  }
}

module attributes {stable_mosaic.version = 14 : i64} {
  func.func @_gru_body(%arg0: i32, %arg1: memref<1024x256xf32, #tpu.memory_space<vmem>>, %arg2: memref<1024x256xf32, #tpu.memory_space<vmem>>, %arg3: memref<1024x128xf32, #tpu.memory_space<vmem>>, %arg4: memref<1024x1xf32, #tpu.memory_space<vmem>>, %arg5: memref<1024x1xi32, #tpu.memory_space<vmem>>, %arg6: memref<768x768xbf16, #tpu.memory_space<vmem>>, %arg7: memref<256x768xbf16, #tpu.memory_space<vmem>>, %arg8: memref<1x768xf32, #tpu.memory_space<vmem>>, %arg9: memref<1x768xf32, #tpu.memory_space<vmem>>, %arg10: memref<1x128xf32, #tpu.memory_space<vmem>>, %arg11: memref<1x128xf32, #tpu.memory_space<vmem>>, %arg12: memref<1024x256xf32, #tpu.memory_space<vmem>>) attributes {dimension_semantics = [#tpu.dimension_semantics<arbitrary>], iteration_bounds = array<i64: 16>, scalar_prefetch = 0 : i64, scratch_operands = 0 : i64, tpu.core_type = #tpu.core_type<tc>, window_params = [{transform_indices = @transform_0, window_bounds = array<i64: 1024, 256>}, {transform_indices = @transform_1, window_bounds = array<i64: 1024, 256>}, {transform_indices = @transform_2, window_bounds = array<i64: 1024, 128>}, {transform_indices = @transform_3, window_bounds = array<i64: 1024, 1>}, {transform_indices = @transform_4, window_bounds = array<i64: 1024, 1>}, {pipeline_mode = #tpu.pipeline_mode<synchronous>, transform_indices = @transform_5, window_bounds = array<i64: 768, 768>}, {pipeline_mode = #tpu.pipeline_mode<synchronous>, transform_indices = @transform_6, window_bounds = array<i64: 256, 768>}, {pipeline_mode = #tpu.pipeline_mode<synchronous>, transform_indices = @transform_7, window_bounds = array<i64: 1, 768>}, {pipeline_mode = #tpu.pipeline_mode<synchronous>, transform_indices = @transform_8, window_bounds = array<i64: 1, 768>}, {pipeline_mode = #tpu.pipeline_mode<synchronous>, transform_indices = @transform_9, window_bounds = array<i64: 1, 128>}, {pipeline_mode = #tpu.pipeline_mode<synchronous>, transform_indices = @transform_10, window_bounds = array<i64: 1, 128>}, {transform_indices = @transform_11, window_bounds = array<i64: 1024, 256>}]} {
    %get3A = arith.constant 0 : index
    %get3A_0 = arith.constant 0 : index
    %get3A_1 = vector.load %arg1[%get3A, %get3A_0] : memref<1024x256xf32, #tpu.memory_space<vmem>>, vector<1024x256xf32>
    %get3A_2 = arith.constant 0 : index
    %get3A_3 = arith.constant 0 : index
    %get3A_4 = vector.load %arg5[%get3A_2, %get3A_3] : memref<1024x1xi32, #tpu.memory_space<vmem>>, vector<1024x1xi32>
    %ne3A = arith.constant 0 : i32
    %ne3A_5 = vector.broadcast %ne3A : i32 to vector<1024x1xi32>
    %ne3A_6 = arith.cmpi ne, %get3A_4, %ne3A_5 : vector<1024x1xi32>
    %convert_element_type3A = arith.extui %ne3A_6 : vector<1024x1xi1> to vector<1024x1xi32>
    %convert_element_type3A_7 = arith.sitofp %convert_element_type3A : vector<1024x1xi32> to vector<1024x1xf32>
    %get3A_8 = arith.constant 0 : index
    %get3A_9 = arith.constant 0 : index
    %get3A_10 = vector.load %arg4[%get3A_8, %get3A_9] : memref<1024x1xf32, #tpu.memory_space<vmem>>, vector<1024x1xf32>
    %get3A_11 = arith.constant 0 : index
    %get3A_12 = arith.constant 0 : index
    %get3A_13 = vector.load %arg10[%get3A_11, %get3A_12] : memref<1x128xf32, #tpu.memory_space<vmem>>, vector<1x128xf32>
    %mul3A = vector.broadcast %get3A_10 : vector<1024x1xf32> to vector<1024x128xf32>
    %mul3A_14 = vector.broadcast %get3A_13 : vector<1x128xf32> to vector<1024x128xf32>
    %mul3A_15 = arith.mulf %mul3A, %mul3A_14 : vector<1024x128xf32>
    %get3A_16 = arith.constant 0 : index
    %get3A_17 = arith.constant 0 : index
    %get3A_18 = vector.load %arg11[%get3A_16, %get3A_17] : memref<1x128xf32, #tpu.memory_space<vmem>>, vector<1x128xf32>
    %add3A = vector.broadcast %get3A_18 : vector<1x128xf32> to vector<1024x128xf32>
    %add3A_19 = arith.addf %mul3A_15, %add3A : vector<1024x128xf32>
    %cos3A = math.cos %add3A_19 : vector<1024x128xf32>
    %gt3A = arith.constant 0 : i32
    %gt3A_20 = vector.broadcast %gt3A : i32 to vector<1024x1xi32>
    %gt3A_21 = arith.cmpi sgt, %get3A_4, %gt3A_20 : vector<1024x1xi32>
    %convert_element_type3A_22 = arith.extui %gt3A_21 : vector<1024x1xi1> to vector<1024x1xi32>
    %convert_element_type3A_23 = arith.sitofp %convert_element_type3A_22 : vector<1024x1xi32> to vector<1024x1xf32>
    %mul3A_24 = vector.broadcast %convert_element_type3A_23 : vector<1024x1xf32> to vector<1024x128xf32>
    %mul3A_25 = arith.mulf %cos3A, %mul3A_24 : vector<1024x128xf32>
    %mul3A_26 = vector.broadcast %convert_element_type3A_7 : vector<1024x1xf32> to vector<1024x256xf32>
    %mul3A_27 = arith.mulf %get3A_1, %mul3A_26 : vector<1024x256xf32>
    %get3A_28 = arith.constant 0 : index
    %get3A_29 = arith.constant 0 : index
    %get3A_30 = vector.load %arg2[%get3A_28, %get3A_29] : memref<1024x256xf32, #tpu.memory_space<vmem>>, vector<1024x256xf32>
    %mul3A_31 = vector.broadcast %convert_element_type3A_7 : vector<1024x1xf32> to vector<1024x256xf32>
    %mul3A_32 = arith.mulf %get3A_30, %mul3A_31 : vector<1024x256xf32>
    %get3A_33 = arith.constant 0 : index
    %get3A_34 = arith.constant 0 : index
    %get3A_35 = vector.load %arg3[%get3A_33, %get3A_34] : memref<1024x128xf32, #tpu.memory_space<vmem>>, vector<1024x128xf32>
    %concatenate3A = tpu.concatenate %mul3A_27, %mul3A_32, %get3A_35, %mul3A_25 in 1 : vector<1024x256xf32>, vector<1024x256xf32>, vector<1024x128xf32>, vector<1024x128xf32> -> vector<1024x768xf32>
    %convert_element_type3A_36 = arith.truncf %concatenate3A : vector<1024x768xf32> to vector<1024x768xbf16>
    %get3A_37 = arith.constant 0 : index
    %get3A_38 = arith.constant 0 : index
    %get3A_39 = vector.load %arg6[%get3A_37, %get3A_38] : memref<768x768xbf16, #tpu.memory_space<vmem>>, vector<768x768xbf16>
    %dot_general3A = arith.constant dense<0.000000e+00> : vector<1024x768xf32>
    %dot_general3A_40 = tpu.matmul %convert_element_type3A_36, %get3A_39, %dot_general3A {dimension_numbers = #tpu.dot_dimension_numbers<[1], [0], [0], [1], [0, 0, 1, 1], [], []>, transpose_lhs_hint = false} : vector<1024x768xbf16>, vector<768x768xbf16>, vector<1024x768xf32> -> vector<1024x768xf32>
    %get3A_41 = arith.constant 0 : index
    %get3A_42 = arith.constant 0 : index
    %get3A_43 = vector.load %arg8[%get3A_41, %get3A_42] : memref<1x768xf32, #tpu.memory_space<vmem>>, vector<1x768xf32>
    %add3A_44 = vector.broadcast %get3A_43 : vector<1x768xf32> to vector<1024x768xf32>
    %add3A_45 = arith.addf %dot_general3A_40, %add3A_44 : vector<1024x768xf32>
    %convert_element_type3A_46 = arith.truncf %get3A_1 : vector<1024x256xf32> to vector<1024x256xbf16>
    %get3A_47 = arith.constant 0 : index
    %get3A_48 = arith.constant 0 : index
    %get3A_49 = vector.load %arg7[%get3A_47, %get3A_48] : memref<256x768xbf16, #tpu.memory_space<vmem>>, vector<256x768xbf16>
    %dot_general3A_50 = arith.constant dense<0.000000e+00> : vector<1024x768xf32>
    %dot_general3A_51 = tpu.matmul %convert_element_type3A_46, %get3A_49, %dot_general3A_50 {dimension_numbers = #tpu.dot_dimension_numbers<[1], [0], [0], [1], [0, 0, 1, 1], [], []>, transpose_lhs_hint = false} : vector<1024x256xbf16>, vector<256x768xbf16>, vector<1024x768xf32> -> vector<1024x768xf32>
    %get3A_52 = arith.constant 0 : index
    %get3A_53 = arith.constant 0 : index
    %get3A_54 = vector.load %arg9[%get3A_52, %get3A_53] : memref<1x768xf32, #tpu.memory_space<vmem>>, vector<1x768xf32>
    %add3A_55 = vector.broadcast %get3A_54 : vector<1x768xf32> to vector<1024x768xf32>
    %add3A_56 = arith.addf %dot_general3A_51, %add3A_55 : vector<1024x768xf32>
    %slice3A = vector.extract_strided_slice %add3A_45 {offsets = [0, 0], sizes = [1024, 256], strides = [1, 1]} : vector<1024x768xf32> to vector<1024x256xf32>
    %slice3A_57 = vector.extract_strided_slice %add3A_56 {offsets = [0, 0], sizes = [1024, 256], strides = [1, 1]} : vector<1024x768xf32> to vector<1024x256xf32>
    %add3A_58 = arith.addf %slice3A, %slice3A_57 : vector<1024x256xf32>
    %logistic3A = arith.negf %add3A_58 : vector<1024x256xf32>
    %logistic3A_59 = math.exp %logistic3A : vector<1024x256xf32>
    %logistic3A_60 = arith.constant 1.000000e+00 : f32
    %logistic3A_61 = vector.broadcast %logistic3A_60 : f32 to vector<1024x256xf32>
    %logistic3A_62 = arith.addf %logistic3A_61, %logistic3A_59 : vector<1024x256xf32>
    %logistic3A_63 = arith.divf %logistic3A_61, %logistic3A_62 : vector<1024x256xf32>
    %slice3A_64 = vector.extract_strided_slice %add3A_45 {offsets = [0, 256], sizes = [1024, 256], strides = [1, 1]} : vector<1024x768xf32> to vector<1024x256xf32>
    %slice3A_65 = vector.extract_strided_slice %add3A_56 {offsets = [0, 256], sizes = [1024, 256], strides = [1, 1]} : vector<1024x768xf32> to vector<1024x256xf32>
    %add3A_66 = arith.addf %slice3A_64, %slice3A_65 : vector<1024x256xf32>
    %logistic3A_67 = arith.negf %add3A_66 : vector<1024x256xf32>
    %logistic3A_68 = math.exp %logistic3A_67 : vector<1024x256xf32>
    %logistic3A_69 = arith.constant 1.000000e+00 : f32
    %logistic3A_70 = vector.broadcast %logistic3A_69 : f32 to vector<1024x256xf32>
    %logistic3A_71 = arith.addf %logistic3A_70, %logistic3A_68 : vector<1024x256xf32>
    %logistic3A_72 = arith.divf %logistic3A_70, %logistic3A_71 : vector<1024x256xf32>
    %slice3A_73 = vector.extract_strided_slice %add3A_45 {offsets = [0, 512], sizes = [1024, 256], strides = [1, 1]} : vector<1024x768xf32> to vector<1024x256xf32>
    %slice3A_74 = vector.extract_strided_slice %add3A_56 {offsets = [0, 512], sizes = [1024, 256], strides = [1, 1]} : vector<1024x768xf32> to vector<1024x256xf32>
    %mul3A_75 = arith.mulf %logistic3A_63, %slice3A_74 : vector<1024x256xf32>
    %add3A_76 = arith.addf %slice3A_73, %mul3A_75 : vector<1024x256xf32>
    %tanh3A = math.tanh %add3A_76 : vector<1024x256xf32>
    %sub3A = arith.constant 1.000000e+00 : f32
    %sub3A_77 = vector.broadcast %sub3A : f32 to vector<1024x256xf32>
    %sub3A_78 = arith.subf %sub3A_77, %logistic3A_72 : vector<1024x256xf32>
    %mul3A_79 = arith.mulf %sub3A_78, %tanh3A : vector<1024x256xf32>
    %mul3A_80 = arith.mulf %logistic3A_72, %get3A_1 : vector<1024x256xf32>
    %add3A_81 = arith.addf %mul3A_79, %mul3A_80 : vector<1024x256xf32>
    %swap3A = arith.constant 0 : index
    %swap3A_82 = arith.constant 0 : index
    %swap3A_83 = vector.load %arg12[%swap3A, %swap3A_82] : memref<1024x256xf32, #tpu.memory_space<vmem>>, vector<1024x256xf32>
    tpu.vector_store %arg12[%swap3A, %swap3A_82], %add3A_81 {strides = array<i32>} : memref<1024x256xf32, #tpu.memory_space<vmem>>, vector<1024x256xf32>,
    return
  }
  func.func @transform_0(%arg0: i32) -> (i32, i32) {
    %c0_i32 = arith.constant 0 : i32
    %c0_i32_0 = arith.constant 0 : i32
    return %arg0, %c0_i32 : i32, i32
  }
  func.func @transform_1(%arg0: i32) -> (i32, i32) {
    %c0_i32 = arith.constant 0 : i32
    %c0_i32_0 = arith.constant 0 : i32
    return %arg0, %c0_i32 : i32, i32
  }
  func.func @transform_2(%arg0: i32) -> (i32, i32) {
    %c0_i32 = arith.constant 0 : i32
    %c0_i32_0 = arith.constant 0 : i32
    return %arg0, %c0_i32 : i32, i32
  }
  func.func @transform_3(%arg0: i32) -> (i32, i32) {
    %c0_i32 = arith.constant 0 : i32
    %c0_i32_0 = arith.constant 0 : i32
    return %arg0, %c0_i32 : i32, i32
  }
  func.func @transform_4(%arg0: i32) -> (i32, i32) {
    %c0_i32 = arith.constant 0 : i32
    %c0_i32_0 = arith.constant 0 : i32
    return %arg0, %c0_i32 : i32, i32
  }
  func.func @transform_5(%arg0: i32) -> (i32, i32) {
    %c0_i32 = arith.constant 0 : i32
    %c0_i32_0 = arith.constant 0 : i32
    %c0_i32_1 = arith.constant 0 : i32
    return %c0_i32, %c0_i32_0 : i32, i32
  }
  func.func @transform_6(%arg0: i32) -> (i32, i32) {
    %c0_i32 = arith.constant 0 : i32
    %c0_i32_0 = arith.constant 0 : i32
    %c0_i32_1 = arith.constant 0 : i32
    return %c0_i32, %c0_i32_0 : i32, i32
  }
  func.func @transform_7(%arg0: i32) -> (i32, i32) {
    %c0_i32 = arith.constant 0 : i32
    %c0_i32_0 = arith.constant 0 : i32
    %c0_i32_1 = arith.constant 0 : i32
    return %c0_i32, %c0_i32_0 : i32, i32
  }
  func.func @transform_8(%arg0: i32) -> (i32, i32) {
    %c0_i32 = arith.constant 0 : i32
    %c0_i32_0 = arith.constant 0 : i32
    %c0_i32_1 = arith.constant 0 : i32
    return %c0_i32, %c0_i32_0 : i32, i32
  }
  func.func @transform_9(%arg0: i32) -> (i32, i32) {
    %c0_i32 = arith.constant 0 : i32
    %c0_i32_0 = arith.constant 0 : i32
    %c0_i32_1 = arith.constant 0 : i32
    return %c0_i32, %c0_i32_0 : i32, i32
  }
  func.func @transform_10(%arg0: i32) -> (i32, i32) {
    %c0_i32 = arith.constant 0 : i32
    %c0_i32_0 = arith.constant 0 : i32
    %c0_i32_1 = arith.constant 0 : i32
    return %c0_i32, %c0_i32_0 : i32, i32
  }
  func.func @transform_11(%arg0: i32) -> (i32, i32) {
    %c0_i32 = arith.constant 0 : i32
    %c0_i32_0 = arith.constant 0 : i32
    return %arg0, %c0_i32 : i32, i32
  }
}

</mosaic_0001>

<sc_bundles>
// kernel: kernel.4.cloned.1.call-start
scs
__scs_entry_jumppad:
0x0: {  	(pc) =	sbr.rel $0x88, $3  }
0x1: {  	(tag) =	ssettag $0x0;
	lr =	simm.s32 $0x1  }
0x2: {  	[smem:$0x3F97] =	sst lr;
	_ =	strace $0xD0000000  }
0x3: {  	_ = 	snop  }
0x4: {  	_ = 	snop  }
0x5: {  	_ = 	snop  }
0x6: {  	_ = 	snop  }
0x7: {  	_ = 	snop  }
__scs_overlays_trampoline_lowered:
0x8: {  	[smem:$0x3FA6] =	sst s0  }
0x9: {  	[smem:$0x3FA7] =	sst s1  }
0xa: {  	[smem:$0x3FA8] =	sst s2  }
0xb: {  	[smem:$0x3FA9] =	sst s3  }
0xc: {  	[smem:$0x3FAA] =	sst s4  }
0xd: {  	[smem:$0x3FAB] =	sst s5  }
0xe: {  	[smem:$0x3FAC] =	sst s6  }
0xf: {  	[smem:$0x3FAD] =	sst s7  }
0x10: {  	[smem:$0x3FAE] =	sst s8  }
0x11: {  	[smem:$0x3FAF] =	sst s9;
	s0 =	simm.s32 @!p0 $0x0  }
0x12: {  	s1 =	sld [smem:$0x3F95];
	s0 =	simm.s32 @p0 $0x1  }
0x13: {  	[smem:$0x3FB0] =	sst s0;
	s0 =	simm.s32 @!p1 $0x0  }
0x14: {  	s2 =	sld [smem:$0x3F94];
	s0 =	simm.s32 @p1 $0x1  }
0x15: {  	[smem:$0x3FB1] =	sst s0;
	s0 =	simm.s32 @!p2 $0x0  }
0x16: {  	s3 =	sld [smem:$0x3FDB];
	s0 =	simm.s32 @p2 $0x1  }
0x17: {  	s4 =	simm.s32 $0x1BF5;
	[smem:$0x3FB3] =	sst s0  }
0x18: {  	s0 =	sld [smem:$0x3F96];
	_ =	swait.ge [sflag:s4], $0x0  }
0x19: {  	s7 =	sld [smem:$0x3F97]  }
0x1a: {  	s8 =	sadd.s32 $0xFFFFE003, lr  }
0x1b: {  	s9 =	sadd.s32 $0xFFFFFEF7, lr;
	s5 =	simm.s32 $0xFFFFFFFF;
	p2 =	slt.u32 s8, $0xFFFFF086  }
0x1c: {  	p1 =	slt.u32 s9, $0xF7A;
	s5 =	simm.s32 @!p2 $0x0  }
0x1d: {  	s5 =	simm.s32 @p1 $0x1;
	p0 =	seq.s32 s7, s2  }
0x1e: {  	s7 =	smul.u32 @!p0 $0xF7A, s2;
	p2 =	seq.s32 @!p0 s5, $0x0  }
0x1f: {  	s9 =	smul.u32 $0xF7A, s1;
	s8 =	simm.s32 @!p0 $0x1BF5;
	p2 =	por !p2, p0  }
0x20: {  	[sflag:s8] =	ssyncset.s32 @!p0 $0xFFFFF086;
	s6 =	sadd.s32 @!p0 s3, s7;
	s7 =	simm.s32 @!p0 $0x108  }
0x21: {  	s3 =	sadd.s32 s3, s9;
	s6 =	sadd.s32 @!p0 $0x88, s6;
	s7 =	simm.s32 @p2 $0x1082  }
0x22: {  	[simem:s7], [sflag:s8] =	dma.local @!p0 [hbm:s6], $0xF7A  }
0x23: {  	s9 =	sor.u32 $0xD0000000, s2;
	s6 =	simm.s32 $0x108;
	_ =	swait.ge @!p0 [sflag:s8], $0x0  }
0x24: {  	s3 =	sadd.s32 $0x88, s3;
	s6 =	simm.s32 @!p1 $0x1082;
	[sflag:s4] =	ssyncset.s32 $0xFFFFF086  }
0x25: {  	[simem:s6], [sflag:s4] =	dma.local [hbm:s3], $0xF7A  }
0x26: {  	[smem:$0x3F97] =	sst s1;
	(tag) =	ssettag s2;
	_ =	strace s9  }
0x27: {  	s1 =	sld [smem:$0x3FA7]  }
0x28: {  	s2 =	sld [smem:$0x3FA8]  }
0x29: {  	s4 =	sld [smem:$0x3FAA]  }
0x2a: {  	p0 =	seq.s32 s5, $0x0;
	s5 =	sld [smem:$0x3FAB]  }
0x2b: {  	s6 =	sld [smem:$0x3FAC]  }
0x2c: {  	s7 =	sld [smem:$0x3FAD]  }
0x2d: {  	s3 =	simm.s32 $0x108;
	s8 =	sld [smem:$0x3FAE]  }
0x2e: {  	s3 =	simm.s32 @!p0 $0x1082;
	s9 =	sld [smem:$0x3FAF]  }
0x2f: {  	lr =	sadd.s32 s0, s3;
	s0 =	sld [smem:$0x3FA6]  }
0x30: {  	s3 =	sld [smem:$0x3FA9]  }
0x31: {  	[smem:$0x3FB2] =	sst s10  }
0x32: {  	s10 =	sld [smem:$0x3FB0];
	_ =	sdelay $0x3  }
0x33: {  	p0 =	seq.s32 s10, $0x1;
	s10 =	sld [smem:$0x3FB2];
	_ =	sdelay $0x3  }
0x34: {  	[smem:$0x3FB2] =	sst s10  }
0x35: {  	s10 =	sld [smem:$0x3FB1];
	_ =	sdelay $0x3  }
0x36: {  	p1 =	seq.s32 s10, $0x1;
	s10 =	sld [smem:$0x3FB2];
	_ =	sdelay $0x3  }
0x37: {  	[smem:$0x3FB2] =	sst s10  }
0x38: {  	s10 =	sld [smem:$0x3FB3]  }
0x39: {  	_ = 	snop;
	(pc) =	sbr.ind lr, $3  }
0x3a: {  	_ = 	snop  }
0x3b: {  	_ = 	snop  }
0x3c: {  	p2 =	seq.s32 s10, $0x1;
	s10 =	sld [smem:$0x3FB2]  }
0x3d: {  	_ =	shalt  }
0x3e: {  	_ =	shalt  }
0x3f: {  	_ =	shalt  }
0x40: {  	_ =	shalt  }
0x41: {  	_ =	shalt  }
0x42: {  	_ =	shalt  }
0x43: {  	_ =	shalt  }
0x44: {  	_ =	shalt  }
0x45: {  	_ =	shalt  }
0x46: {  	_ =	shalt  }
0x47: {  	_ =	shalt  }
0x48: {  	_ =	shalt  }
0x49: {  	_ =	shalt  }
0x4a: {  	_ =	shalt  }
0x4b: {  	_ =	shalt  }
0x4c: {  	_ =	shalt  }
0x4d: {  	_ =	shalt  }
0x4e: {  	_ =	shalt  }
0x4f: {  	_ =	shalt  }
0x50: {  	_ =	shalt  }
0x51: {  	_ =	shalt  }
0x52: {  	_ =	shalt  }
0x53: {  	_ =	shalt  }
0x54: {  	_ =	shalt  }
0x55: {  	_ =	shalt  }
0x56: {  	_ =	shalt  }
0x57: {  	_ =	shalt  }
0x58: {  	_ =	shalt  }
0x59: {  	_ =	shalt  }
0x5a: {  	_ =	shalt  }
0x5b: {  	_ =	shalt  }
0x5c: {  	_ =	shalt  }
0x5d: {  	_ =	shalt  }
0x5e: {  	_ =	shalt  }
0x5f: {  	_ =	shalt  }
0x60: {  	_ =	shalt  }
0x61: {  	_ =	shalt  }
0x62: {  	_ =	shalt  }
0x63: {  	_ =	shalt  }
0x64: {  	_ =	shalt  }
0x65: {  	_ =	shalt  }
0x66: {  	_ =	shalt  }
0x67: {  	_ =	shalt  }
0x68: {  	_ =	shalt  }
0x69: {  	_ =	shalt  }
0x6a: {  	_ =	shalt  }
0x6b: {  	_ =	shalt  }
0x6c: {  	_ =	shalt  }
0x6d: {  	_ =	shalt  }
0x6e: {  	_ =	shalt  }
0x6f: {  	_ =	shalt  }
0x70: {  	_ =	shalt  }
0x71: {  	_ =	shalt  }
0x72: {  	_ =	shalt  }
0x73: {  	_ =	shalt  }
0x74: {  	_ =	shalt  }
0x75: {  	_ =	shalt  }
0x76: {  	_ =	shalt  }
0x77: {  	_ =	shalt  }
0x78: {  	_ =	shalt  }
0x79: {  	_ =	shalt  }
0x7a: {  	_ =	shalt  }
0x7b: {  	_ =	shalt  }
0x7c: {  	_ =	shalt  }
0x7d: {  	_ =	shalt  }
0x7e: {  	_ =	shalt  }
0x7f: {  	_ =	shalt  }
0x80: {  	_ =	shalt  }
0x81: {  	_ =	shalt  }
0x82: {  	_ =	shalt  }
0x83: {  	_ =	shalt  }
0x84: {  	_ =	shalt  }
0x85: {  	_ =	shalt  }
0x86: {  	_ =	shalt  }
0x87: {  	_ =	shalt  }
.Lfunc_end0:
.L_simem_size_0:
called_computation_lowered:
.L_overlay_start_0:
0x88: {  	s2 =	sld [smem:$0x3FD9]  }
0x89: {  	s3 =	sld [smem:$0x3FFE];
	_ =	sdelay $0x1  }
0x8a: {  	s1 =	srdreg.scid  }
0x8b: {  	s0 =	sand.u32 $0x1, s1  }
0x8c: {  	s14 =	sshll.u32 s0, $0xA;
	s2 =	sadd.s32 s3, s2  }
0x8d: {  	s2 =	sadd.s32 s2, s14  }
0x8e: {  	[smem:$0x3FBE] =	sst s2  }
0x8f: {  	_ = 	snop  }
0x90: {  	s2 =	sld [smem:$0x3FD0]  }
0x91: {  	s15 =	sld [smem:$0x3FC9]  }
0x92: {  	s4 =	sld [smem:$0x3FC7]  }
0x93: {  	s6 =	simm.s32 $0xA;
	s7 =	simm.s32 $0x10;
	s5 =	sld [smem:$0x3FC6]  }
0x94: {  	[smem:s7], [sflag:s6] =	dma.local [hbm:s2], $0x1  }
0x95: {  	_ =	swait.eq [sflag:s6], $0x1  }
0x96: {  	[sflag:s6] =	ssyncset.done $0x0  }
0x97: {  	s16 =	sld [smem:$0x10];
	[sflag:s6] =	ssyncadd.s32 $0xFFFFFFFF  }
0x98: {  	s17 =	sld [smem:$0x11];
	(tm) =	ssettm $0x1  }
0x99: {  	s18 =	sld [smem:$0x3FFB];
	_ =	sdelay $0x3  }
0x9a: {  	_ =	strace s18  }
0x9b: {  	s7 =	sld [smem:$0x3FFC];
	_ =	sdelay $0x3  }
0x9c: {  	_ =	strace s7  }
0x9d: {  	s7 =	sld [smem:$0x3FFD];
	_ =	sdelay $0x3  }
0x9e: {  	_ =	strace s7  }
0x9f: {  	_ =	strace $0x8FFFFFFF  }
0xa0: {  	s19 =	sld [smem:$0x3FDB];
	_ =	sdelay $0x1  }
0xa1: {  	s8 =	simm.s32 $_scs_section_size  }
0xa2: {  	s9 =	simm.s32 $_size__tile_overlayer_lowered;
	s10 =	simm.s32 $_tile_overlayer_lowered  }
0xa3: {  	s22 =	simm.s32 $0x1BFF;
	s21 =	sshll.u32 s10, $0x1;
	s7 =	sadd.s32 s8, s19  }
0xa4: {  	s11 =	simm.s32 $0x0;
	s20 =	sshll.u32 s9, $0x1;
	s9 =	sadd.s32 s21, s7  }
0xa5: {  	[timem:s11], [sflag:s22] =	dma.local [hbm:s9], s20  }
0xa6: {  	_ =	swait.ge [sflag:s22], s20  }
0xa7: {  	s8 =	ssub.s32 $0x0, s20;
	[sflag:s22] =	ssyncset.done $0x0  }
0xa8: {  	[sflag:s22] =	ssyncadd.s32 s8;
	_ =	sdelay $0x1  }
0xa9: {  	s23 =	simm.s32 $0x1B8B  }
0xaa: {  	_ =	swait.ge [sflag:s23], $0x1  }
0xab: {  	[sflag:s23] =	ssyncset.done $0x0  }
0xac: {  	s25 =	simm.s32 $0x1B8E;
	s24 =	sld [smem:$0x3FFE];
	[sflag:s23] =	ssyncadd.s32 $0xFFFFFFFF  }
0xad: {  	s26 =	simm.s32 $execute0_lowered;
	[smem:$0x3FD2] =	sst s25  }
0xae: {  	s9 =	sshll.u32 s26, $0x1;
	_ =	strace $0x80000046;
	[dreg:$0x1] =	wrdreg $0xFFFFFFFF  }
0xaf: {  	s28 =	simm.s32 $_size_execute0_lowered;
	s7 =	sadd.s32 s7, s9;
	[dreg:$0x0] =	wrdreg $0x0  }
0xb0: {  	s9 =	sshll.u32 s28, $0x1;
	[dreg:$0x2] =	wrdreg s7  }
0xb1: {  	[dreg:$0x3] =	wrdreg s9  }
0xb2: {  	[dreg:$0x4] =	wrdreg $0xC0  }
0xb3: {  	_ =	task [dreg:s11], $0x5FFFF  }
0xb4: {  	[dreg:$0x1] =	wrdreg $0xFFFFFFFF  }
0xb5: {  	[dreg:$0x0] =	wrdreg $0x60  }
0xb6: {  	[dreg:$0x2] =	wrdreg s15  }
0xb7: {  	[dreg:$0x3] =	wrdreg s24  }
0xb8: {  	[dreg:$0x4] =	wrdreg s4  }
0xb9: {  	[dreg:$0x5] =	wrdreg s5  }
0xba: {  	[dreg:$0x6] =	wrdreg s16  }
0xbb: {  	[dreg:$0x7] =	wrdreg s17  }
0xbc: {  	[dreg:$0x8] =	wrdreg $0x9  }
0xbd: {  	_ =	task.clear_ibuf [dreg:s11], $0x9FFFF;
	_ =	strace $0x90000046  }
0xbe: {  	s29 =	simm.s32 $0x9;
	_ =	strace $0x80000048  }
0xbf: {  	_ =	swait.ge [sflag:s29], $0x1  }
0xc0: {  	[sflag:s29] =	ssyncadd.s32 $0xFFFFFFFF  }
0xc1: {  	_ =	strace $0x90000048  }
0xc2: {  	_ =	sfence  }
0xc3: {  	s30 =	sld [smem:$0x0];
	_ =	sdelay $0x2  }
0xc4: {  	s31 =	sshll.u32 s1, $0xD;
	s1 =	sshrl.u32 s1, $0x2  }
0xc5: {  	s3 =	sand.u32 $0x4000, s31;
	s1 =	sadd.s32 s1, s30  }
0xc6: {  	s0 =	sor.u32 s3, s0;
	s1 =	sshll.u32 s1, $0x11  }
0xc7: {  	s0 =	sor.u32 s1, s0  }
0xc8: {  	s0 =	sadd.s32 $0x8F2B, s0  }
0xc9: {  	[sflag:s0] =	ssyncadd.remote.s32 $0x1  }
0xca: {  	_ =	sfence.sel $0xFFFF  }
0xcb: {  	[dreg:$0x0] =	wrdreg $0xFFFFFFFF;
	(pc) =	sbr.abs _section_cstart, $3  }
0xcc: {  	[dreg:$0x1] =	wrdreg $0xFFFFFFFF  }
0xcd: {  	_ =	task.clear_ibuf [dreg:s11], $0x2FFFF;
	_ =	strace $0x9FFFFFFF  }
0xce: {  	(tm) =	ssettm $0x7FFFFFFF  }
0xcf: {  	_ =	shalt  }
tec
execute0_lowered:
.L_overlay_start_1:
0x0: {  	(tag) =	ssettag $0x1  }
0x1: {  	s5 =	rddreg [dreg:$0x0]  }
0x2: {  	s7 =	rddreg [dreg:$0x1]  }
0x3: {  	s1 =	rddreg [dreg:$0x2]  }
0x4: {  	s0 =	rddreg [dreg:$0x4]  }
0x5: {  	s8 =	rddreg [dreg:$0x5];
	s4 =	simm.s32 $0x0  }
0x6: {  	s3 =	srdreg.scid;
	s9 =	stileid.u32;
	s30 =	simm.s32 $0xD  }
0x7: {  	[smem:$0x7FF] =	sst s4;
	s3 =	sand.u32 $0x1, s3;
	s6 =	sadd.s32 $0x7400, s7  }
0x8: {  	s9 =	sshll.u32 s9, $0xA;
	s13 =	sadd.s32 $0x4200, s7;
	s10 =	sshll.u32 s3, $0x9  }
0x9: {  	_ =	strace $0x80000047;
	[dreg:$0x7] =	wrdreg s6;
	s9 =	sor.u32 s10, s9  }
0xa: {  	s14 =	sadd.s32 $0x1000, s7;
	[dreg:$0x8] =	wrdreg s13;
	s6 =	sshrl.u32 s9, $0x3  }
0xb: {  	[dreg:$0x9] =	wrdreg s14;
	s17 =	sshll.u32 s9, $0x5;
	s5 =	sadd.s32 s5, s6  }
0xc: {  	s9 =	sshll.u32 s9, $0x4;
	s8 =	sadd.s32 s8, s6;
	[dreg:$0xa] =	wrdreg s5  }
0xd: {  	s15 =	sadd.s32 s6, s7;
	s21 =	sadd.s32 s0, s9;
	[dreg:$0xc] =	wrdreg s8  }
0xe: {  	s20 =	sor.u32 $0x8, s6;
	s11 =	sadd.s32 $0xAE00, s15;
	[dreg:$0x10] =	wrdreg s21  }
0xf: {  	s5 =	sadd.s32 $0xB600, s7;
	s16 =	sadd.s32 $0xA600, s15;
	[dreg:$0xb] =	wrdreg s11  }
0x10: {  	s7 =	sadd.s32 $0x8B600, s7;
	[dreg:$0xd] =	wrdreg s16;
	s18 =	sadd.s32 s5, s17  }
0x11: {  	s22 =	sshll.u32 s20, $0x8;
	s19 =	sadd.s32 s7, s17;
	[dreg:$0xe] =	wrdreg s18  }
0x12: {  	s26 =	sor.u32 $0x10, s6;
	s23 =	sadd.s32 s5, s22;
	[dreg:$0xf] =	wrdreg s19  }
0x13: {  	s25 =	sshll.u32 s20, $0x7;
	s24 =	sadd.s32 s7, s22;
	[dreg:$0x11] =	wrdreg s23  }
0x14: {  	s29 =	sshll.u32 s26, $0x8;
	s28 =	sadd.s32 s0, s25;
	[dreg:$0x12] =	wrdreg s24  }
0x15: {  	s10 =	sshll.u32 s26, $0x7;
	s2 =	sadd.s32 s5, s29;
	[dreg:$0x13] =	wrdreg s28  }
0x16: {  	s9 =	sadd.s32 s7, s29;
	s11 =	sor.u32 $0x18, s6;
	[dreg:$0x14] =	wrdreg s2  }
0x17: {  	s12 =	sadd.s32 s0, s10;
	[dreg:$0x15] =	wrdreg s9;
	s13 =	sshll.u32 s11, $0x8  }
0x18: {  	s17 =	sor.u32 $0x20, s6;
	[dreg:$0x16] =	wrdreg s12;
	s14 =	sadd.s32 s5, s13  }
0x19: {  	s16 =	sshll.u32 s11, $0x7;
	s15 =	sadd.s32 s7, s13;
	[dreg:$0x17] =	wrdreg s14  }
0x1a: {  	s19 =	sshll.u32 s17, $0x8;
	s18 =	sadd.s32 s0, s16;
	[dreg:$0x18] =	wrdreg s15  }
0x1b: {  	s31 =	simm.s32 $0x8;
	s20 =	sadd.s32 s5, s19;
	[dreg:$0x19] =	wrdreg s18  }
0x1c: {  	s22 =	sshll.u32 s17, $0x7;
	s21 =	sadd.s32 s7, s19;
	[dreg:$0x1a] =	wrdreg s20  }
0x1d: {  	s23 =	sor.u32 $0x28, s6;
	s24 =	sadd.s32 s0, s22;
	[dreg:$0x1b] =	wrdreg s21  }
0x1e: {  	s25 =	sshll.u32 s23, $0x8;
	s22 =	simm.s32 $0x400;
	[dreg:$0x1c] =	wrdreg s24  }
0x1f: {  	s29 =	sshll.u32 s23, $0x7;
	s23 =	simm.s32 $0x80;
	[smem:$0x7F7] =	sst s22  }
0x20: {  	s3 =	ssub.s32 $0x2, s3;
	s26 =	sadd.s32 s5, s25;
	[smem:$0x7F8] =	sst s23  }
0x21: {  	s2 =	sor.u32 $0x30, s6;
	s28 =	sadd.s32 s7, s25;
	[dreg:$0x1d] =	wrdreg s26  }
0x22: {  	s12 =	sshll.u32 s2, $0x8;
	s11 =	sadd.s32 s0, s29;
	[dreg:$0x1e] =	wrdreg s28  }
0x23: {  	s6 =	sor.u32 $0x38, s6;
	s13 =	sadd.s32 s5, s12;
	[dreg:$0x1f] =	wrdreg s11  }
0x24: {  	s17 =	sshll.u32 s6, $0x8;
	s14 =	sadd.s32 s7, s12;
	[smem:$0x7EF] =	sst s13  }
0x25: {  	s8 =	simm.s32 $0xE;
	s5 =	sadd.s32 s5, s17;
	[smem:$0x7F0] =	sst s14  }
0x26: {  	s9 =	simm.s32 $0xF;
	s19 =	sadd.s32 s7, s17;
	[smem:$0x7F2] =	sst s5  }
0x27: {  	s6 =	sshll.u32 s6, $0x7;
	s20 =	simm.s32 $0x800;
	[smem:$0x7F3] =	sst s19  }
0x28: {  	s15 =	sshll.u32 s2, $0x7;
	s21 =	simm.s32 $0xA00;
	[smem:$0x7F5] =	sst s20  }
0x29: {  	s18 =	sshrl.u32 s3, $0x1;
	s24 =	simm.s32 $0xC0;
	[smem:$0x7F6] =	sst s21  }
0x2a: {  	s25 =	simm.s32 $0x100;
	s29 =	simm.s32 $0x1C0;
	[smem:$0x7F9] =	sst s24  }
0x2b: {  	s22 =	simm.s32 $0x6;
	s23 =	simm.s32 $0x7;
	[smem:$0x7FA] =	sst s25  }
0x2c: {  	s16 =	sadd.s32 s0, s15;
	s3 =	ssub.s32 s3, s18;
	[smem:$0x7FD] =	sst s29  }
0x2d: {  	s0 =	sadd.s32 s0, s6;
	s26 =	simm.s32 $0x140;
	[smem:$0x7F1] =	sst s16  }
0x2e: {  	v2 =	vlaneseq.u32;
	s28 =	simm.s32 $0x180;
	s21 =	simm.s32 $0x5;
	[smem:$0x7F4] =	sst s0  }
0x2f: {  	vm0 =	vmmov $0xffff;
	v1 =	vshrl.u32 v2, $0x3;
	s24 =	simm.s32 $0xB;
	s25 =	simm.s32 $0xC;
	[smem:$0x7FB] =	sst s26  }
0x30: {  	v0 =	vand.u32 $0x7, v2;
	v2 =	vor.u32 $0x8, v2;
	v1 =	vmul.u32 $0x8, v1;
	s6 =	simm.s32 $0x9;
	s3 =	smax.u32 s3, $0x1;
	[smem:$0x7FC] =	sst s28  }
.LBB2_1:
0x31: {  	[smem:$0x7EE] =	sst s3  }
0x32: {  	s11 =	rddreg [dreg:$0xa];
	s13 =	simm.s32 $0x11  }
0x33: {  	[tilespmem:s4], [sflag:$0x11] =	stream.linear.gather [hbm4b:s11+s4], $0x200, $0x38;
	[tilespmem:$0x14C00] =	vst v63  }
0x34: {  	_ =	swait.ge [sflag:s13], $0x200  }
0x35: {  	s12 =	sld [smem:$0x7F5]  }
0x36: {  	[sflag:s13] =	ssyncset.done $0x0  }
0x37: {  	s14 =	simm.s32 $0x200;
	s0 =	rddreg [dreg:$0x9];
	[sflag:s13] =	ssyncadd.s32 $0xFFFFFE00  }
0x38: {  	[tilespmem:s12], [sflag:$0x3] =	stream.indirect.gather [hbm4b:s0+s14], $0x1, s4, s14, $0xb8;
	[tilespmem:$0x14C00] =	vst v63  }
0x39: {  	s2 =	rddreg [dreg:$0x7]  }
0x3a: {  	[tilespmem:s14], [sflag:$0x1] =	stream.indirect.gather [hbm4b:s2+s14], $0x1, s4, s14, $0xb8;
	[tilespmem:$0x14C00] =	vst v63  }
0x3b: {  	s10 =	simm.s32 $0x600;
	s5 =	simm.s32 $0x3;
	s3 =	rddreg [dreg:$0x8]  }
0x3c: {  	[tilespmem:s10], [sflag:$0x2] =	stream.indirect.gather [hbm4b:s3+s14], $0x1, s4, s14, $0xb8;
	[tilespmem:$0x14C00] =	vst v63  }
0x3d: {  	_ =	swait.ge [sflag:s5], $0x200  }
0x3e: {  	[sflag:s5] =	ssyncset.done $0x0  }
0x3f: {  	[sflag:s5] =	ssyncadd.s32 $0xFFFFFE00  }
0x40: {  	v3 =	vld [tilespmem:$0x800]  }
0x41: {  	v4 =	vld [tilespmem:$0x810]  }
0x42: {  	v5 =	vld [tilespmem:$0x820]  }
0x43: {  	v6 =	vld [tilespmem:$0x830]  }
0x44: {  	v7 =	vld [tilespmem:$0x840]  }
0x45: {  	v8 =	vld [tilespmem:$0x850]  }
0x46: {  	v9 =	vld [tilespmem:$0x860]  }
0x47: {  	v10 =	vld [tilespmem:$0x870];
	v3 =	vtrunc.f32 v3  }
0x48: {  	v11 =	vld [tilespmem:$0x880];
	v4 =	vtrunc.f32 v4;
	v5 =	vtrunc.f32 v5  }
0x49: {  	v36 =	vld [tilespmem:$0x8C0];
	v6 =	vtrunc.f32 v6;
	v3 =	vcvt.f32.s32 v3  }
0x4a: {  	v17 =	vld [tilespmem:$0x9C0];
	v7 =	vtrunc.f32 v7;
	v4 =	vcvt.f32.s32 v4  }
0x4b: {  	v31 =	vld [tilespmem:$0x8A0];
	v32 =	vtrunc.f32 v8;
	v5 =	vcvt.f32.s32 v5;
	[tilespmem:$0xA00] =	vst v3  }
0x4c: {  	v47 =	vld [tilespmem:$0x920];
	v33 =	vtrunc.f32 v9;
	v30 =	vcvt.f32.s32 v7;
	[tilespmem:$0xA10] =	vst v4  }
0x4d: {  	v12 =	vld [tilespmem:$0x890];
	v37 =	vtrunc.f32 v11;
	v35 =	vcvt.f32.s32 v33;
	[tilespmem:$0xA20] =	vst v5  }
0x4e: {  	v38 =	vld [tilespmem:$0x8D0];
	v8 =	vtrunc.f32 v36;
	v39 =	vcvt.f32.s32 v37;
	[tilespmem:$0xA40] =	vst v30  }
0x4f: {  	v44 =	vld [tilespmem:$0x900];
	v9 =	vtrunc.f32 v17;
	v46 =	vcvt.f32.s32 v8;
	[tilespmem:$0xA60] =	vst v35  }
0x50: {  	v34 =	vld [tilespmem:$0x8B0];
	v7 =	vtrunc.f32 v31;
	v28 =	vcvt.f32.s32 v9;
	[tilespmem:$0xA80] =	vst v39  }
0x51: {  	v58 =	vld [tilespmem:$0x980];
	v8 =	vtrunc.f32 v47;
	v43 =	vcvt.f32.s32 v7;
	[tilespmem:$0xAC0] =	vst v46  }
0x52: {  	v45 =	vld [tilespmem:$0x910];
	v41 =	vtrunc.f32 v12;
	v57 =	vcvt.f32.s32 v8;
	[tilespmem:$0xBC0] =	vst v28  }
0x53: {  	v40 =	vld [tilespmem:$0x8E0];
	v48 =	vtrunc.f32 v38;
	v3 =	vcvt.f32.s32 v6;
	[tilespmem:$0xAA0] =	vst v43  }
0x54: {  	v24 =	vld [tilespmem:$0x9F0];
	v7 =	vtrunc.f32 v44;
	v4 =	vcvt.f32.s32 v32;
	[tilespmem:$0xB20] =	vst v57  }
0x55: {  	v52 =	vld [tilespmem:$0x950];
	v53 =	vcvt.f32.s32 v7;
	[tilespmem:$0xA30] =	vst v3;
	v3 =	vtrunc.f32 v10  }
0x56: {  	v42 =	vld [tilespmem:$0x8F0];
	v8 =	vtrunc.f32 v58;
	[tilespmem:$0xA50] =	vst v4;
	v3 =	vcvt.f32.s32 v3  }
0x57: {  	v54 =	vld [tilespmem:$0x960];
	v55 =	vtrunc.f32 v45;
	v18 =	vcvt.f32.s32 v8;
	[tilespmem:$0xB00] =	vst v53  }
0x58: {  	v59 =	vld [tilespmem:$0x990];
	v4 =	vcvt.f32.s32 v41;
	[tilespmem:$0xA70] =	vst v3;
	v3 =	vtrunc.f32 v34  }
0x59: {  	v49 =	vld [tilespmem:$0x930];
	v29 =	vtrunc.f32 v24;
	[tilespmem:$0xB80] =	vst v18;
	v3 =	vcvt.f32.s32 v3  }
0x5a: {  	v63 =	vld [tilespmem:$0x0];
	v62 =	vtrunc.f32 v52;
	v30 =	vcvt.f32.s32 v29;
	[tilespmem:$0xA90] =	vst v4  }
0x5b: {  	v19 =	vld [tilespmem:$0x9D0];
	v4 =	vcvt.f32.s32 v48;
	[tilespmem:$0xAB0] =	vst v3;
	v3 =	vtrunc.f32 v42  }
0x5c: {  	v56 =	vld [tilespmem:$0x970];
	v7 =	vtrunc.f32 v54;
	[tilespmem:$0xBF0] =	vst v30;
	v3 =	vcvt.f32.s32 v3  }
0x5d: {  	v51 =	vld [tilespmem:$0x940];
	v20 =	vtrunc.f32 v59;
	v15 =	vcvt.f32.s32 v7;
	[tilespmem:$0xAD0] =	vst v4  }
0x5e: {  	v4 =	vcvt.f32.s32 v55;
	[tilespmem:$0xAF0] =	vst v3;
	v3 =	vtrunc.f32 v49  }
0x5f: {  	v16 =	vld [tilespmem:$0x9B0];
	v23 =	vshll.u32 v63, $0x1;
	v10 =	vtrunc.f32 v40;
	[tilespmem:$0xB60] =	vst v15;
	v3 =	vcvt.f32.s32 v3  }
0x60: {  	v61 =	vld [tilespmem:$0x9A0];
	v12 =	vand.u32 $0x7, v63;
	v26 =	vtrunc.f32 v19;
	v50 =	vcvt.f32.s32 v10;
	[tilespmem:$0xB10] =	vst v4  }
0x61: {  	v11 =	vand.u32 $0xFFFFFFF0, v23;
	v4 =	vcvt.f32.s32 v62;
	[tilespmem:$0xB30] =	vst v3;
	v3 =	vtrunc.f32 v56  }
0x62: {  	v22 =	vld [tilespmem:$0x9E0];
	v25 =	vor.u32 v12, v11;
	v10 =	vtrunc.f32 v51;
	[tilespmem:$0xAE0] =	vst v50;
	v3 =	vcvt.f32.s32 v3  }
0x63: {  	v27 =	vperm.xlane v25, v0;
	v60 =	vcvt.f32.s32 v10;
	[tilespmem:$0xB50] =	vst v4  }
0x64: {  	v4 =	vcvt.f32.s32 v20;
	[tilespmem:$0xB70] =	vst v3;
	v3 =	vtrunc.f32 v16  }
0x65: {  	v10 =	vtrunc.f32 v61;
	[tilespmem:$0xB40] =	vst v60;
	v3 =	vcvt.f32.s32 v3  }
0x66: {  	v6 =	vperm.xlane v25, v2;
	v8 =	vadd.s32 v1, v27;
	v21 =	vcvt.f32.s32 v10;
	[tilespmem:$0xB90] =	vst v4  }
0x67: {  	v4 =	vcvt.f32.s32 v26;
	[tilespmem:$0xBB0] =	vst v3;
	v3 =	vtrunc.f32 v22  }
0x68: {  	v31 =	vadd.s32 v1, v6;
	[tilespmem:$0xBA0] =	vst v21;
	v3 =	vcvt.f32.s32 v3  }
0x69: {  	[tilespmem:$0xBD0] =	vst v4  }
0x6a: {  	s2 =	simm.s32 $0xC00;
	[tilespmem:$0xBE0] =	vst v3  }
0x6b: {  	[tilespmem:s2], [sflag:$0x5] =	stream.indirect_vreg.gather [hbm4b:s1+s4], $0x80, v8, vm0, $0xb8;
	[tilespmem:$0x14C00] =	vst v63  }
0x6c: {  	s7 =	simm.s32 $0x1400  }
0x6d: {  	[tilespmem:s7], [sflag:$0x5] =	stream.indirect_vreg.gather [hbm4b:s1+s4], $0x80, v31, vm0, $0xb8;
	[tilespmem:$0x14C00] =	vst v63  }
0x6e: {  	v3 =	vld [tilespmem:$0x10];
	_ =	sdelay $0x4  }
0x6f: {  	v32 =	vshll.u32 v3, $0x1  }
0x70: {  	v3 =	vand.u32 $0x7, v3;
	v4 =	vand.u32 $0xFFFFFFF0, v32  }
0x71: {  	v3 =	vor.u32 v3, v4  }
0x72: {  	v4 =	vperm.xlane v3, v0;
	_ =	sdelay $0x1  }
0x73: {  	v3 =	vperm.xlane v3, v2;
	v4 =	vadd.s32 v1, v4;
	_ =	sdelay $0x1  }
0x74: {  	v3 =	vadd.s32 v1, v3;
	_ =	sdelay $0x1  }
0x75: {  	s11 =	simm.s32 $0x1C00  }
0x76: {  	[tilespmem:s11], [sflag:$0x5] =	stream.indirect_vreg.gather [hbm4b:s1+s4], $0x80, v4, vm0, $0xb8;
	[tilespmem:$0x14C00] =	vst v63  }
0x77: {  	s12 =	simm.s32 $0x2400  }
0x78: {  	[tilespmem:s12], [sflag:$0x5] =	stream.indirect_vreg.gather [hbm4b:s1+s4], $0x80, v3, vm0, $0xb8;
	[tilespmem:$0x14C00] =	vst v63  }
0x79: {  	v3 =	vld [tilespmem:$0x20];
	_ =	sdelay $0x4  }
0x7a: {  	v33 =	vshll.u32 v3, $0x1  }
0x7b: {  	v3 =	vand.u32 $0x7, v3;
	v4 =	vand.u32 $0xFFFFFFF0, v33  }
0x7c: {  	v3 =	vor.u32 v3, v4  }
0x7d: {  	v4 =	vperm.xlane v3, v0;
	_ =	sdelay $0x1  }
0x7e: {  	v3 =	vperm.xlane v3, v2;
	v4 =	vadd.s32 v1, v4;
	_ =	sdelay $0x1  }
0x7f: {  	v3 =	vadd.s32 v1, v3;
	_ =	sdelay $0x1  }
0x80: {  	s13 =	simm.s32 $0x2C00  }
0x81: {  	[tilespmem:s13], [sflag:$0x5] =	stream.indirect_vreg.gather [hbm4b:s1+s4], $0x80, v4, vm0, $0xb8;
	[tilespmem:$0x14C00] =	vst v63  }
0x82: {  	s14 =	simm.s32 $0x3400  }
0x83: {  	[tilespmem:s14], [sflag:$0x5] =	stream.indirect_vreg.gather [hbm4b:s1+s4], $0x80, v3, vm0, $0xb8;
	[tilespmem:$0x14C00] =	vst v63  }
0x84: {  	v3 =	vld [tilespmem:$0x30];
	_ =	sdelay $0x4  }
0x85: {  	v34 =	vshll.u32 v3, $0x1  }
0x86: {  	v3 =	vand.u32 $0x7, v3;
	v4 =	vand.u32 $0xFFFFFFF0, v34  }
0x87: {  	v3 =	vor.u32 v3, v4  }
0x88: {  	v4 =	vperm.xlane v3, v0;
	_ =	sdelay $0x1  }
0x89: {  	v3 =	vperm.xlane v3, v2;
	v4 =	vadd.s32 v1, v4;
	_ =	sdelay $0x1  }
0x8a: {  	v3 =	vadd.s32 v1, v3;
	_ =	sdelay $0x1  }
0x8b: {  	s15 =	simm.s32 $0x3C00  }
0x8c: {  	[tilespmem:s15], [sflag:$0x5] =	stream.indirect_vreg.gather [hbm4b:s1+s4], $0x80, v4, vm0, $0xb8;
	[tilespmem:$0x14C00] =	vst v63  }
0x8d: {  	s16 =	simm.s32 $0x4400  }
0x8e: {  	[tilespmem:s16], [sflag:$0x5] =	stream.indirect_vreg.gather [hbm4b:s1+s4], $0x80, v3, vm0, $0xb8;
	[tilespmem:$0x14C00] =	vst v63  }
0x8f: {  	v3 =	vld [tilespmem:$0xA00];
	_ =	sdelay $0x4  }
0x90: {  	v35 =	vshll.u32 v3, $0x1  }
0x91: {  	v3 =	vand.u32 $0x7, v3;
	v4 =	vand.u32 $0xFFFFFFF0, v35  }
0x92: {  	v3 =	vor.u32 v3, v4  }
0x93: {  	v4 =	vperm.xlane v3, v0;
	_ =	sdelay $0x1  }
0x94: {  	v3 =	vperm.xlane v3, v2;
	v4 =	vadd.s32 v1, v4;
	_ =	sdelay $0x1  }
0x95: {  	v3 =	vadd.s32 v1, v3;
	_ =	sdelay $0x1  }
0x96: {  	s17 =	simm.s32 $0x8C00  }
0x97: {  	[tilespmem:s17], [sflag:$0x6] =	stream.indirect_vreg.gather [hbm4b:s1+s4], $0x80, v4, vm0, $0xb8;
	[tilespmem:$0x14C00] =	vst v63  }
0x98: {  	s18 =	simm.s32 $0x9400  }
0x99: {  	[tilespmem:s18], [sflag:$0x6] =	stream.indirect_vreg.gather [hbm4b:s1+s4], $0x80, v3, vm0, $0xb8;
	[tilespmem:$0x14C00] =	vst v63  }
0x9a: {  	v3 =	vld [tilespmem:$0xA10];
	_ =	sdelay $0x4  }
0x9b: {  	v36 =	vshll.u32 v3, $0x1  }
0x9c: {  	v3 =	vand.u32 $0x7, v3;
	v4 =	vand.u32 $0xFFFFFFF0, v36  }
0x9d: {  	v3 =	vor.u32 v3, v4  }
0x9e: {  	v4 =	vperm.xlane v3, v0;
	_ =	sdelay $0x1  }
0x9f: {  	v3 =	vperm.xlane v3, v2;
	v4 =	vadd.s32 v1, v4;
	_ =	sdelay $0x1  }
0xa0: {  	v3 =	vadd.s32 v1, v3;
	_ =	sdelay $0x1  }
0xa1: {  	s19 =	simm.s32 $0x9C00  }
0xa2: {  	[tilespmem:s19], [sflag:$0x6] =	stream.indirect_vreg.gather [hbm4b:s1+s4], $0x80, v4, vm0, $0xb8;
	[tilespmem:$0x14C00] =	vst v63  }
0xa3: {  	s20 =	simm.s32 $0xA400  }
0xa4: {  	[tilespmem:s20], [sflag:$0x6] =	stream.indirect_vreg.gather [hbm4b:s1+s4], $0x80, v3, vm0, $0xb8;
	[tilespmem:$0x14C00] =	vst v63  }
0xa5: {  	v3 =	vld [tilespmem:$0xA20];
	_ =	sdelay $0x4  }
0xa6: {  	v37 =	vshll.u32 v3, $0x1  }
0xa7: {  	v3 =	vand.u32 $0x7, v3;
	v4 =	vand.u32 $0xFFFFFFF0, v37  }
0xa8: {  	v3 =	vor.u32 v3, v4  }
0xa9: {  	v4 =	vperm.xlane v3, v0;
	_ =	sdelay $0x1  }
0xaa: {  	v3 =	vperm.xlane v3, v2;
	v4 =	vadd.s32 v1, v4;
	_ =	sdelay $0x1  }
0xab: {  	v3 =	vadd.s32 v1, v3;
	_ =	sdelay $0x1  }
0xac: {  	s26 =	simm.s32 $0xAC00  }
0xad: {  	[tilespmem:s26], [sflag:$0x6] =	stream.indirect_vreg.gather [hbm4b:s1+s4], $0x80, v4, vm0, $0xb8;
	[tilespmem:$0x14C00] =	vst v63  }
0xae: {  	s28 =	simm.s32 $0xB400  }
0xaf: {  	[tilespmem:s28], [sflag:$0x6] =	stream.indirect_vreg.gather [hbm4b:s1+s4], $0x80, v3, vm0, $0xb8;
	[tilespmem:$0x14C00] =	vst v63  }
0xb0: {  	v3 =	vld [tilespmem:$0xA30];
	_ =	sdelay $0x4  }
0xb1: {  	v38 =	vshll.u32 v3, $0x1  }
0xb2: {  	v3 =	vand.u32 $0x7, v3;
	v4 =	vand.u32 $0xFFFFFFF0, v38  }
0xb3: {  	v3 =	vor.u32 v3, v4  }
0xb4: {  	v4 =	vperm.xlane v3, v0;
	_ =	sdelay $0x1  }
0xb5: {  	v3 =	vperm.xlane v3, v2;
	v4 =	vadd.s32 v1, v4;
	_ =	sdelay $0x1  }
0xb6: {  	v3 =	vadd.s32 v1, v3;
	_ =	sdelay $0x1  }
0xb7: {  	s29 =	simm.s32 $0xBC00  }
0xb8: {  	[tilespmem:s29], [sflag:$0x6] =	stream.indirect_vreg.gather [hbm4b:s1+s4], $0x80, v4, vm0, $0xb8;
	[tilespmem:$0x14C00] =	vst v63  }
0xb9: {  	s0 =	simm.s32 $0xC400  }
0xba: {  	[tilespmem:s0], [sflag:$0x6] =	stream.indirect_vreg.gather [hbm4b:s1+s4], $0x80, v3, vm0, $0xb8;
	[tilespmem:$0x14C00] =	vst v63  }
0xbb: {  	s3 =	simm.s32 $0x40;
	s19 =	rddreg [dreg:$0x3];
	s0 =	simm.s32 $0x10C00  }
0xbc: {  	[tilespmem:s0], [sflag:$0x7] =	stream.indirect.gather [hbm4b:s19+s3], $0x80, s4, s3, $0xb8;
	[tilespmem:$0x14C00] =	vst v63  }
0xbd: {  	v3 =	vld [tilespmem:$0x40];
	_ =	sdelay $0x4  }
0xbe: {  	v39 =	vshll.u32 v3, $0x1  }
0xbf: {  	v3 =	vand.u32 $0x7, v3;
	v4 =	vand.u32 $0xFFFFFFF0, v39  }
0xc0: {  	v3 =	vor.u32 v3, v4  }
0xc1: {  	v4 =	vperm.xlane v3, v0;
	_ =	sdelay $0x1  }
0xc2: {  	v3 =	vperm.xlane v3, v2;
	v4 =	vadd.s32 v1, v4;
	_ =	sdelay $0x1  }
0xc3: {  	v3 =	vadd.s32 v1, v3;
	_ =	sdelay $0x1  }
0xc4: {  	s7 =	simm.s32 $0x4C00  }
0xc5: {  	[tilespmem:s7], [sflag:$0x8] =	stream.indirect_vreg.gather [hbm4b:s1+s4], $0x80, v4, vm0, $0xb8;
	[tilespmem:$0x14C00] =	vst v63  }
0xc6: {  	s5 =	simm.s32 $0x5400  }
0xc7: {  	[tilespmem:s5], [sflag:$0x8] =	stream.indirect_vreg.gather [hbm4b:s1+s4], $0x80, v3, vm0, $0xb8;
	[tilespmem:$0x14C00] =	vst v63  }
0xc8: {  	v3 =	vld [tilespmem:$0x50];
	_ =	sdelay $0x4  }
0xc9: {  	v40 =	vshll.u32 v3, $0x1  }
0xca: {  	v3 =	vand.u32 $0x7, v3;
	v4 =	vand.u32 $0xFFFFFFF0, v40  }
0xcb: {  	v3 =	vor.u32 v3, v4  }
0xcc: {  	v4 =	vperm.xlane v3, v0;
	_ =	sdelay $0x1  }
0xcd: {  	v3 =	vperm.xlane v3, v2;
	v4 =	vadd.s32 v1, v4;
	_ =	sdelay $0x1  }
0xce: {  	v3 =	vadd.s32 v1, v3;
	_ =	sdelay $0x1  }
0xcf: {  	s7 =	simm.s32 $0x5C00  }
0xd0: {  	[tilespmem:s7], [sflag:$0x8] =	stream.indirect_vreg.gather [hbm4b:s1+s4], $0x80, v4, vm0, $0xb8;
	[tilespmem:$0x14C00] =	vst v63  }
0xd1: {  	s12 =	simm.s32 $0x6400  }
0xd2: {  	[tilespmem:s12], [sflag:$0x8] =	stream.indirect_vreg.gather [hbm4b:s1+s4], $0x80, v3, vm0, $0xb8;
	[tilespmem:$0x14C00] =	vst v63  }
0xd3: {  	v3 =	vld [tilespmem:$0x60];
	_ =	sdelay $0x4  }
0xd4: {  	v41 =	vshll.u32 v3, $0x1  }
0xd5: {  	v3 =	vand.u32 $0x7, v3;
	v4 =	vand.u32 $0xFFFFFFF0, v41  }
0xd6: {  	v3 =	vor.u32 v3, v4  }
0xd7: {  	v4 =	vperm.xlane v3, v0;
	_ =	sdelay $0x1  }
0xd8: {  	v3 =	vperm.xlane v3, v2;
	v4 =	vadd.s32 v1, v4;
	_ =	sdelay $0x1  }
0xd9: {  	v3 =	vadd.s32 v1, v3;
	_ =	sdelay $0x1  }
0xda: {  	s13 =	simm.s32 $0x6C00  }
0xdb: {  	[tilespmem:s13], [sflag:$0x8] =	stream.indirect_vreg.gather [hbm4b:s1+s4], $0x80, v4, vm0, $0xb8;
	[tilespmem:$0x14C00] =	vst v63  }
0xdc: {  	s14 =	simm.s32 $0x7400  }
0xdd: {  	[tilespmem:s14], [sflag:$0x8] =	stream.indirect_vreg.gather [hbm4b:s1+s4], $0x80, v3, vm0, $0xb8;
	[tilespmem:$0x14C00] =	vst v63  }
0xde: {  	v3 =	vld [tilespmem:$0x70];
	_ =	sdelay $0x4  }
0xdf: {  	v42 =	vshll.u32 v3, $0x1  }
0xe0: {  	v3 =	vand.u32 $0x7, v3;
	v4 =	vand.u32 $0xFFFFFFF0, v42  }
0xe1: {  	v3 =	vor.u32 v3, v4  }
0xe2: {  	v4 =	vperm.xlane v3, v0;
	_ =	sdelay $0x1  }
0xe3: {  	v3 =	vperm.xlane v3, v2;
	v4 =	vadd.s32 v1, v4;
	_ =	sdelay $0x1  }
0xe4: {  	v3 =	vadd.s32 v1, v3;
	_ =	sdelay $0x1  }
0xe5: {  	s15 =	simm.s32 $0x7C00  }
0xe6: {  	[tilespmem:s15], [sflag:$0x8] =	stream.indirect_vreg.gather [hbm4b:s1+s4], $0x80, v4, vm0, $0xb8;
	[tilespmem:$0x14C00] =	vst v63  }
0xe7: {  	s16 =	simm.s32 $0x8400  }
0xe8: {  	[tilespmem:s16], [sflag:$0x8] =	stream.indirect_vreg.gather [hbm4b:s1+s4], $0x80, v3, vm0, $0xb8;
	[tilespmem:$0x14C00] =	vst v63  }
0xe9: {  	v3 =	vld [tilespmem:$0xA40];
	_ =	sdelay $0x4  }
0xea: {  	v43 =	vshll.u32 v3, $0x1  }
0xeb: {  	v3 =	vand.u32 $0x7, v3;
	v4 =	vand.u32 $0xFFFFFFF0, v43  }
0xec: {  	v3 =	vor.u32 v3, v4  }
0xed: {  	v4 =	vperm.xlane v3, v0;
	_ =	sdelay $0x1  }
0xee: {  	v3 =	vperm.xlane v3, v2;
	v4 =	vadd.s32 v1, v4;
	_ =	sdelay $0x1  }
0xef: {  	v3 =	vadd.s32 v1, v3;
	_ =	sdelay $0x1  }
0xf0: {  	s17 =	simm.s32 $0xCC00  }
0xf1: {  	[tilespmem:s17], [sflag:$0x9] =	stream.indirect_vreg.gather [hbm4b:s1+s4], $0x80, v4, vm0, $0xb8;
	[tilespmem:$0x14C00] =	vst v63  }
0xf2: {  	s18 =	simm.s32 $0xD400  }
0xf3: {  	[tilespmem:s18], [sflag:$0x9] =	stream.indirect_vreg.gather [hbm4b:s1+s4], $0x80, v3, vm0, $0xb8;
	[tilespmem:$0x14C00] =	vst v63  }
0xf4: {  	v3 =	vld [tilespmem:$0xA50];
	_ =	sdelay $0x4  }
0xf5: {  	v44 =	vshll.u32 v3, $0x1  }
0xf6: {  	v3 =	vand.u32 $0x7, v3;
	v4 =	vand.u32 $0xFFFFFFF0, v44  }
0xf7: {  	v3 =	vor.u32 v3, v4  }
0xf8: {  	v4 =	vperm.xlane v3, v0;
	_ =	sdelay $0x1  }
0xf9: {  	v3 =	vperm.xlane v3, v2;
	v4 =	vadd.s32 v1, v4;
	_ =	sdelay $0x1  }
0xfa: {  	v3 =	vadd.s32 v1, v3;
	_ =	sdelay $0x1  }
0xfb: {  	s20 =	simm.s32 $0xDC00  }
0xfc: {  	[tilespmem:s20], [sflag:$0x9] =	stream.indirect_vreg.gather [hbm4b:s1+s4], $0x80, v4, vm0, $0xb8;
	[tilespmem:$0x14C00] =	vst v63  }
0xfd: {  	s26 =	simm.s32 $0xE400  }
0xfe: {  	[tilespmem:s26], [sflag:$0x9] =	stream.indirect_vreg.gather [hbm4b:s1+s4], $0x80, v3, vm0, $0xb8;
	[tilespmem:$0x14C00] =	vst v63  }
0xff: {  	v3 =	vld [tilespmem:$0xA60];
	_ =	sdelay $0x4  }
0x100: {  	v45 =	vshll.u32 v3, $0x1  }
0x101: {  	v3 =	vand.u32 $0x7, v3;
	v4 =	vand.u32 $0xFFFFFFF0, v45  }
0x102: {  	v3 =	vor.u32 v3, v4  }
0x103: {  	v4 =	vperm.xlane v3, v0;
	_ =	sdelay $0x1  }
0x104: {  	v3 =	vperm.xlane v3, v2;
	v4 =	vadd.s32 v1, v4;
	_ =	sdelay $0x1  }
0x105: {  	v3 =	vadd.s32 v1, v3;
	_ =	sdelay $0x1  }
0x106: {  	s28 =	simm.s32 $0xEC00  }
0x107: {  	[tilespmem:s28], [sflag:$0x9] =	stream.indirect_vreg.gather [hbm4b:s1+s4], $0x80, v4, vm0, $0xb8;
	[tilespmem:$0x14C00] =	vst v63  }
0x108: {  	s29 =	simm.s32 $0xF400  }
0x109: {  	[tilespmem:s29], [sflag:$0x9] =	stream.indirect_vreg.gather [hbm4b:s1+s4], $0x80, v3, vm0, $0xb8;
	[tilespmem:$0x14C00] =	vst v63  }
0x10a: {  	v3 =	vld [tilespmem:$0xA70];
	_ =	sdelay $0x4  }
0x10b: {  	v46 =	vshll.u32 v3, $0x1  }
0x10c: {  	v3 =	vand.u32 $0x7, v3;
	v4 =	vand.u32 $0xFFFFFFF0, v46  }
0x10d: {  	v3 =	vor.u32 v3, v4  }
0x10e: {  	v4 =	vperm.xlane v3, v0;
	_ =	sdelay $0x1  }
0x10f: {  	v3 =	vperm.xlane v3, v2;
	v4 =	vadd.s32 v1, v4;
	_ =	sdelay $0x1  }
0x110: {  	v3 =	vadd.s32 v1, v3;
	_ =	sdelay $0x1  }
0x111: {  	s2 =	simm.s32 $0xFC00  }
0x112: {  	[tilespmem:s2], [sflag:$0x9] =	stream.indirect_vreg.gather [hbm4b:s1+s4], $0x80, v4, vm0, $0xb8;
	[tilespmem:$0x14C00] =	vst v63  }
0x113: {  	s3 =	simm.s32 $0x10400  }
0x114: {  	[tilespmem:s3], [sflag:$0x9] =	stream.indirect_vreg.gather [hbm4b:s1+s4], $0x80, v3, vm0, $0xb8;
	[tilespmem:$0x14C00] =	vst v63  }
0x115: {  	s0 =	simm.s32 $0x40;
	s7 =	sld [smem:$0x7F6];
	s14 =	simm.s32 $0x12C00  }
0x116: {  	[tilespmem:s14], [sflag:$0xA] =	stream.indirect.gather [hbm4b:s19+s0], $0x80, s0, s0, $0xb8;
	[tilespmem:$0x14C00] =	vst v63  }
0x117: {  	s5 =	rddreg [dreg:$0xb];
	s15 =	simm.s32 $0x1  }
0x118: {  	[hbm4b:s5+s4] =	stream.linear.scatter [tilespmem:s7], [sflag:$0x4], $0x200, $0x38;
	[tilespmem:$0x14C00] =	vst v63  }
0x119: {  	_ =	swait.ge [sflag:s15], $0x200  }
0x11a: {  	[sflag:s15] =	ssyncset.done $0x0  }
0x11b: {  	[sflag:s15] =	ssyncadd.s32 $0xFFFFFE00  }
0x11c: {  	v3 =	vld [tilespmem:$0x200]  }
0x11d: {  	v47 =	vld [tilespmem:$0x210]  }
0x11e: {  	v49 =	vld [tilespmem:$0x230]  }
0x11f: {  	v48 =	vld [tilespmem:$0x220]  }
0x120: {  	v51 =	vld [tilespmem:$0x250]  }
0x121: {  	v50 =	vld [tilespmem:$0x240];
	v3 =	vtrunc.f32 v3  }
0x122: {  	v53 =	vld [tilespmem:$0x270];
	v4 =	vtrunc.f32 v47;
	v3 =	vcvt.f32.s32 v3  }
0x123: {  	v52 =	vld [tilespmem:$0x260];
	v54 =	vtrunc.f32 v49;
	v4 =	vcvt.f32.s32 v4  }
0x124: {  	v58 =	vld [tilespmem:$0x290];
	v5 =	vtrunc.f32 v48;
	v56 =	vcvt.f32.s32 v54;
	[tilespmem:$0x400] =	vst v3  }
0x125: {  	v55 =	vld [tilespmem:$0x280];
	v59 =	vtrunc.f32 v51;
	v3 =	vcvt.f32.s32 v5;
	[tilespmem:$0x410] =	vst v4  }
0x126: {  	v63 =	vld [tilespmem:$0x2B0];
	v57 =	vtrunc.f32 v50;
	v61 =	vcvt.f32.s32 v59;
	[tilespmem:$0x430] =	vst v56  }
0x127: {  	v60 =	vld [tilespmem:$0x2A0];
	v12 =	vtrunc.f32 v53;
	[tilespmem:$0x420] =	vst v3;
	v3 =	vcvt.f32.s32 v57  }
0x128: {  	v16 =	vld [tilespmem:$0x2D0];
	v62 =	vtrunc.f32 v52;
	v14 =	vcvt.f32.s32 v12;
	[tilespmem:$0x450] =	vst v61  }
0x129: {  	v13 =	vld [tilespmem:$0x2C0];
	v17 =	vtrunc.f32 v58;
	[tilespmem:$0x440] =	vst v3;
	v3 =	vcvt.f32.s32 v62  }
0x12a: {  	v21 =	vld [tilespmem:$0x2F0];
	v15 =	vtrunc.f32 v55;
	v19 =	vcvt.f32.s32 v17;
	[tilespmem:$0x470] =	vst v14  }
0x12b: {  	v18 =	vld [tilespmem:$0x2E0];
	v22 =	vtrunc.f32 v63;
	[tilespmem:$0x460] =	vst v3;
	v3 =	vcvt.f32.s32 v15  }
0x12c: {  	v26 =	vld [tilespmem:$0x310];
	v20 =	vtrunc.f32 v60;
	v24 =	vcvt.f32.s32 v22;
	[tilespmem:$0x490] =	vst v19  }
0x12d: {  	v23 =	vld [tilespmem:$0x300];
	v27 =	vtrunc.f32 v16;
	[tilespmem:$0x480] =	vst v3;
	v3 =	vcvt.f32.s32 v20  }
0x12e: {  	v31 =	vld [tilespmem:$0x330];
	v25 =	vtrunc.f32 v13;
	v29 =	vcvt.f32.s32 v27;
	[tilespmem:$0x4B0] =	vst v24  }
0x12f: {  	v28 =	vld [tilespmem:$0x320];
	v32 =	vtrunc.f32 v21;
	[tilespmem:$0x4A0] =	vst v3;
	v3 =	vcvt.f32.s32 v25  }
0x130: {  	v36 =	vld [tilespmem:$0x350];
	v30 =	vtrunc.f32 v18;
	v34 =	vcvt.f32.s32 v32;
	[tilespmem:$0x4D0] =	vst v29  }
0x131: {  	v33 =	vld [tilespmem:$0x340];
	v37 =	vtrunc.f32 v26;
	[tilespmem:$0x4C0] =	vst v3;
	v3 =	vcvt.f32.s32 v30  }
0x132: {  	v41 =	vld [tilespmem:$0x370];
	v35 =	vtrunc.f32 v23;
	v39 =	vcvt.f32.s32 v37;
	[tilespmem:$0x4F0] =	vst v34  }
0x133: {  	v38 =	vld [tilespmem:$0x360];
	v42 =	vtrunc.f32 v31;
	[tilespmem:$0x4E0] =	vst v3;
	v3 =	vcvt.f32.s32 v35  }
0x134: {  	v46 =	vld [tilespmem:$0x390];
	v40 =	vtrunc.f32 v28;
	v44 =	vcvt.f32.s32 v42;
	[tilespmem:$0x510] =	vst v39  }
0x135: {  	v43 =	vld [tilespmem:$0x380];
	v47 =	vtrunc.f32 v36;
	[tilespmem:$0x500] =	vst v3;
	v3 =	vcvt.f32.s32 v40  }
0x136: {  	v45 =	vtrunc.f32 v33;
	v51 =	vld [tilespmem:$0x3B0];
	v49 =	vcvt.f32.s32 v47;
	[tilespmem:$0x530] =	vst v44  }
0x137: {  	v48 =	vld [tilespmem:$0x3A0];
	v52 =	vtrunc.f32 v41;
	[tilespmem:$0x520] =	vst v3;
	v3 =	vcvt.f32.s32 v45  }
0x138: {  	v50 =	vtrunc.f32 v38;
	v54 =	vcvt.f32.s32 v52;
	[tilespmem:$0x550] =	vst v49;
	v56 =	vld [tilespmem:$0x3D0]  }
0x139: {  	v53 =	vld [tilespmem:$0x3C0];
	v57 =	vtrunc.f32 v46;
	[tilespmem:$0x540] =	vst v3;
	v3 =	vcvt.f32.s32 v50  }
0x13a: {  	v55 =	vtrunc.f32 v43;
	[tilespmem:$0x570] =	vst v54;
	v61 =	vld [tilespmem:$0x3F0];
	v59 =	vcvt.f32.s32 v57  }
0x13b: {  	v58 =	vld [tilespmem:$0x3E0];
	v62 =	vtrunc.f32 v51;
	[tilespmem:$0x560] =	vst v3;
	v3 =	vcvt.f32.s32 v55  }
0x13c: {  	v60 =	vtrunc.f32 v48;
	[tilespmem:$0x590] =	vst v59;
	v63 =	vcvt.f32.s32 v62  }
0x13d: {  	v11 =	vtrunc.f32 v56;
	[tilespmem:$0x580] =	vst v3;
	v3 =	vcvt.f32.s32 v60  }
0x13e: {  	v10 =	vtrunc.f32 v53;
	v12 =	vcvt.f32.s32 v11;
	[tilespmem:$0x5B0] =	vst v63  }
0x13f: {  	v14 =	vtrunc.f32 v61;
	[tilespmem:$0x5A0] =	vst v3;
	v3 =	vcvt.f32.s32 v10  }
0x140: {  	v13 =	vtrunc.f32 v58;
	v15 =	vcvt.f32.s32 v14;
	[tilespmem:$0x5D0] =	vst v12  }
0x141: {  	s17 =	sld [smem:$0x7F7];
	[tilespmem:$0x5C0] =	vst v3;
	v3 =	vcvt.f32.s32 v13  }
0x142: {  	[tilespmem:$0x5F0] =	vst v15  }
0x143: {  	s18 =	simm.s32 $0x2;
	s16 =	rddreg [dreg:$0xc];
	[tilespmem:$0x5E0] =	vst v3  }
0x144: {  	[hbm4b:s16+s4] =	stream.linear.scatter [tilespmem:s17], [sflag:$0x4], $0x200, $0x38;
	[tilespmem:$0x14C00] =	vst v63  }
0x145: {  	_ =	swait.ge [sflag:s18], $0x200  }
0x146: {  	[sflag:s18] =	ssyncset.done $0x0  }
0x147: {  	s20 =	rddreg [dreg:$0xd];
	[sflag:s18] =	ssyncadd.s32 $0xFFFFFE00  }
0x148: {  	[hbm4b:s20+s4] =	stream.linear.scatter [tilespmem:s10], [sflag:$0x4], $0x200, $0x38;
	[tilespmem:$0x14C00] =	vst v63  }
0x149: {  	_ =	swait.ge [sflag:s21], $0x4000  }
0x14a: {  	[sflag:s21] =	ssyncset.done $0x0  }
0x14b: {  	[sflag:s21] =	ssyncadd.s32 $0xFFFFC000  }
0x14c: {  	_ =	swait.ge [sflag:s22], $0x4000  }
0x14d: {  	[sflag:s22] =	ssyncset.done $0x0  }
0x14e: {  	[sflag:s22] =	ssyncadd.s32 $0xFFFFC000  }
0x14f: {  	_ =	swait.ge [sflag:s23], $0x2000  }
0x150: {  	[sflag:s23] =	ssyncset.done $0x0  }
0x151: {  	s29 =	simm.s32 $0xC00;
	s26 =	rddreg [dreg:$0xe];
	[sflag:s23] =	ssyncadd.s32 $0xFFFFE000  }
0x152: {  	[hbm4b:s26+s4] =	stream.linear.scatter [tilespmem:s29], [sflag:$0xB], $0x4000, $0x38;
	[tilespmem:$0x14C00] =	vst v63  }
0x153: {  	s18 =	simm.s32 $0x8C00;
	s28 =	rddreg [dreg:$0xf]  }
0x154: {  	[hbm4b:s28+s4] =	stream.linear.scatter [tilespmem:s18], [sflag:$0xC], $0x4000, $0x38;
	[tilespmem:$0x14C00] =	vst v63  }
0x155: {  	s5 =	simm.s32 $0x10C00;
	s2 =	rddreg [dreg:$0x10]  }
0x156: {  	[hbm4b:s2+s4] =	stream.linear.scatter [tilespmem:s5], [sflag:$0xD], $0x2000, $0x38;
	[tilespmem:$0x14C00] =	vst v63  }
0x157: {  	_ =	swait.ge [sflag:s24], $0x4000  }
0x158: {  	[sflag:s24] =	ssyncset.done $0x0  }
0x159: {  	[sflag:s24] =	ssyncadd.s32 $0xFFFFC000  }
0x15a: {  	_ =	swait.ge [sflag:s25], $0x4000  }
0x15b: {  	[sflag:s25] =	ssyncset.done $0x0  }
0x15c: {  	[sflag:s25] =	ssyncadd.s32 $0xFFFFC000  }
0x15d: {  	_ =	swait.ge [sflag:s30], $0x2000  }
0x15e: {  	[sflag:s30] =	ssyncset.done $0x0  }
0x15f: {  	[sflag:s30] =	ssyncadd.s32 $0xFFFFE000  }
0x160: {  	v3 =	vld [tilespmem:$0x80];
	_ =	sdelay $0x4  }
0x161: {  	v16 =	vshll.u32 v3, $0x1  }
0x162: {  	v3 =	vand.u32 $0x7, v3;
	v4 =	vand.u32 $0xFFFFFFF0, v16  }
0x163: {  	v3 =	vor.u32 v3, v4  }
0x164: {  	v4 =	vperm.xlane v3, v0;
	_ =	sdelay $0x1  }
0x165: {  	v3 =	vperm.xlane v3, v2;
	v4 =	vadd.s32 v1, v4;
	_ =	sdelay $0x1  }
0x166: {  	v3 =	vadd.s32 v1, v3;
	_ =	sdelay $0x2  }
0x167: {  	[tilespmem:s29], [sflag:$0x5] =	stream.indirect_vreg.gather [hbm4b:s1+s4], $0x80, v4, vm0, $0xb8;
	[tilespmem:$0x14C00] =	vst v63  }
0x168: {  	s15 =	simm.s32 $0x1400  }
0x169: {  	[tilespmem:s15], [sflag:$0x5] =	stream.indirect_vreg.gather [hbm4b:s1+s4], $0x80, v3, vm0, $0xb8;
	[tilespmem:$0x14C00] =	vst v63  }
0x16a: {  	v3 =	vld [tilespmem:$0x90];
	_ =	sdelay $0x4  }
0x16b: {  	v17 =	vshll.u32 v3, $0x1  }
0x16c: {  	v3 =	vand.u32 $0x7, v3;
	v4 =	vand.u32 $0xFFFFFFF0, v17  }
0x16d: {  	v3 =	vor.u32 v3, v4  }
0x16e: {  	v4 =	vperm.xlane v3, v0;
	_ =	sdelay $0x1  }
0x16f: {  	v3 =	vperm.xlane v3, v2;
	v4 =	vadd.s32 v1, v4;
	_ =	sdelay $0x1  }
0x170: {  	v3 =	vadd.s32 v1, v3;
	_ =	sdelay $0x1  }
0x171: {  	s3 =	simm.s32 $0x1C00  }
0x172: {  	[tilespmem:s3], [sflag:$0x5] =	stream.indirect_vreg.gather [hbm4b:s1+s4], $0x80, v4, vm0, $0xb8;
	[tilespmem:$0x14C00] =	vst v63  }
0x173: {  	s29 =	simm.s32 $0x2400  }
0x174: {  	[tilespmem:s29], [sflag:$0x5] =	stream.indirect_vreg.gather [hbm4b:s1+s4], $0x80, v3, vm0, $0xb8;
	[tilespmem:$0x14C00] =	vst v63  }
0x175: {  	v3 =	vld [tilespmem:$0xA0];
	_ =	sdelay $0x4  }
0x176: {  	v18 =	vshll.u32 v3, $0x1  }
0x177: {  	v3 =	vand.u32 $0x7, v3;
	v4 =	vand.u32 $0xFFFFFFF0, v18  }
0x178: {  	v3 =	vor.u32 v3, v4  }
0x179: {  	v4 =	vperm.xlane v3, v0;
	_ =	sdelay $0x1  }
0x17a: {  	v3 =	vperm.xlane v3, v2;
	v4 =	vadd.s32 v1, v4;
	_ =	sdelay $0x1  }
0x17b: {  	v3 =	vadd.s32 v1, v3;
	_ =	sdelay $0x1  }
0x17c: {  	s16 =	simm.s32 $0x2C00  }
0x17d: {  	[tilespmem:s16], [sflag:$0x5] =	stream.indirect_vreg.gather [hbm4b:s1+s4], $0x80, v4, vm0, $0xb8;
	[tilespmem:$0x14C00] =	vst v63  }
0x17e: {  	s7 =	simm.s32 $0x3400  }
0x17f: {  	[tilespmem:s7], [sflag:$0x5] =	stream.indirect_vreg.gather [hbm4b:s1+s4], $0x80, v3, vm0, $0xb8;
	[tilespmem:$0x14C00] =	vst v63  }
0x180: {  	v3 =	vld [tilespmem:$0xB0];
	_ =	sdelay $0x4  }
0x181: {  	v19 =	vshll.u32 v3, $0x1  }
0x182: {  	v3 =	vand.u32 $0x7, v3;
	v4 =	vand.u32 $0xFFFFFFF0, v19  }
0x183: {  	v3 =	vor.u32 v3, v4  }
0x184: {  	v4 =	vperm.xlane v3, v0;
	_ =	sdelay $0x1  }
0x185: {  	v3 =	vperm.xlane v3, v2;
	v4 =	vadd.s32 v1, v4;
	_ =	sdelay $0x1  }
0x186: {  	v3 =	vadd.s32 v1, v3;
	_ =	sdelay $0x1  }
0x187: {  	s17 =	simm.s32 $0x3C00  }
0x188: {  	[tilespmem:s17], [sflag:$0x5] =	stream.indirect_vreg.gather [hbm4b:s1+s4], $0x80, v4, vm0, $0xb8;
	[tilespmem:$0x14C00] =	vst v63  }
0x189: {  	s10 =	simm.s32 $0x4400  }
0x18a: {  	[tilespmem:s10], [sflag:$0x5] =	stream.indirect_vreg.gather [hbm4b:s1+s4], $0x80, v3, vm0, $0xb8;
	[tilespmem:$0x14C00] =	vst v63  }
0x18b: {  	v3 =	vld [tilespmem:$0xA80];
	_ =	sdelay $0x4  }
0x18c: {  	v20 =	vshll.u32 v3, $0x1  }
0x18d: {  	v3 =	vand.u32 $0x7, v3;
	v4 =	vand.u32 $0xFFFFFFF0, v20  }
0x18e: {  	v3 =	vor.u32 v3, v4  }
0x18f: {  	v4 =	vperm.xlane v3, v0;
	_ =	sdelay $0x1  }
0x190: {  	v3 =	vperm.xlane v3, v2;
	v4 =	vadd.s32 v1, v4;
	_ =	sdelay $0x1  }
0x191: {  	v3 =	vadd.s32 v1, v3;
	_ =	sdelay $0x2  }
0x192: {  	[tilespmem:s18], [sflag:$0x6] =	stream.indirect_vreg.gather [hbm4b:s1+s4], $0x80, v4, vm0, $0xb8;
	[tilespmem:$0x14C00] =	vst v63  }
0x193: {  	s3 =	simm.s32 $0x9400  }
0x194: {  	[tilespmem:s3], [sflag:$0x6] =	stream.indirect_vreg.gather [hbm4b:s1+s4], $0x80, v3, vm0, $0xb8;
	[tilespmem:$0x14C00] =	vst v63  }
0x195: {  	v3 =	vld [tilespmem:$0xA90];
	_ =	sdelay $0x4  }
0x196: {  	v21 =	vshll.u32 v3, $0x1  }
0x197: {  	v3 =	vand.u32 $0x7, v3;
	v4 =	vand.u32 $0xFFFFFFF0, v21  }
0x198: {  	v3 =	vor.u32 v3, v4  }
0x199: {  	v4 =	vperm.xlane v3, v0;
	_ =	sdelay $0x1  }
0x19a: {  	v3 =	vperm.xlane v3, v2;
	v4 =	vadd.s32 v1, v4;
	_ =	sdelay $0x1  }
0x19b: {  	v3 =	vadd.s32 v1, v3;
	_ =	sdelay $0x1  }
0x19c: {  	s20 =	simm.s32 $0x9C00  }
0x19d: {  	[tilespmem:s20], [sflag:$0x6] =	stream.indirect_vreg.gather [hbm4b:s1+s4], $0x80, v4, vm0, $0xb8;
	[tilespmem:$0x14C00] =	vst v63  }
0x19e: {  	s11 =	simm.s32 $0xA400  }
0x19f: {  	[tilespmem:s11], [sflag:$0x6] =	stream.indirect_vreg.gather [hbm4b:s1+s4], $0x80, v3, vm0, $0xb8;
	[tilespmem:$0x14C00] =	vst v63  }
0x1a0: {  	v3 =	vld [tilespmem:$0xAA0];
	_ =	sdelay $0x4  }
0x1a1: {  	v22 =	vshll.u32 v3, $0x1  }
0x1a2: {  	v3 =	vand.u32 $0x7, v3;
	v4 =	vand.u32 $0xFFFFFFF0, v22  }
0x1a3: {  	v3 =	vor.u32 v3, v4  }
0x1a4: {  	v4 =	vperm.xlane v3, v0;
	_ =	sdelay $0x1  }
0x1a5: {  	v3 =	vperm.xlane v3, v2;
	v4 =	vadd.s32 v1, v4;
	_ =	sdelay $0x1  }
0x1a6: {  	v3 =	vadd.s32 v1, v3;
	_ =	sdelay $0x1  }
0x1a7: {  	s18 =	simm.s32 $0xAC00  }
0x1a8: {  	[tilespmem:s18], [sflag:$0x6] =	stream.indirect_vreg.gather [hbm4b:s1+s4], $0x80, v4, vm0, $0xb8;
	[tilespmem:$0x14C00] =	vst v63  }
0x1a9: {  	s12 =	simm.s32 $0xB400  }
0x1aa: {  	[tilespmem:s12], [sflag:$0x6] =	stream.indirect_vreg.gather [hbm4b:s1+s4], $0x80, v3, vm0, $0xb8;
	[tilespmem:$0x14C00] =	vst v63  }
0x1ab: {  	v3 =	vld [tilespmem:$0xAB0];
	_ =	sdelay $0x4  }
0x1ac: {  	v23 =	vshll.u32 v3, $0x1  }
0x1ad: {  	v3 =	vand.u32 $0x7, v3;
	v4 =	vand.u32 $0xFFFFFFF0, v23  }
0x1ae: {  	v3 =	vor.u32 v3, v4  }
0x1af: {  	v4 =	vperm.xlane v3, v0;
	_ =	sdelay $0x1  }
0x1b0: {  	v3 =	vperm.xlane v3, v2;
	v4 =	vadd.s32 v1, v4;
	_ =	sdelay $0x1  }
0x1b1: {  	v3 =	vadd.s32 v1, v3;
	_ =	sdelay $0x1  }
0x1b2: {  	s26 =	simm.s32 $0xBC00  }
0x1b3: {  	[tilespmem:s26], [sflag:$0x6] =	stream.indirect_vreg.gather [hbm4b:s1+s4], $0x80, v4, vm0, $0xb8;
	[tilespmem:$0x14C00] =	vst v63  }
0x1b4: {  	s28 =	simm.s32 $0xC400;
	s14 =	sld [smem:$0x7F8]  }
0x1b5: {  	[tilespmem:s28], [sflag:$0x6] =	stream.indirect_vreg.gather [hbm4b:s1+s4], $0x80, v3, vm0, $0xb8;
	[tilespmem:$0x14C00] =	vst v63  }
0x1b6: {  	s0 =	simm.s32 $0x40  }
0x1b7: {  	[tilespmem:s5], [sflag:$0x7] =	stream.indirect.gather [hbm4b:s19+s0], $0x80, s14, s0, $0xb8;
	[tilespmem:$0x14C00] =	vst v63  }
0x1b8: {  	_ =	swait.ge [sflag:s31], $0x4000  }
0x1b9: {  	[sflag:s31] =	ssyncset.done $0x0  }
0x1ba: {  	[sflag:s31] =	ssyncadd.s32 $0xFFFFC000  }
0x1bb: {  	_ =	swait.ge [sflag:s6], $0x4000  }
0x1bc: {  	[sflag:s6] =	ssyncset.done $0x0  }
0x1bd: {  	s7 =	simm.s32 $0xA;
	[sflag:s6] =	ssyncadd.s32 $0xFFFFC000  }
0x1be: {  	_ =	swait.ge [sflag:s7], $0x2000  }
0x1bf: {  	[sflag:s7] =	ssyncset.done $0x0  }
0x1c0: {  	s28 =	simm.s32 $0x4C00;
	s2 =	rddreg [dreg:$0x11];
	[sflag:s7] =	ssyncadd.s32 $0xFFFFE000  }
0x1c1: {  	[hbm4b:s2+s4] =	stream.linear.scatter [tilespmem:s28], [sflag:$0xE], $0x4000, $0x38;
	[tilespmem:$0x14C00] =	vst v63  }
0x1c2: {  	s0 =	simm.s32 $0xCC00;
	s5 =	rddreg [dreg:$0x12]  }
0x1c3: {  	[hbm4b:s5+s4] =	stream.linear.scatter [tilespmem:s0], [sflag:$0xF], $0x4000, $0x38;
	[tilespmem:$0x14C00] =	vst v63  }
0x1c4: {  	s10 =	rddreg [dreg:$0x13];
	s2 =	simm.s32 $0x12C00  }
0x1c5: {  	[hbm4b:s10+s4] =	stream.linear.scatter [tilespmem:s2], [sflag:$0x10], $0x2000, $0x38;
	[tilespmem:$0x14C00] =	vst v63  }
0x1c6: {  	_ =	swait.ge [sflag:s8], $0x4000  }
0x1c7: {  	[sflag:s8] =	ssyncset.done $0x0  }
0x1c8: {  	[sflag:s8] =	ssyncadd.s32 $0xFFFFC000  }
0x1c9: {  	_ =	swait.ge [sflag:s9], $0x4000  }
0x1ca: {  	[sflag:s9] =	ssyncset.done $0x0  }
0x1cb: {  	s10 =	simm.s32 $0x10;
	[sflag:s9] =	ssyncadd.s32 $0xFFFFC000  }
0x1cc: {  	_ =	swait.ge [sflag:s10], $0x2000  }
0x1cd: {  	[sflag:s10] =	ssyncset.done $0x0  }
0x1ce: {  	[sflag:s10] =	ssyncadd.s32 $0xFFFFE000  }
0x1cf: {  	v3 =	vld [tilespmem:$0xC0];
	_ =	sdelay $0x4  }
0x1d0: {  	v24 =	vshll.u32 v3, $0x1  }
0x1d1: {  	v3 =	vand.u32 $0x7, v3;
	v4 =	vand.u32 $0xFFFFFFF0, v24  }
0x1d2: {  	v3 =	vor.u32 v3, v4  }
0x1d3: {  	v4 =	vperm.xlane v3, v0;
	_ =	sdelay $0x1  }
0x1d4: {  	v3 =	vperm.xlane v3, v2;
	v4 =	vadd.s32 v1, v4;
	_ =	sdelay $0x1  }
0x1d5: {  	v3 =	vadd.s32 v1, v3;
	_ =	sdelay $0x2  }
0x1d6: {  	[tilespmem:s28], [sflag:$0x8] =	stream.indirect_vreg.gather [hbm4b:s1+s4], $0x80, v4, vm0, $0xb8;
	[tilespmem:$0x14C00] =	vst v63  }
0x1d7: {  	s28 =	simm.s32 $0x5400  }
0x1d8: {  	[tilespmem:s28], [sflag:$0x8] =	stream.indirect_vreg.gather [hbm4b:s1+s4], $0x80, v3, vm0, $0xb8;
	[tilespmem:$0x14C00] =	vst v63  }
0x1d9: {  	v3 =	vld [tilespmem:$0xD0];
	_ =	sdelay $0x4  }
0x1da: {  	v25 =	vshll.u32 v3, $0x1  }
0x1db: {  	v3 =	vand.u32 $0x7, v3;
	v4 =	vand.u32 $0xFFFFFFF0, v25  }
0x1dc: {  	v3 =	vor.u32 v3, v4  }
0x1dd: {  	v4 =	vperm.xlane v3, v0;
	_ =	sdelay $0x1  }
0x1de: {  	v3 =	vperm.xlane v3, v2;
	v4 =	vadd.s32 v1, v4;
	_ =	sdelay $0x1  }
0x1df: {  	v3 =	vadd.s32 v1, v3;
	_ =	sdelay $0x1  }
0x1e0: {  	s11 =	simm.s32 $0x5C00  }
0x1e1: {  	[tilespmem:s11], [sflag:$0x8] =	stream.indirect_vreg.gather [hbm4b:s1+s4], $0x80, v4, vm0, $0xb8;
	[tilespmem:$0x14C00] =	vst v63  }
0x1e2: {  	s12 =	simm.s32 $0x6400  }
0x1e3: {  	[tilespmem:s12], [sflag:$0x8] =	stream.indirect_vreg.gather [hbm4b:s1+s4], $0x80, v3, vm0, $0xb8;
	[tilespmem:$0x14C00] =	vst v63  }
0x1e4: {  	v3 =	vld [tilespmem:$0xE0];
	_ =	sdelay $0x4  }
0x1e5: {  	v26 =	vshll.u32 v3, $0x1  }
0x1e6: {  	v3 =	vand.u32 $0x7, v3;
	v4 =	vand.u32 $0xFFFFFFF0, v26  }
0x1e7: {  	v3 =	vor.u32 v3, v4  }
0x1e8: {  	v4 =	vperm.xlane v3, v0;
	_ =	sdelay $0x1  }
0x1e9: {  	v3 =	vperm.xlane v3, v2;
	v4 =	vadd.s32 v1, v4;
	_ =	sdelay $0x1  }
0x1ea: {  	v3 =	vadd.s32 v1, v3;
	_ =	sdelay $0x1  }
0x1eb: {  	s28 =	simm.s32 $0x6C00  }
0x1ec: {  	[tilespmem:s28], [sflag:$0x8] =	stream.indirect_vreg.gather [hbm4b:s1+s4], $0x80, v4, vm0, $0xb8;
	[tilespmem:$0x14C00] =	vst v63  }
0x1ed: {  	s11 =	simm.s32 $0x7400  }
0x1ee: {  	[tilespmem:s11], [sflag:$0x8] =	stream.indirect_vreg.gather [hbm4b:s1+s4], $0x80, v3, vm0, $0xb8;
	[tilespmem:$0x14C00] =	vst v63  }
0x1ef: {  	v3 =	vld [tilespmem:$0xF0];
	_ =	sdelay $0x4  }
0x1f0: {  	v27 =	vshll.u32 v3, $0x1  }
0x1f1: {  	v3 =	vand.u32 $0x7, v3;
	v4 =	vand.u32 $0xFFFFFFF0, v27  }
0x1f2: {  	v3 =	vor.u32 v3, v4  }
0x1f3: {  	v4 =	vperm.xlane v3, v0;
	_ =	sdelay $0x1  }
0x1f4: {  	v3 =	vperm.xlane v3, v2;
	v4 =	vadd.s32 v1, v4;
	_ =	sdelay $0x1  }
0x1f5: {  	v3 =	vadd.s32 v1, v3;
	_ =	sdelay $0x1  }
0x1f6: {  	s12 =	simm.s32 $0x7C00  }
0x1f7: {  	[tilespmem:s12], [sflag:$0x8] =	stream.indirect_vreg.gather [hbm4b:s1+s4], $0x80, v4, vm0, $0xb8;
	[tilespmem:$0x14C00] =	vst v63  }
0x1f8: {  	s28 =	simm.s32 $0x8400  }
0x1f9: {  	[tilespmem:s28], [sflag:$0x8] =	stream.indirect_vreg.gather [hbm4b:s1+s4], $0x80, v3, vm0, $0xb8;
	[tilespmem:$0x14C00] =	vst v63  }
0x1fa: {  	v3 =	vld [tilespmem:$0xAC0];
	_ =	sdelay $0x4  }
0x1fb: {  	v28 =	vshll.u32 v3, $0x1  }
0x1fc: {  	v3 =	vand.u32 $0x7, v3;
	v4 =	vand.u32 $0xFFFFFFF0, v28  }
0x1fd: {  	v3 =	vor.u32 v3, v4  }
0x1fe: {  	v4 =	vperm.xlane v3, v0;
	_ =	sdelay $0x1  }
0x1ff: {  	v3 =	vperm.xlane v3, v2;
	v4 =	vadd.s32 v1, v4;
	_ =	sdelay $0x1  }
0x200: {  	v3 =	vadd.s32 v1, v3;
	_ =	sdelay $0x2  }
0x201: {  	[tilespmem:s0], [sflag:$0x9] =	stream.indirect_vreg.gather [hbm4b:s1+s4], $0x80, v4, vm0, $0xb8;
	[tilespmem:$0x14C00] =	vst v63  }
0x202: {  	s5 =	simm.s32 $0xD400  }
0x203: {  	[tilespmem:s5], [sflag:$0x9] =	stream.indirect_vreg.gather [hbm4b:s1+s4], $0x80, v3, vm0, $0xb8;
	[tilespmem:$0x14C00] =	vst v63  }
0x204: {  	v3 =	vld [tilespmem:$0xAD0];
	_ =	sdelay $0x4  }
0x205: {  	v29 =	vshll.u32 v3, $0x1  }
0x206: {  	v3 =	vand.u32 $0x7, v3;
	v4 =	vand.u32 $0xFFFFFFF0, v29  }
0x207: {  	v3 =	vor.u32 v3, v4  }
0x208: {  	v4 =	vperm.xlane v3, v0;
	_ =	sdelay $0x1  }
0x209: {  	v3 =	vperm.xlane v3, v2;
	v4 =	vadd.s32 v1, v4;
	_ =	sdelay $0x1  }
0x20a: {  	v3 =	vadd.s32 v1, v3;
	_ =	sdelay $0x1  }
0x20b: {  	s11 =	simm.s32 $0xDC00  }
0x20c: {  	[tilespmem:s11], [sflag:$0x9] =	stream.indirect_vreg.gather [hbm4b:s1+s4], $0x80, v4, vm0, $0xb8;
	[tilespmem:$0x14C00] =	vst v63  }
0x20d: {  	s12 =	simm.s32 $0xE400  }
0x20e: {  	[tilespmem:s12], [sflag:$0x9] =	stream.indirect_vreg.gather [hbm4b:s1+s4], $0x80, v3, vm0, $0xb8;
	[tilespmem:$0x14C00] =	vst v63  }
0x20f: {  	v3 =	vld [tilespmem:$0xAE0];
	_ =	sdelay $0x4  }
0x210: {  	v30 =	vshll.u32 v3, $0x1  }
0x211: {  	v3 =	vand.u32 $0x7, v3;
	v4 =	vand.u32 $0xFFFFFFF0, v30  }
0x212: {  	v3 =	vor.u32 v3, v4  }
0x213: {  	v4 =	vperm.xlane v3, v0;
	_ =	sdelay $0x1  }
0x214: {  	v3 =	vperm.xlane v3, v2;
	v4 =	vadd.s32 v1, v4;
	_ =	sdelay $0x1  }
0x215: {  	v3 =	vadd.s32 v1, v3;
	_ =	sdelay $0x1  }
0x216: {  	s5 =	simm.s32 $0xEC00  }
0x217: {  	[tilespmem:s5], [sflag:$0x9] =	stream.indirect_vreg.gather [hbm4b:s1+s4], $0x80, v4, vm0, $0xb8;
	[tilespmem:$0x14C00] =	vst v63  }
0x218: {  	s11 =	simm.s32 $0xF400  }
0x219: {  	[tilespmem:s11], [sflag:$0x9] =	stream.indirect_vreg.gather [hbm4b:s1+s4], $0x80, v3, vm0, $0xb8;
	[tilespmem:$0x14C00] =	vst v63  }
0x21a: {  	v3 =	vld [tilespmem:$0xAF0];
	_ =	sdelay $0x4  }
0x21b: {  	v31 =	vshll.u32 v3, $0x1  }
0x21c: {  	v3 =	vand.u32 $0x7, v3;
	v4 =	vand.u32 $0xFFFFFFF0, v31  }
0x21d: {  	v3 =	vor.u32 v3, v4  }
0x21e: {  	v4 =	vperm.xlane v3, v0;
	_ =	sdelay $0x1  }
0x21f: {  	v3 =	vperm.xlane v3, v2;
	v4 =	vadd.s32 v1, v4;
	_ =	sdelay $0x1  }
0x220: {  	v3 =	vadd.s32 v1, v3;
	_ =	sdelay $0x1  }
0x221: {  	s12 =	simm.s32 $0xFC00  }
0x222: {  	[tilespmem:s12], [sflag:$0x9] =	stream.indirect_vreg.gather [hbm4b:s1+s4], $0x80, v4, vm0, $0xb8;
	[tilespmem:$0x14C00] =	vst v63  }
0x223: {  	s13 =	simm.s32 $0x10400;
	s0 =	sld [smem:$0x7F9]  }
0x224: {  	[tilespmem:s13], [sflag:$0x9] =	stream.indirect_vreg.gather [hbm4b:s1+s4], $0x80, v3, vm0, $0xb8;
	[tilespmem:$0x14C00] =	vst v63  }
0x225: {  	s5 =	simm.s32 $0x40  }
0x226: {  	[tilespmem:s2], [sflag:$0xA] =	stream.indirect.gather [hbm4b:s19+s5], $0x80, s0, s5, $0xb8;
	[tilespmem:$0x14C00] =	vst v63  }
0x227: {  	_ =	swait.ge [sflag:s21], $0x4000  }
0x228: {  	[sflag:s21] =	ssyncset.done $0x0  }
0x229: {  	[sflag:s21] =	ssyncadd.s32 $0xFFFFC000  }
0x22a: {  	_ =	swait.ge [sflag:s22], $0x4000  }
0x22b: {  	[sflag:s22] =	ssyncset.done $0x0  }
0x22c: {  	[sflag:s22] =	ssyncadd.s32 $0xFFFFC000  }
0x22d: {  	_ =	swait.ge [sflag:s23], $0x2000  }
0x22e: {  	[sflag:s23] =	ssyncset.done $0x0  }
0x22f: {  	s0 =	simm.s32 $0xC00;
	s2 =	rddreg [dreg:$0x14];
	[sflag:s23] =	ssyncadd.s32 $0xFFFFE000  }
0x230: {  	[hbm4b:s2+s4] =	stream.linear.scatter [tilespmem:s0], [sflag:$0xB], $0x4000, $0x38;
	[tilespmem:$0x14C00] =	vst v63  }
0x231: {  	s12 =	rddreg [dreg:$0x15];
	s2 =	simm.s32 $0x8C00  }
0x232: {  	[hbm4b:s12+s4] =	stream.linear.scatter [tilespmem:s2], [sflag:$0xC], $0x4000, $0x38;
	[tilespmem:$0x14C00] =	vst v63  }
0x233: {  	s14 =	simm.s32 $0x10C00;
	s11 =	rddreg [dreg:$0x16]  }
0x234: {  	[hbm4b:s11+s4] =	stream.linear.scatter [tilespmem:s14], [sflag:$0xD], $0x2000, $0x38;
	[tilespmem:$0x14C00] =	vst v63  }
0x235: {  	_ =	swait.ge [sflag:s24], $0x4000  }
0x236: {  	[sflag:s24] =	ssyncset.done $0x0  }
0x237: {  	[sflag:s24] =	ssyncadd.s32 $0xFFFFC000  }
0x238: {  	_ =	swait.ge [sflag:s25], $0x4000  }
0x239: {  	[sflag:s25] =	ssyncset.done $0x0  }
0x23a: {  	[sflag:s25] =	ssyncadd.s32 $0xFFFFC000  }
0x23b: {  	_ =	swait.ge [sflag:s30], $0x2000  }
0x23c: {  	[sflag:s30] =	ssyncset.done $0x0  }
0x23d: {  	[sflag:s30] =	ssyncadd.s32 $0xFFFFE000  }
0x23e: {  	v3 =	vld [tilespmem:$0x100];
	_ =	sdelay $0x4  }
0x23f: {  	v32 =	vshll.u32 v3, $0x1  }
0x240: {  	v3 =	vand.u32 $0x7, v3;
	v4 =	vand.u32 $0xFFFFFFF0, v32  }
0x241: {  	v3 =	vor.u32 v3, v4  }
0x242: {  	v4 =	vperm.xlane v3, v0;
	_ =	sdelay $0x1  }
0x243: {  	v3 =	vperm.xlane v3, v2;
	v4 =	vadd.s32 v1, v4;
	_ =	sdelay $0x1  }
0x244: {  	v3 =	vadd.s32 v1, v3;
	_ =	sdelay $0x2  }
0x245: {  	[tilespmem:s0], [sflag:$0x5] =	stream.indirect_vreg.gather [hbm4b:s1+s4], $0x80, v4, vm0, $0xb8;
	[tilespmem:$0x14C00] =	vst v63  }
0x246: {  	_ = 	snop  }
0x247: {  	[tilespmem:s15], [sflag:$0x5] =	stream.indirect_vreg.gather [hbm4b:s1+s4], $0x80, v3, vm0, $0xb8;
	[tilespmem:$0x14C00] =	vst v63  }
0x248: {  	v3 =	vld [tilespmem:$0x110];
	_ =	sdelay $0x4  }
0x249: {  	v33 =	vshll.u32 v3, $0x1  }
0x24a: {  	v3 =	vand.u32 $0x7, v3;
	v4 =	vand.u32 $0xFFFFFFF0, v33  }
0x24b: {  	v3 =	vor.u32 v3, v4  }
0x24c: {  	v4 =	vperm.xlane v3, v0;
	_ =	sdelay $0x1  }
0x24d: {  	v3 =	vperm.xlane v3, v2;
	v4 =	vadd.s32 v1, v4;
	_ =	sdelay $0x1  }
0x24e: {  	v3 =	vadd.s32 v1, v3;
	_ =	sdelay $0x1  }
0x24f: {  	s15 =	simm.s32 $0x1C00  }
0x250: {  	[tilespmem:s15], [sflag:$0x5] =	stream.indirect_vreg.gather [hbm4b:s1+s4], $0x80, v4, vm0, $0xb8;
	[tilespmem:$0x14C00] =	vst v63  }
0x251: {  	_ = 	snop  }
0x252: {  	[tilespmem:s29], [sflag:$0x5] =	stream.indirect_vreg.gather [hbm4b:s1+s4], $0x80, v3, vm0, $0xb8;
	[tilespmem:$0x14C00] =	vst v63  }
0x253: {  	v3 =	vld [tilespmem:$0x120];
	_ =	sdelay $0x4  }
0x254: {  	v34 =	vshll.u32 v3, $0x1  }
0x255: {  	v3 =	vand.u32 $0x7, v3;
	v4 =	vand.u32 $0xFFFFFFF0, v34  }
0x256: {  	v3 =	vor.u32 v3, v4  }
0x257: {  	v4 =	vperm.xlane v3, v0;
	_ =	sdelay $0x1  }
0x258: {  	v3 =	vperm.xlane v3, v2;
	v4 =	vadd.s32 v1, v4;
	_ =	sdelay $0x1  }
0x259: {  	v3 =	vadd.s32 v1, v3;
	_ =	sdelay $0x2  }
0x25a: {  	[tilespmem:s16], [sflag:$0x5] =	stream.indirect_vreg.gather [hbm4b:s1+s4], $0x80, v4, vm0, $0xb8;
	[tilespmem:$0x14C00] =	vst v63  }
0x25b: {  	s12 =	simm.s32 $0x3400  }
0x25c: {  	[tilespmem:s12], [sflag:$0x5] =	stream.indirect_vreg.gather [hbm4b:s1+s4], $0x80, v3, vm0, $0xb8;
	[tilespmem:$0x14C00] =	vst v63  }
0x25d: {  	v3 =	vld [tilespmem:$0x130];
	_ =	sdelay $0x4  }
0x25e: {  	v35 =	vshll.u32 v3, $0x1  }
0x25f: {  	v3 =	vand.u32 $0x7, v3;
	v4 =	vand.u32 $0xFFFFFFF0, v35  }
0x260: {  	v3 =	vor.u32 v3, v4  }
0x261: {  	v4 =	vperm.xlane v3, v0;
	_ =	sdelay $0x1  }
0x262: {  	v3 =	vperm.xlane v3, v2;
	v4 =	vadd.s32 v1, v4;
	_ =	sdelay $0x1  }
0x263: {  	v3 =	vadd.s32 v1, v3;
	_ =	sdelay $0x2  }
0x264: {  	[tilespmem:s17], [sflag:$0x5] =	stream.indirect_vreg.gather [hbm4b:s1+s4], $0x80, v4, vm0, $0xb8;
	[tilespmem:$0x14C00] =	vst v63  }
0x265: {  	s15 =	simm.s32 $0x4400  }
0x266: {  	[tilespmem:s15], [sflag:$0x5] =	stream.indirect_vreg.gather [hbm4b:s1+s4], $0x80, v3, vm0, $0xb8;
	[tilespmem:$0x14C00] =	vst v63  }
0x267: {  	v3 =	vld [tilespmem:$0xB00];
	_ =	sdelay $0x4  }
0x268: {  	v36 =	vshll.u32 v3, $0x1  }
0x269: {  	v3 =	vand.u32 $0x7, v3;
	v4 =	vand.u32 $0xFFFFFFF0, v36  }
0x26a: {  	v3 =	vor.u32 v3, v4  }
0x26b: {  	v4 =	vperm.xlane v3, v0;
	_ =	sdelay $0x1  }
0x26c: {  	v3 =	vperm.xlane v3, v2;
	v4 =	vadd.s32 v1, v4;
	_ =	sdelay $0x1  }
0x26d: {  	v3 =	vadd.s32 v1, v3;
	_ =	sdelay $0x2  }
0x26e: {  	[tilespmem:s2], [sflag:$0x6] =	stream.indirect_vreg.gather [hbm4b:s1+s4], $0x80, v4, vm0, $0xb8;
	[tilespmem:$0x14C00] =	vst v63  }
0x26f: {  	_ = 	snop  }
0x270: {  	[tilespmem:s3], [sflag:$0x6] =	stream.indirect_vreg.gather [hbm4b:s1+s4], $0x80, v3, vm0, $0xb8;
	[tilespmem:$0x14C00] =	vst v63  }
0x271: {  	v3 =	vld [tilespmem:$0xB10];
	_ =	sdelay $0x4  }
0x272: {  	v37 =	vshll.u32 v3, $0x1  }
0x273: {  	v3 =	vand.u32 $0x7, v3;
	v4 =	vand.u32 $0xFFFFFFF0, v37  }
0x274: {  	v3 =	vor.u32 v3, v4  }
0x275: {  	v4 =	vperm.xlane v3, v0;
	_ =	sdelay $0x1  }
0x276: {  	v3 =	vperm.xlane v3, v2;
	v4 =	vadd.s32 v1, v4;
	_ =	sdelay $0x1  }
0x277: {  	v3 =	vadd.s32 v1, v3;
	_ =	sdelay $0x2  }
0x278: {  	[tilespmem:s20], [sflag:$0x6] =	stream.indirect_vreg.gather [hbm4b:s1+s4], $0x80, v4, vm0, $0xb8;
	[tilespmem:$0x14C00] =	vst v63  }
0x279: {  	s12 =	simm.s32 $0xA400  }
0x27a: {  	[tilespmem:s12], [sflag:$0x6] =	stream.indirect_vreg.gather [hbm4b:s1+s4], $0x80, v3, vm0, $0xb8;
	[tilespmem:$0x14C00] =	vst v63  }
0x27b: {  	v3 =	vld [tilespmem:$0xB20];
	_ =	sdelay $0x4  }
0x27c: {  	v38 =	vshll.u32 v3, $0x1  }
0x27d: {  	v3 =	vand.u32 $0x7, v3;
	v4 =	vand.u32 $0xFFFFFFF0, v38  }
0x27e: {  	v3 =	vor.u32 v3, v4  }
0x27f: {  	v4 =	vperm.xlane v3, v0;
	_ =	sdelay $0x1  }
0x280: {  	v3 =	vperm.xlane v3, v2;
	v4 =	vadd.s32 v1, v4;
	_ =	sdelay $0x1  }
0x281: {  	v3 =	vadd.s32 v1, v3;
	_ =	sdelay $0x2  }
0x282: {  	[tilespmem:s18], [sflag:$0x6] =	stream.indirect_vreg.gather [hbm4b:s1+s4], $0x80, v4, vm0, $0xb8;
	[tilespmem:$0x14C00] =	vst v63  }
0x283: {  	s11 =	simm.s32 $0xB400  }
0x284: {  	[tilespmem:s11], [sflag:$0x6] =	stream.indirect_vreg.gather [hbm4b:s1+s4], $0x80, v3, vm0, $0xb8;
	[tilespmem:$0x14C00] =	vst v63  }
0x285: {  	v3 =	vld [tilespmem:$0xB30];
	_ =	sdelay $0x4  }
0x286: {  	v39 =	vshll.u32 v3, $0x1  }
0x287: {  	v3 =	vand.u32 $0x7, v3;
	v4 =	vand.u32 $0xFFFFFFF0, v39  }
0x288: {  	v3 =	vor.u32 v3, v4  }
0x289: {  	v4 =	vperm.xlane v3, v0;
	_ =	sdelay $0x1  }
0x28a: {  	v3 =	vperm.xlane v3, v2;
	v4 =	vadd.s32 v1, v4;
	_ =	sdelay $0x1  }
0x28b: {  	v3 =	vadd.s32 v1, v3;
	_ =	sdelay $0x2  }
0x28c: {  	[tilespmem:s26], [sflag:$0x6] =	stream.indirect_vreg.gather [hbm4b:s1+s4], $0x80, v4, vm0, $0xb8;
	[tilespmem:$0x14C00] =	vst v63  }
0x28d: {  	s12 =	simm.s32 $0xC400;
	s11 =	sld [smem:$0x7FA]  }
0x28e: {  	[tilespmem:s12], [sflag:$0x6] =	stream.indirect_vreg.gather [hbm4b:s1+s4], $0x80, v3, vm0, $0xb8;
	[tilespmem:$0x14C00] =	vst v63  }
0x28f: {  	_ = 	snop  }
0x290: {  	[tilespmem:s14], [sflag:$0x7] =	stream.indirect.gather [hbm4b:s19+s5], $0x80, s11, s5, $0xb8;
	[tilespmem:$0x14C00] =	vst v63  }
0x291: {  	_ =	swait.ge [sflag:s31], $0x4000  }
0x292: {  	[sflag:s31] =	ssyncset.done $0x0  }
0x293: {  	[sflag:s31] =	ssyncadd.s32 $0xFFFFC000  }
0x294: {  	_ =	swait.ge [sflag:s6], $0x4000  }
0x295: {  	[sflag:s6] =	ssyncset.done $0x0  }
0x296: {  	[sflag:s6] =	ssyncadd.s32 $0xFFFFC000  }
0x297: {  	_ =	swait.ge [sflag:s7], $0x2000  }
0x298: {  	[sflag:s7] =	ssyncset.done $0x0  }
0x299: {  	s5 =	simm.s32 $0x4C00;
	s14 =	rddreg [dreg:$0x17];
	[sflag:s7] =	ssyncadd.s32 $0xFFFFE000  }
0x29a: {  	[hbm4b:s14+s4] =	stream.linear.scatter [tilespmem:s5], [sflag:$0xE], $0x4000, $0x38;
	[tilespmem:$0x14C00] =	vst v63  }
0x29b: {  	s28 =	simm.s32 $0xCC00;
	s12 =	rddreg [dreg:$0x18]  }
0x29c: {  	[hbm4b:s12+s4] =	stream.linear.scatter [tilespmem:s28], [sflag:$0xF], $0x4000, $0x38;
	[tilespmem:$0x14C00] =	vst v63  }
0x29d: {  	s13 =	simm.s32 $0x12C00;
	s14 =	rddreg [dreg:$0x19]  }
0x29e: {  	[hbm4b:s14+s4] =	stream.linear.scatter [tilespmem:s13], [sflag:$0x10], $0x2000, $0x38;
	[tilespmem:$0x14C00] =	vst v63  }
0x29f: {  	_ =	swait.ge [sflag:s8], $0x4000  }
0x2a0: {  	[sflag:s8] =	ssyncset.done $0x0  }
0x2a1: {  	[sflag:s8] =	ssyncadd.s32 $0xFFFFC000  }
0x2a2: {  	_ =	swait.ge [sflag:s9], $0x4000  }
0x2a3: {  	[sflag:s9] =	ssyncset.done $0x0  }
0x2a4: {  	[sflag:s9] =	ssyncadd.s32 $0xFFFFC000  }
0x2a5: {  	_ =	swait.ge [sflag:s10], $0x2000  }
0x2a6: {  	[sflag:s10] =	ssyncset.done $0x0  }
0x2a7: {  	[sflag:s10] =	ssyncadd.s32 $0xFFFFE000  }
0x2a8: {  	v3 =	vld [tilespmem:$0x140];
	_ =	sdelay $0x4  }
0x2a9: {  	v40 =	vshll.u32 v3, $0x1  }
0x2aa: {  	v3 =	vand.u32 $0x7, v3;
	v4 =	vand.u32 $0xFFFFFFF0, v40  }
0x2ab: {  	v3 =	vor.u32 v3, v4  }
0x2ac: {  	v4 =	vperm.xlane v3, v0;
	_ =	sdelay $0x1  }
0x2ad: {  	v3 =	vperm.xlane v3, v2;
	v4 =	vadd.s32 v1, v4;
	_ =	sdelay $0x1  }
0x2ae: {  	v3 =	vadd.s32 v1, v3;
	_ =	sdelay $0x2  }
0x2af: {  	[tilespmem:s5], [sflag:$0x8] =	stream.indirect_vreg.gather [hbm4b:s1+s4], $0x80, v4, vm0, $0xb8;
	[tilespmem:$0x14C00] =	vst v63  }
0x2b0: {  	s12 =	simm.s32 $0x5400  }
0x2b1: {  	[tilespmem:s12], [sflag:$0x8] =	stream.indirect_vreg.gather [hbm4b:s1+s4], $0x80, v3, vm0, $0xb8;
	[tilespmem:$0x14C00] =	vst v63  }
0x2b2: {  	v3 =	vld [tilespmem:$0x150];
	_ =	sdelay $0x4  }
0x2b3: {  	v41 =	vshll.u32 v3, $0x1  }
0x2b4: {  	v3 =	vand.u32 $0x7, v3;
	v4 =	vand.u32 $0xFFFFFFF0, v41  }
0x2b5: {  	v3 =	vor.u32 v3, v4  }
0x2b6: {  	v4 =	vperm.xlane v3, v0;
	_ =	sdelay $0x1  }
0x2b7: {  	v3 =	vperm.xlane v3, v2;
	v4 =	vadd.s32 v1, v4;
	_ =	sdelay $0x1  }
0x2b8: {  	v3 =	vadd.s32 v1, v3;
	_ =	sdelay $0x1  }
0x2b9: {  	s14 =	simm.s32 $0x5C00  }
0x2ba: {  	[tilespmem:s14], [sflag:$0x8] =	stream.indirect_vreg.gather [hbm4b:s1+s4], $0x80, v4, vm0, $0xb8;
	[tilespmem:$0x14C00] =	vst v63  }
0x2bb: {  	s12 =	simm.s32 $0x6400  }
0x2bc: {  	[tilespmem:s12], [sflag:$0x8] =	stream.indirect_vreg.gather [hbm4b:s1+s4], $0x80, v3, vm0, $0xb8;
	[tilespmem:$0x14C00] =	vst v63  }
0x2bd: {  	v3 =	vld [tilespmem:$0x160];
	_ =	sdelay $0x4  }
0x2be: {  	v42 =	vshll.u32 v3, $0x1  }
0x2bf: {  	v3 =	vand.u32 $0x7, v3;
	v4 =	vand.u32 $0xFFFFFFF0, v42  }
0x2c0: {  	v3 =	vor.u32 v3, v4  }
0x2c1: {  	v4 =	vperm.xlane v3, v0;
	_ =	sdelay $0x1  }
0x2c2: {  	v3 =	vperm.xlane v3, v2;
	v4 =	vadd.s32 v1, v4;
	_ =	sdelay $0x1  }
0x2c3: {  	v3 =	vadd.s32 v1, v3;
	_ =	sdelay $0x1  }
0x2c4: {  	s14 =	simm.s32 $0x6C00  }
0x2c5: {  	[tilespmem:s14], [sflag:$0x8] =	stream.indirect_vreg.gather [hbm4b:s1+s4], $0x80, v4, vm0, $0xb8;
	[tilespmem:$0x14C00] =	vst v63  }
0x2c6: {  	s12 =	simm.s32 $0x7400  }
0x2c7: {  	[tilespmem:s12], [sflag:$0x8] =	stream.indirect_vreg.gather [hbm4b:s1+s4], $0x80, v3, vm0, $0xb8;
	[tilespmem:$0x14C00] =	vst v63  }
0x2c8: {  	v3 =	vld [tilespmem:$0x170];
	_ =	sdelay $0x4  }
0x2c9: {  	v43 =	vshll.u32 v3, $0x1  }
0x2ca: {  	v3 =	vand.u32 $0x7, v3;
	v4 =	vand.u32 $0xFFFFFFF0, v43  }
0x2cb: {  	v3 =	vor.u32 v3, v4  }
0x2cc: {  	v4 =	vperm.xlane v3, v0;
	_ =	sdelay $0x1  }
0x2cd: {  	v3 =	vperm.xlane v3, v2;
	v4 =	vadd.s32 v1, v4;
	_ =	sdelay $0x1  }
0x2ce: {  	v3 =	vadd.s32 v1, v3;
	_ =	sdelay $0x1  }
0x2cf: {  	s14 =	simm.s32 $0x7C00  }
0x2d0: {  	[tilespmem:s14], [sflag:$0x8] =	stream.indirect_vreg.gather [hbm4b:s1+s4], $0x80, v4, vm0, $0xb8;
	[tilespmem:$0x14C00] =	vst v63  }
0x2d1: {  	s12 =	simm.s32 $0x8400  }
0x2d2: {  	[tilespmem:s12], [sflag:$0x8] =	stream.indirect_vreg.gather [hbm4b:s1+s4], $0x80, v3, vm0, $0xb8;
	[tilespmem:$0x14C00] =	vst v63  }
0x2d3: {  	v3 =	vld [tilespmem:$0xB40];
	_ =	sdelay $0x4  }
0x2d4: {  	v44 =	vshll.u32 v3, $0x1  }
0x2d5: {  	v3 =	vand.u32 $0x7, v3;
	v4 =	vand.u32 $0xFFFFFFF0, v44  }
0x2d6: {  	v3 =	vor.u32 v3, v4  }
0x2d7: {  	v4 =	vperm.xlane v3, v0;
	_ =	sdelay $0x1  }
0x2d8: {  	v3 =	vperm.xlane v3, v2;
	v4 =	vadd.s32 v1, v4;
	_ =	sdelay $0x1  }
0x2d9: {  	v3 =	vadd.s32 v1, v3;
	_ =	sdelay $0x2  }
0x2da: {  	[tilespmem:s28], [sflag:$0x9] =	stream.indirect_vreg.gather [hbm4b:s1+s4], $0x80, v4, vm0, $0xb8;
	[tilespmem:$0x14C00] =	vst v63  }
0x2db: {  	s14 =	simm.s32 $0xD400  }
0x2dc: {  	[tilespmem:s14], [sflag:$0x9] =	stream.indirect_vreg.gather [hbm4b:s1+s4], $0x80, v3, vm0, $0xb8;
	[tilespmem:$0x14C00] =	vst v63  }
0x2dd: {  	v3 =	vld [tilespmem:$0xB50];
	_ =	sdelay $0x4  }
0x2de: {  	v45 =	vshll.u32 v3, $0x1  }
0x2df: {  	v3 =	vand.u32 $0x7, v3;
	v4 =	vand.u32 $0xFFFFFFF0, v45  }
0x2e0: {  	v3 =	vor.u32 v3, v4  }
0x2e1: {  	v4 =	vperm.xlane v3, v0;
	_ =	sdelay $0x1  }
0x2e2: {  	v3 =	vperm.xlane v3, v2;
	v4 =	vadd.s32 v1, v4;
	_ =	sdelay $0x1  }
0x2e3: {  	v3 =	vadd.s32 v1, v3;
	_ =	sdelay $0x1  }
0x2e4: {  	s12 =	simm.s32 $0xDC00  }
0x2e5: {  	[tilespmem:s12], [sflag:$0x9] =	stream.indirect_vreg.gather [hbm4b:s1+s4], $0x80, v4, vm0, $0xb8;
	[tilespmem:$0x14C00] =	vst v63  }
0x2e6: {  	s14 =	simm.s32 $0xE400  }
0x2e7: {  	[tilespmem:s14], [sflag:$0x9] =	stream.indirect_vreg.gather [hbm4b:s1+s4], $0x80, v3, vm0, $0xb8;
	[tilespmem:$0x14C00] =	vst v63  }
0x2e8: {  	v3 =	vld [tilespmem:$0xB60];
	_ =	sdelay $0x4  }
0x2e9: {  	v46 =	vshll.u32 v3, $0x1  }
0x2ea: {  	v3 =	vand.u32 $0x7, v3;
	v4 =	vand.u32 $0xFFFFFFF0, v46  }
0x2eb: {  	v3 =	vor.u32 v3, v4  }
0x2ec: {  	v4 =	vperm.xlane v3, v0;
	_ =	sdelay $0x1  }
0x2ed: {  	v3 =	vperm.xlane v3, v2;
	v4 =	vadd.s32 v1, v4;
	_ =	sdelay $0x1  }
0x2ee: {  	v3 =	vadd.s32 v1, v3;
	_ =	sdelay $0x1  }
0x2ef: {  	s12 =	simm.s32 $0xEC00  }
0x2f0: {  	[tilespmem:s12], [sflag:$0x9] =	stream.indirect_vreg.gather [hbm4b:s1+s4], $0x80, v4, vm0, $0xb8;
	[tilespmem:$0x14C00] =	vst v63  }
0x2f1: {  	s14 =	simm.s32 $0xF400  }
0x2f2: {  	[tilespmem:s14], [sflag:$0x9] =	stream.indirect_vreg.gather [hbm4b:s1+s4], $0x80, v3, vm0, $0xb8;
	[tilespmem:$0x14C00] =	vst v63  }
0x2f3: {  	v3 =	vld [tilespmem:$0xB70];
	_ =	sdelay $0x4  }
0x2f4: {  	v47 =	vshll.u32 v3, $0x1  }
0x2f5: {  	v3 =	vand.u32 $0x7, v3;
	v4 =	vand.u32 $0xFFFFFFF0, v47  }
0x2f6: {  	v3 =	vor.u32 v3, v4  }
0x2f7: {  	v4 =	vperm.xlane v3, v0;
	_ =	sdelay $0x1  }
0x2f8: {  	v3 =	vperm.xlane v3, v2;
	v4 =	vadd.s32 v1, v4;
	_ =	sdelay $0x1  }
0x2f9: {  	v3 =	vadd.s32 v1, v3;
	_ =	sdelay $0x1  }
0x2fa: {  	s12 =	simm.s32 $0xFC00  }
0x2fb: {  	[tilespmem:s12], [sflag:$0x9] =	stream.indirect_vreg.gather [hbm4b:s1+s4], $0x80, v4, vm0, $0xb8;
	[tilespmem:$0x14C00] =	vst v63  }
0x2fc: {  	s11 =	sld [smem:$0x7FB];
	s14 =	simm.s32 $0x10400  }
0x2fd: {  	[tilespmem:s14], [sflag:$0x9] =	stream.indirect_vreg.gather [hbm4b:s1+s4], $0x80, v3, vm0, $0xb8;
	[tilespmem:$0x14C00] =	vst v63  }
0x2fe: {  	s3 =	simm.s32 $0x40  }
0x2ff: {  	[tilespmem:s13], [sflag:$0xA] =	stream.indirect.gather [hbm4b:s19+s3], $0x80, s11, s3, $0xb8;
	[tilespmem:$0x14C00] =	vst v63  }
0x300: {  	_ =	swait.ge [sflag:s21], $0x4000  }
0x301: {  	[sflag:s21] =	ssyncset.done $0x0  }
0x302: {  	[sflag:s21] =	ssyncadd.s32 $0xFFFFC000  }
0x303: {  	_ =	swait.ge [sflag:s22], $0x4000  }
0x304: {  	[sflag:s22] =	ssyncset.done $0x0  }
0x305: {  	[sflag:s22] =	ssyncadd.s32 $0xFFFFC000  }
0x306: {  	_ =	swait.ge [sflag:s23], $0x2000  }
0x307: {  	[sflag:s23] =	ssyncset.done $0x0  }
0x308: {  	s13 =	simm.s32 $0xC00;
	s11 =	rddreg [dreg:$0x1a];
	[sflag:s23] =	ssyncadd.s32 $0xFFFFE000  }
0x309: {  	[hbm4b:s11+s4] =	stream.linear.scatter [tilespmem:s13], [sflag:$0xB], $0x4000, $0x38;
	[tilespmem:$0x14C00] =	vst v63  }
0x30a: {  	s15 =	simm.s32 $0x8C00;
	s12 =	rddreg [dreg:$0x1b]  }
0x30b: {  	[hbm4b:s12+s4] =	stream.linear.scatter [tilespmem:s15], [sflag:$0xC], $0x4000, $0x38;
	[tilespmem:$0x14C00] =	vst v63  }
0x30c: {  	s11 =	rddreg [dreg:$0x1c];
	s12 =	simm.s32 $0x10C00  }
0x30d: {  	[hbm4b:s11+s4] =	stream.linear.scatter [tilespmem:s12], [sflag:$0xD], $0x2000, $0x38;
	[tilespmem:$0x14C00] =	vst v63  }
0x30e: {  	_ =	swait.ge [sflag:s24], $0x4000  }
0x30f: {  	[sflag:s24] =	ssyncset.done $0x0  }
0x310: {  	[sflag:s24] =	ssyncadd.s32 $0xFFFFC000  }
0x311: {  	_ =	swait.ge [sflag:s25], $0x4000  }
0x312: {  	[sflag:s25] =	ssyncset.done $0x0  }
0x313: {  	[sflag:s25] =	ssyncadd.s32 $0xFFFFC000  }
0x314: {  	_ =	swait.ge [sflag:s30], $0x2000  }
0x315: {  	[sflag:s30] =	ssyncset.done $0x0  }
0x316: {  	[sflag:s30] =	ssyncadd.s32 $0xFFFFE000  }
0x317: {  	v3 =	vld [tilespmem:$0x180];
	_ =	sdelay $0x4  }
0x318: {  	v48 =	vshll.u32 v3, $0x1  }
0x319: {  	v3 =	vand.u32 $0x7, v3;
	v4 =	vand.u32 $0xFFFFFFF0, v48  }
0x31a: {  	v3 =	vor.u32 v3, v4  }
0x31b: {  	v4 =	vperm.xlane v3, v0;
	_ =	sdelay $0x1  }
0x31c: {  	v3 =	vperm.xlane v3, v2;
	v4 =	vadd.s32 v1, v4;
	_ =	sdelay $0x1  }
0x31d: {  	v3 =	vadd.s32 v1, v3;
	_ =	sdelay $0x2  }
0x31e: {  	[tilespmem:s13], [sflag:$0x5] =	stream.indirect_vreg.gather [hbm4b:s1+s4], $0x80, v4, vm0, $0xb8;
	[tilespmem:$0x14C00] =	vst v63  }
0x31f: {  	s0 =	simm.s32 $0x1400  }
0x320: {  	[tilespmem:s0], [sflag:$0x5] =	stream.indirect_vreg.gather [hbm4b:s1+s4], $0x80, v3, vm0, $0xb8;
	[tilespmem:$0x14C00] =	vst v63  }
0x321: {  	v3 =	vld [tilespmem:$0x190];
	_ =	sdelay $0x4  }
0x322: {  	v49 =	vshll.u32 v3, $0x1  }
0x323: {  	v3 =	vand.u32 $0x7, v3;
	v4 =	vand.u32 $0xFFFFFFF0, v49  }
0x324: {  	v3 =	vor.u32 v3, v4  }
0x325: {  	v4 =	vperm.xlane v3, v0;
	_ =	sdelay $0x1  }
0x326: {  	v3 =	vperm.xlane v3, v2;
	v4 =	vadd.s32 v1, v4;
	_ =	sdelay $0x1  }
0x327: {  	v3 =	vadd.s32 v1, v3;
	_ =	sdelay $0x1  }
0x328: {  	s11 =	simm.s32 $0x1C00  }
0x329: {  	[tilespmem:s11], [sflag:$0x5] =	stream.indirect_vreg.gather [hbm4b:s1+s4], $0x80, v4, vm0, $0xb8;
	[tilespmem:$0x14C00] =	vst v63  }
0x32a: {  	s29 =	simm.s32 $0x2400  }
0x32b: {  	[tilespmem:s29], [sflag:$0x5] =	stream.indirect_vreg.gather [hbm4b:s1+s4], $0x80, v3, vm0, $0xb8;
	[tilespmem:$0x14C00] =	vst v63  }
0x32c: {  	v3 =	vld [tilespmem:$0x1A0];
	_ =	sdelay $0x4  }
0x32d: {  	v50 =	vshll.u32 v3, $0x1  }
0x32e: {  	v3 =	vand.u32 $0x7, v3;
	v4 =	vand.u32 $0xFFFFFFF0, v50  }
0x32f: {  	v3 =	vor.u32 v3, v4  }
0x330: {  	v4 =	vperm.xlane v3, v0;
	_ =	sdelay $0x1  }
0x331: {  	v3 =	vperm.xlane v3, v2;
	v4 =	vadd.s32 v1, v4;
	_ =	sdelay $0x1  }
0x332: {  	v3 =	vadd.s32 v1, v3;
	_ =	sdelay $0x1  }
0x333: {  	s16 =	simm.s32 $0x2C00  }
0x334: {  	[tilespmem:s16], [sflag:$0x5] =	stream.indirect_vreg.gather [hbm4b:s1+s4], $0x80, v4, vm0, $0xb8;
	[tilespmem:$0x14C00] =	vst v63  }
0x335: {  	s16 =	simm.s32 $0x3400  }
0x336: {  	[tilespmem:s16], [sflag:$0x5] =	stream.indirect_vreg.gather [hbm4b:s1+s4], $0x80, v3, vm0, $0xb8;
	[tilespmem:$0x14C00] =	vst v63  }
0x337: {  	v3 =	vld [tilespmem:$0x1B0];
	_ =	sdelay $0x4  }
0x338: {  	v51 =	vshll.u32 v3, $0x1  }
0x339: {  	v3 =	vand.u32 $0x7, v3;
	v4 =	vand.u32 $0xFFFFFFF0, v51  }
0x33a: {  	v3 =	vor.u32 v3, v4  }
0x33b: {  	v4 =	vperm.xlane v3, v0;
	_ =	sdelay $0x1  }
0x33c: {  	v3 =	vperm.xlane v3, v2;
	v4 =	vadd.s32 v1, v4;
	_ =	sdelay $0x1  }
0x33d: {  	v3 =	vadd.s32 v1, v3;
	_ =	sdelay $0x1  }
0x33e: {  	s17 =	simm.s32 $0x3C00  }
0x33f: {  	[tilespmem:s17], [sflag:$0x5] =	stream.indirect_vreg.gather [hbm4b:s1+s4], $0x80, v4, vm0, $0xb8;
	[tilespmem:$0x14C00] =	vst v63  }
0x340: {  	s29 =	simm.s32 $0x4400  }
0x341: {  	[tilespmem:s29], [sflag:$0x5] =	stream.indirect_vreg.gather [hbm4b:s1+s4], $0x80, v3, vm0, $0xb8;
	[tilespmem:$0x14C00] =	vst v63  }
0x342: {  	v3 =	vld [tilespmem:$0xB80];
	_ =	sdelay $0x4  }
0x343: {  	v52 =	vshll.u32 v3, $0x1  }
0x344: {  	v3 =	vand.u32 $0x7, v3;
	v4 =	vand.u32 $0xFFFFFFF0, v52  }
0x345: {  	v3 =	vor.u32 v3, v4  }
0x346: {  	v4 =	vperm.xlane v3, v0;
	_ =	sdelay $0x1  }
0x347: {  	v3 =	vperm.xlane v3, v2;
	v4 =	vadd.s32 v1, v4;
	_ =	sdelay $0x1  }
0x348: {  	v3 =	vadd.s32 v1, v3;
	_ =	sdelay $0x2  }
0x349: {  	[tilespmem:s15], [sflag:$0x6] =	stream.indirect_vreg.gather [hbm4b:s1+s4], $0x80, v4, vm0, $0xb8;
	[tilespmem:$0x14C00] =	vst v63  }
0x34a: {  	s2 =	simm.s32 $0x9400  }
0x34b: {  	[tilespmem:s2], [sflag:$0x6] =	stream.indirect_vreg.gather [hbm4b:s1+s4], $0x80, v3, vm0, $0xb8;
	[tilespmem:$0x14C00] =	vst v63  }
0x34c: {  	v3 =	vld [tilespmem:$0xB90];
	_ =	sdelay $0x4  }
0x34d: {  	v53 =	vshll.u32 v3, $0x1  }
0x34e: {  	v3 =	vand.u32 $0x7, v3;
	v4 =	vand.u32 $0xFFFFFFF0, v53  }
0x34f: {  	v3 =	vor.u32 v3, v4  }
0x350: {  	v4 =	vperm.xlane v3, v0;
	_ =	sdelay $0x1  }
0x351: {  	v3 =	vperm.xlane v3, v2;
	v4 =	vadd.s32 v1, v4;
	_ =	sdelay $0x1  }
0x352: {  	v3 =	vadd.s32 v1, v3;
	_ =	sdelay $0x1  }
0x353: {  	s20 =	simm.s32 $0x9C00  }
0x354: {  	[tilespmem:s20], [sflag:$0x6] =	stream.indirect_vreg.gather [hbm4b:s1+s4], $0x80, v4, vm0, $0xb8;
	[tilespmem:$0x14C00] =	vst v63  }
0x355: {  	s11 =	simm.s32 $0xA400  }
0x356: {  	[tilespmem:s11], [sflag:$0x6] =	stream.indirect_vreg.gather [hbm4b:s1+s4], $0x80, v3, vm0, $0xb8;
	[tilespmem:$0x14C00] =	vst v63  }
0x357: {  	v3 =	vld [tilespmem:$0xBA0];
	_ =	sdelay $0x4  }
0x358: {  	v54 =	vshll.u32 v3, $0x1  }
0x359: {  	v3 =	vand.u32 $0x7, v3;
	v4 =	vand.u32 $0xFFFFFFF0, v54  }
0x35a: {  	v3 =	vor.u32 v3, v4  }
0x35b: {  	v4 =	vperm.xlane v3, v0;
	_ =	sdelay $0x1  }
0x35c: {  	v3 =	vperm.xlane v3, v2;
	v4 =	vadd.s32 v1, v4;
	_ =	sdelay $0x1  }
0x35d: {  	v3 =	vadd.s32 v1, v3;
	_ =	sdelay $0x1  }
0x35e: {  	s18 =	simm.s32 $0xAC00  }
0x35f: {  	[tilespmem:s18], [sflag:$0x6] =	stream.indirect_vreg.gather [hbm4b:s1+s4], $0x80, v4, vm0, $0xb8;
	[tilespmem:$0x14C00] =	vst v63  }
0x360: {  	s16 =	simm.s32 $0xB400  }
0x361: {  	[tilespmem:s16], [sflag:$0x6] =	stream.indirect_vreg.gather [hbm4b:s1+s4], $0x80, v3, vm0, $0xb8;
	[tilespmem:$0x14C00] =	vst v63  }
0x362: {  	v3 =	vld [tilespmem:$0xBB0];
	_ =	sdelay $0x4  }
0x363: {  	v55 =	vshll.u32 v3, $0x1  }
0x364: {  	v3 =	vand.u32 $0x7, v3;
	v4 =	vand.u32 $0xFFFFFFF0, v55  }
0x365: {  	v3 =	vor.u32 v3, v4  }
0x366: {  	v4 =	vperm.xlane v3, v0;
	_ =	sdelay $0x1  }
0x367: {  	v3 =	vperm.xlane v3, v2;
	v4 =	vadd.s32 v1, v4;
	_ =	sdelay $0x1  }
0x368: {  	v3 =	vadd.s32 v1, v3;
	_ =	sdelay $0x1  }
0x369: {  	s26 =	simm.s32 $0xBC00  }
0x36a: {  	[tilespmem:s26], [sflag:$0x6] =	stream.indirect_vreg.gather [hbm4b:s1+s4], $0x80, v4, vm0, $0xb8;
	[tilespmem:$0x14C00] =	vst v63  }
0x36b: {  	s17 =	sld [smem:$0x7FC];
	s18 =	simm.s32 $0xC400  }
0x36c: {  	[tilespmem:s18], [sflag:$0x6] =	stream.indirect_vreg.gather [hbm4b:s1+s4], $0x80, v3, vm0, $0xb8;
	[tilespmem:$0x14C00] =	vst v63  }
0x36d: {  	_ = 	snop  }
0x36e: {  	[tilespmem:s12], [sflag:$0x7] =	stream.indirect.gather [hbm4b:s19+s3], $0x80, s17, s3, $0xb8;
	[tilespmem:$0x14C00] =	vst v63  }
0x36f: {  	_ =	swait.ge [sflag:s31], $0x4000  }
0x370: {  	[sflag:s31] =	ssyncset.done $0x0  }
0x371: {  	[sflag:s31] =	ssyncadd.s32 $0xFFFFC000  }
0x372: {  	_ =	swait.ge [sflag:s6], $0x4000  }
0x373: {  	[sflag:s6] =	ssyncset.done $0x0  }
0x374: {  	[sflag:s6] =	ssyncadd.s32 $0xFFFFC000  }
0x375: {  	_ =	swait.ge [sflag:s7], $0x2000  }
0x376: {  	[sflag:s7] =	ssyncset.done $0x0  }
0x377: {  	s5 =	simm.s32 $0x4C00;
	s20 =	rddreg [dreg:$0x1d];
	[sflag:s7] =	ssyncadd.s32 $0xFFFFE000  }
0x378: {  	[hbm4b:s20+s4] =	stream.linear.scatter [tilespmem:s5], [sflag:$0xE], $0x4000, $0x38;
	[tilespmem:$0x14C00] =	vst v63  }
0x379: {  	s26 =	rddreg [dreg:$0x1e]  }
0x37a: {  	[hbm4b:s26+s4] =	stream.linear.scatter [tilespmem:s28], [sflag:$0xF], $0x4000, $0x38;
	[tilespmem:$0x14C00] =	vst v63  }
0x37b: {  	s0 =	simm.s32 $0x12C00;
	s29 =	rddreg [dreg:$0x1f]  }
0x37c: {  	[hbm4b:s29+s4] =	stream.linear.scatter [tilespmem:s0], [sflag:$0x10], $0x2000, $0x38;
	[tilespmem:$0x14C00] =	vst v63  }
0x37d: {  	_ =	swait.ge [sflag:s8], $0x4000  }
0x37e: {  	[sflag:s8] =	ssyncset.done $0x0  }
0x37f: {  	[sflag:s8] =	ssyncadd.s32 $0xFFFFC000  }
0x380: {  	_ =	swait.ge [sflag:s9], $0x4000  }
0x381: {  	[sflag:s9] =	ssyncset.done $0x0  }
0x382: {  	[sflag:s9] =	ssyncadd.s32 $0xFFFFC000  }
0x383: {  	_ =	swait.ge [sflag:s10], $0x2000  }
0x384: {  	[sflag:s10] =	ssyncset.done $0x0  }
0x385: {  	[sflag:s10] =	ssyncadd.s32 $0xFFFFE000  }
0x386: {  	v3 =	vld [tilespmem:$0x1C0];
	_ =	sdelay $0x4  }
0x387: {  	v56 =	vshll.u32 v3, $0x1  }
0x388: {  	v3 =	vand.u32 $0x7, v3;
	v4 =	vand.u32 $0xFFFFFFF0, v56  }
0x389: {  	v3 =	vor.u32 v3, v4  }
0x38a: {  	v4 =	vperm.xlane v3, v0;
	_ =	sdelay $0x1  }
0x38b: {  	v3 =	vperm.xlane v3, v2;
	v4 =	vadd.s32 v1, v4;
	_ =	sdelay $0x1  }
0x38c: {  	v3 =	vadd.s32 v1, v3;
	_ =	sdelay $0x2  }
0x38d: {  	[tilespmem:s5], [sflag:$0x8] =	stream.indirect_vreg.gather [hbm4b:s1+s4], $0x80, v4, vm0, $0xb8;
	[tilespmem:$0x14C00] =	vst v63  }
0x38e: {  	s12 =	simm.s32 $0x5400  }
0x38f: {  	[tilespmem:s12], [sflag:$0x8] =	stream.indirect_vreg.gather [hbm4b:s1+s4], $0x80, v3, vm0, $0xb8;
	[tilespmem:$0x14C00] =	vst v63  }
0x390: {  	v3 =	vld [tilespmem:$0x1D0];
	_ =	sdelay $0x4  }
0x391: {  	v57 =	vshll.u32 v3, $0x1  }
0x392: {  	v3 =	vand.u32 $0x7, v3;
	v4 =	vand.u32 $0xFFFFFFF0, v57  }
0x393: {  	v3 =	vor.u32 v3, v4  }
0x394: {  	v4 =	vperm.xlane v3, v0;
	_ =	sdelay $0x1  }
0x395: {  	v3 =	vperm.xlane v3, v2;
	v4 =	vadd.s32 v1, v4;
	_ =	sdelay $0x1  }
0x396: {  	v3 =	vadd.s32 v1, v3;
	_ =	sdelay $0x1  }
0x397: {  	s16 =	simm.s32 $0x5C00  }
0x398: {  	[tilespmem:s16], [sflag:$0x8] =	stream.indirect_vreg.gather [hbm4b:s1+s4], $0x80, v4, vm0, $0xb8;
	[tilespmem:$0x14C00] =	vst v63  }
0x399: {  	s17 =	simm.s32 $0x6400  }
0x39a: {  	[tilespmem:s17], [sflag:$0x8] =	stream.indirect_vreg.gather [hbm4b:s1+s4], $0x80, v3, vm0, $0xb8;
	[tilespmem:$0x14C00] =	vst v63  }
0x39b: {  	v3 =	vld [tilespmem:$0x1E0];
	_ =	sdelay $0x4  }
0x39c: {  	v58 =	vshll.u32 v3, $0x1  }
0x39d: {  	v3 =	vand.u32 $0x7, v3;
	v4 =	vand.u32 $0xFFFFFFF0, v58  }
0x39e: {  	v3 =	vor.u32 v3, v4  }
0x39f: {  	v4 =	vperm.xlane v3, v0;
	_ =	sdelay $0x1  }
0x3a0: {  	v3 =	vperm.xlane v3, v2;
	v4 =	vadd.s32 v1, v4;
	_ =	sdelay $0x1  }
0x3a1: {  	v3 =	vadd.s32 v1, v3;
	_ =	sdelay $0x1  }
0x3a2: {  	s18 =	simm.s32 $0x6C00  }
0x3a3: {  	[tilespmem:s18], [sflag:$0x8] =	stream.indirect_vreg.gather [hbm4b:s1+s4], $0x80, v4, vm0, $0xb8;
	[tilespmem:$0x14C00] =	vst v63  }
0x3a4: {  	s20 =	simm.s32 $0x7400  }
0x3a5: {  	[tilespmem:s20], [sflag:$0x8] =	stream.indirect_vreg.gather [hbm4b:s1+s4], $0x80, v3, vm0, $0xb8;
	[tilespmem:$0x14C00] =	vst v63  }
0x3a6: {  	v3 =	vld [tilespmem:$0x1F0];
	_ =	sdelay $0x4  }
0x3a7: {  	v59 =	vshll.u32 v3, $0x1  }
0x3a8: {  	v3 =	vand.u32 $0x7, v3;
	v4 =	vand.u32 $0xFFFFFFF0, v59  }
0x3a9: {  	v3 =	vor.u32 v3, v4  }
0x3aa: {  	v4 =	vperm.xlane v3, v0;
	_ =	sdelay $0x1  }
0x3ab: {  	v3 =	vperm.xlane v3, v2;
	v4 =	vadd.s32 v1, v4;
	_ =	sdelay $0x1  }
0x3ac: {  	v3 =	vadd.s32 v1, v3;
	_ =	sdelay $0x1  }
0x3ad: {  	s26 =	simm.s32 $0x7C00  }
0x3ae: {  	[tilespmem:s26], [sflag:$0x8] =	stream.indirect_vreg.gather [hbm4b:s1+s4], $0x80, v4, vm0, $0xb8;
	[tilespmem:$0x14C00] =	vst v63  }
0x3af: {  	s29 =	simm.s32 $0x8400  }
0x3b0: {  	[tilespmem:s29], [sflag:$0x8] =	stream.indirect_vreg.gather [hbm4b:s1+s4], $0x80, v3, vm0, $0xb8;
	[tilespmem:$0x14C00] =	vst v63  }
0x3b1: {  	v3 =	vld [tilespmem:$0xBC0];
	_ =	sdelay $0x4  }
0x3b2: {  	v60 =	vshll.u32 v3, $0x1  }
0x3b3: {  	v3 =	vand.u32 $0x7, v3;
	v4 =	vand.u32 $0xFFFFFFF0, v60  }
0x3b4: {  	v3 =	vor.u32 v3, v4  }
0x3b5: {  	v4 =	vperm.xlane v3, v0;
	_ =	sdelay $0x1  }
0x3b6: {  	v3 =	vperm.xlane v3, v2;
	v4 =	vadd.s32 v1, v4;
	_ =	sdelay $0x1  }
0x3b7: {  	v3 =	vadd.s32 v1, v3;
	_ =	sdelay $0x2  }
0x3b8: {  	[tilespmem:s28], [sflag:$0x9] =	stream.indirect_vreg.gather [hbm4b:s1+s4], $0x80, v4, vm0, $0xb8;
	[tilespmem:$0x14C00] =	vst v63  }
0x3b9: {  	s12 =	simm.s32 $0xD400  }
0x3ba: {  	[tilespmem:s12], [sflag:$0x9] =	stream.indirect_vreg.gather [hbm4b:s1+s4], $0x80, v3, vm0, $0xb8;
	[tilespmem:$0x14C00] =	vst v63  }
0x3bb: {  	v3 =	vld [tilespmem:$0xBD0];
	_ =	sdelay $0x4  }
0x3bc: {  	v61 =	vshll.u32 v3, $0x1  }
0x3bd: {  	v3 =	vand.u32 $0x7, v3;
	v4 =	vand.u32 $0xFFFFFFF0, v61  }
0x3be: {  	v3 =	vor.u32 v3, v4  }
0x3bf: {  	v4 =	vperm.xlane v3, v0;
	_ =	sdelay $0x1  }
0x3c0: {  	v3 =	vperm.xlane v3, v2;
	v4 =	vadd.s32 v1, v4;
	_ =	sdelay $0x1  }
0x3c1: {  	v3 =	vadd.s32 v1, v3;
	_ =	sdelay $0x1  }
0x3c2: {  	s16 =	simm.s32 $0xDC00  }
0x3c3: {  	[tilespmem:s16], [sflag:$0x9] =	stream.indirect_vreg.gather [hbm4b:s1+s4], $0x80, v4, vm0, $0xb8;
	[tilespmem:$0x14C00] =	vst v63  }
0x3c4: {  	s17 =	simm.s32 $0xE400  }
0x3c5: {  	[tilespmem:s17], [sflag:$0x9] =	stream.indirect_vreg.gather [hbm4b:s1+s4], $0x80, v3, vm0, $0xb8;
	[tilespmem:$0x14C00] =	vst v63  }
0x3c6: {  	v3 =	vld [tilespmem:$0xBE0];
	_ =	sdelay $0x4  }
0x3c7: {  	v62 =	vshll.u32 v3, $0x1  }
0x3c8: {  	v3 =	vand.u32 $0x7, v3;
	v4 =	vand.u32 $0xFFFFFFF0, v62  }
0x3c9: {  	v3 =	vor.u32 v3, v4  }
0x3ca: {  	v4 =	vperm.xlane v3, v0;
	_ =	sdelay $0x1  }
0x3cb: {  	v3 =	vperm.xlane v3, v2;
	v4 =	vadd.s32 v1, v4;
	_ =	sdelay $0x1  }
0x3cc: {  	v3 =	vadd.s32 v1, v3;
	_ =	sdelay $0x1  }
0x3cd: {  	s18 =	simm.s32 $0xEC00  }
0x3ce: {  	[tilespmem:s18], [sflag:$0x9] =	stream.indirect_vreg.gather [hbm4b:s1+s4], $0x80, v4, vm0, $0xb8;
	[tilespmem:$0x14C00] =	vst v63  }
0x3cf: {  	s20 =	simm.s32 $0xF400  }
0x3d0: {  	[tilespmem:s20], [sflag:$0x9] =	stream.indirect_vreg.gather [hbm4b:s1+s4], $0x80, v3, vm0, $0xb8;
	[tilespmem:$0x14C00] =	vst v63  }
0x3d1: {  	v3 =	vld [tilespmem:$0xBF0];
	_ =	sdelay $0x4  }
0x3d2: {  	v63 =	vshll.u32 v3, $0x1  }
0x3d3: {  	v3 =	vand.u32 $0x7, v3;
	v4 =	vand.u32 $0xFFFFFFF0, v63  }
0x3d4: {  	v3 =	vor.u32 v3, v4  }
0x3d5: {  	v4 =	vperm.xlane v3, v0;
	_ =	sdelay $0x1  }
0x3d6: {  	v3 =	vperm.xlane v3, v2;
	v4 =	vadd.s32 v1, v4;
	_ =	sdelay $0x1  }
0x3d7: {  	v3 =	vadd.s32 v1, v3;
	_ =	sdelay $0x1  }
0x3d8: {  	s26 =	simm.s32 $0xFC00  }
0x3d9: {  	[tilespmem:s26], [sflag:$0x9] =	stream.indirect_vreg.gather [hbm4b:s1+s4], $0x80, v4, vm0, $0xb8;
	[tilespmem:$0x14C00] =	vst v63  }
0x3da: {  	s14 =	simm.s32 $0x10400;
	s29 =	sld [smem:$0x7FD]  }
0x3db: {  	[tilespmem:s14], [sflag:$0x9] =	stream.indirect_vreg.gather [hbm4b:s1+s4], $0x80, v3, vm0, $0xb8;
	[tilespmem:$0x14C00] =	vst v63  }
0x3dc: {  	_ = 	snop  }
0x3dd: {  	[tilespmem:s0], [sflag:$0xA] =	stream.indirect.gather [hbm4b:s19+s3], $0x80, s29, s3, $0xb8;
	[tilespmem:$0x14C00] =	vst v63  }
0x3de: {  	s14 =	sld [smem:$0x7EE];
	_ =	swait.ge [sflag:s21], $0x4000  }
0x3df: {  	[sflag:s21] =	ssyncset.done $0x0  }
0x3e0: {  	[sflag:s21] =	ssyncadd.s32 $0xFFFFC000  }
0x3e1: {  	_ =	swait.ge [sflag:s22], $0x4000  }
0x3e2: {  	[sflag:s22] =	ssyncset.done $0x0  }
0x3e3: {  	[sflag:s22] =	ssyncadd.s32 $0xFFFFC000  }
0x3e4: {  	_ =	swait.ge [sflag:s23], $0x2000  }
0x3e5: {  	s16 =	sld [smem:$0x7EF]  }
0x3e6: {  	[sflag:s23] =	ssyncset.done $0x0  }
0x3e7: {  	s13 =	simm.s32 $0xC00;
	s17 =	sld [smem:$0x7F0];
	[sflag:s23] =	ssyncadd.s32 $0xFFFFE000  }
0x3e8: {  	[hbm4b:s16+s4] =	stream.linear.scatter [tilespmem:s13], [sflag:$0xB], $0x4000, $0x38;
	[tilespmem:$0x14C00] =	vst v63  }
0x3e9: {  	s18 =	sld [smem:$0x7F1]  }
0x3ea: {  	[hbm4b:s17+s4] =	stream.linear.scatter [tilespmem:s15], [sflag:$0xC], $0x4000, $0x38;
	[tilespmem:$0x14C00] =	vst v63  }
0x3eb: {  	s2 =	simm.s32 $0x10C00  }
0x3ec: {  	[hbm4b:s18+s4] =	stream.linear.scatter [tilespmem:s2], [sflag:$0xD], $0x2000, $0x38;
	[tilespmem:$0x14C00] =	vst v63  }
0x3ed: {  	_ =	swait.ge [sflag:s31], $0x4000  }
0x3ee: {  	[sflag:s31] =	ssyncset.done $0x0  }
0x3ef: {  	[sflag:s31] =	ssyncadd.s32 $0xFFFFC000  }
0x3f0: {  	_ =	swait.ge [sflag:s6], $0x4000  }
0x3f1: {  	[sflag:s6] =	ssyncset.done $0x0  }
0x3f2: {  	[sflag:s6] =	ssyncadd.s32 $0xFFFFC000  }
0x3f3: {  	_ =	swait.ge [sflag:s7], $0x2000  }
0x3f4: {  	s19 =	sld [smem:$0x7F2]  }
0x3f5: {  	[sflag:s7] =	ssyncset.done $0x0  }
0x3f6: {  	s20 =	sld [smem:$0x7F3];
	[sflag:s7] =	ssyncadd.s32 $0xFFFFE000  }
0x3f7: {  	[hbm4b:s19+s4] =	stream.linear.scatter [tilespmem:s5], [sflag:$0xE], $0x4000, $0x38;
	[tilespmem:$0x14C00] =	vst v63  }
0x3f8: {  	s26 =	sld [smem:$0x7F4]  }
0x3f9: {  	[hbm4b:s20+s4] =	stream.linear.scatter [tilespmem:s28], [sflag:$0xF], $0x4000, $0x38;
	[tilespmem:$0x14C00] =	vst v63  }
0x3fa: {  	s3 =	simm.s32 $0x12C00  }
0x3fb: {  	[hbm4b:s26+s4] =	stream.linear.scatter [tilespmem:s3], [sflag:$0x10], $0x2000, $0x38;
	[tilespmem:$0x14C00] =	vst v63  }
0x3fc: {  	_ =	swait.ge [sflag:s24], $0x4000  }
0x3fd: {  	[sflag:s24] =	ssyncset.done $0x0  }
0x3fe: {  	[sflag:s24] =	ssyncadd.s32 $0xFFFFC000  }
0x3ff: {  	_ =	swait.ge [sflag:s25], $0x4000  }
0x400: {  	[sflag:s25] =	ssyncset.done $0x0  }
0x401: {  	[sflag:s25] =	ssyncadd.s32 $0xFFFFC000  }
0x402: {  	_ =	swait.ge [sflag:s30], $0x2000  }
0x403: {  	[sflag:s30] =	ssyncset.done $0x0  }
0x404: {  	[sflag:s30] =	ssyncadd.s32 $0xFFFFE000  }
0x405: {  	_ =	swait.ge [sflag:s8], $0x4000  }
0x406: {  	[sflag:s8] =	ssyncset.done $0x0  }
0x407: {  	[sflag:s8] =	ssyncadd.s32 $0xFFFFC000  }
0x408: {  	_ =	swait.ge [sflag:s9], $0x4000  }
0x409: {  	[sflag:s9] =	ssyncset.done $0x0  }
0x40a: {  	[sflag:s9] =	ssyncadd.s32 $0xFFFFC000  }
0x40b: {  	_ =	swait.ge [sflag:s10], $0x2000  }
0x40c: {  	[sflag:s10] =	ssyncset.done $0x0  }
0x40d: {  	s29 =	simm.s32 $0x4;
	[sflag:s10] =	ssyncadd.s32 $0xFFFFE000  }
0x40e: {  	_ =	swait.ge [sflag:s29], $0x200  }
0x40f: {  	[sflag:s29] =	ssyncset.done $0x0  }
0x410: {  	[sflag:s29] =	ssyncadd.s32 $0xFFFFFE00  }
0x411: {  	p0 =	sne.s32 s14, $0x1;
	_ =	swait.ge [sflag:s29], $0x200  }
.Ltmp0:
0x412: {  	[sflag:s29] =	ssyncset.done $0x0;
	(pc) =	sbr.rel @p0 .LBB2_1-.Ltmp0, $4  }
0x413: {  	[sflag:s29] =	ssyncadd.s32 $0xFFFFFE00  }
0x414: {  	_ =	swait.ge [sflag:s29], $0x200  }
0x415: {  	[sflag:s29] =	ssyncset.done $0x0  }
0x416: {  	s3 =	sadd.s32 $0xFFFFFFFF, s14;
	[sflag:s29] =	ssyncadd.s32 $0xFFFFFE00  }
0x417: {  	_ =	sfence.sel $0x180000  }
0x418: {  	[bflag:$0x0] =	sbarrier.arrive $0xFFFF  }
0x419: {  	_ =	strace $0x90000047  }
0x41a: {  	s0 =	stileid.u32;
	[bflag:$0x2] =	sbarrier.arrive $0xFFFF  }
0x41b: {  	p0 =	sne.s32 s0, $0x0;
	s0 =	rddreg [dreg:$0x6]  }
0x41c: {  	s0 =	sadd.s32 @!p0 $0x100000, s0  }
0x41d: {  	[sflag:s0] =	ssyncadd.tile.s32 @!p0 $0x1;
	_ =	shalt  }
.Lfunc_end2:
_tile_overlayer_lowered:
.L_overlay_start_2:
0x41e: {  	(tag) =	ssettag $0x2  }
0x41f: {  	s0 =	rddreg [dreg:$0x0];
	s2 =	stileid.u32  }
0x420: {  	s1 =	rddreg [dreg:$0x1];
	p0 =	sne.s32 s2, $0x0  }
0x421: {  	s3 =	rddreg [dreg:$0x2];
	[bflag:$0x3] =	sbarrier.arrive $0xFFFF;
	s2 =	simm.s32 @!p0 $0x1C11  }
0x422: {  	[timem:s3], [sflag:s2] =	dma.local @!p0 [hbm:s0], s1  }
0x423: {  	s0 =	simm.s32 @!p0 $0x11  }
0x424: {  	_ =	swait.ge @!p0 [sflag:s0], s1  }
0x425: {  	s1 =	ssub.s32 @!p0 $0x0, s1;
	[sflag:s0] =	ssyncset.done @!p0 $0x0  }
0x426: {  	[sflag:s0] =	ssyncadd.s32 @!p0 s1  }
0x427: {  	[bflag:$0x3] =	sbarrier.arrive $0xFFFF  }
0x428: {  	_ =	shalt  }

</sc_bundles>
